<compile_context>
chip_gen: v7x
topology: tpu7x:2x2x1
jax: 0.10.2.dev20260603
libtpu: 0.0.44.dev20260713+nightly
codegen_flags: <defaults>
</compile_context>

<pallas_src>
import functools

import jax
import jax.numpy as jnp
from jax import lax
from jax.experimental import pallas as pl
from jax.experimental.pallas import tpu as pltpu
from jax.experimental.pallas import tpu_sc as plsc

N = 10000
E = 320000
D = 128
G = 64
NC = 2
NS = 16
C = 128
TOTCH = 2560
NCH = TOTCH // (NC * NS)
NCHA = 120
NCHB = 40
IB = 40
E_PAD = TOTCH * C
NP = 10240
SLAB = NP // NS
BLK = 512
GRID = NP // BLK
CW = 128



@functools.lru_cache(maxsize=1)
def _sc_kernels():
    mesh = plsc.VectorSubcoreMesh(core_axis_name="c", subcore_axis_name="s",
                                  num_cores=NC, num_subcores=NS)

    @functools.partial(
        pl.kernel,
        out_type=jax.ShapeDtypeStruct((NC, NP, CW), jnp.float32),
        mesh=mesh,
        scratch_types=[
            pltpu.VMEM_SHARED((NP, CW), jnp.float32),
            pltpu.VMEM((NCH, C), jnp.int32),
            pltpu.VMEM((C, CW), jnp.float32),
        ],
    )
    def sc_indeg(dst_hbm, ones_hbm, zeros_hbm, out_hbm, table, dst_v, ones_v):
        c = lax.axis_index("c")
        s = lax.axis_index("s")
        wid = c * NS + s
        pltpu.sync_copy(zeros_hbm, table.at[pl.ds(s * SLAB, SLAB)])
        pltpu.sync_copy(ones_hbm, ones_v)
        pltpu.sync_copy(dst_hbm.at[pl.ds(wid * NCH, NCH)], dst_v)
        plsc.subcore_barrier()

        def body(j, carry):
            pltpu.sync_copy(ones_v, table.at[dst_v.at[j]], add=True)
            return carry

        lax.fori_loop(0, NCH, body, 0)
        plsc.subcore_barrier()
        pltpu.sync_copy(table.at[pl.ds(s * SLAB, SLAB)],
                        out_hbm.at[c, pl.ds(s * SLAB, SLAB)])

    @functools.partial(
        pl.kernel,
        out_type=jax.ShapeDtypeStruct((NC, NP, D), jnp.float32),
        mesh=mesh,
        scratch_types=[
            pltpu.VMEM_SHARED((NP, D), jnp.float32),
            pltpu.VMEM((IB, C), jnp.int32),
            pltpu.VMEM((IB, C), jnp.int32),
            pltpu.VMEM((C, D), jnp.float32),
            pltpu.VMEM((C, D), jnp.float32),
            pltpu.SemaphoreType.DMA,
            pltpu.SemaphoreType.DMA,
        ],
    )
    def sc_agg(msg_hbm, src_hbm, dst_hbm, zeros_hbm, out_hbm,
               table, src_v, dst_v, rows0, rows1, sem0, sem1):
        c = lax.axis_index("c")
        s = lax.axis_index("s")
        base = jnp.where(c == 0, s * NCHA, NS * NCHA + s * NCHB)
        ngroups = jnp.where(c == 0, NCHA // IB, NCHB // IB)
        pltpu.sync_copy(zeros_hbm, table.at[pl.ds(s * SLAB, SLAB)])
        plsc.subcore_barrier()

        def gather(j, buf, sem):
            return pltpu.make_async_copy(msg_hbm.at[src_v.at[j]], buf, sem)

        def group(g, carry):
            pltpu.sync_copy(src_hbm.at[pl.ds(base + g * IB, IB)], src_v)
            pltpu.sync_copy(dst_hbm.at[pl.ds(base + g * IB, IB)], dst_v)
            gather(0, rows0, sem0).start()

            def body(jj, inner):
                j0 = 2 * jj
                j1 = j0 + 1
                gather(j1, rows1, sem1).start()
                gather(j0, rows0, sem0).wait()
                pltpu.sync_copy(rows0, table.at[dst_v.at[j0]], add=True)

                @pl.when(jj < IB // 2 - 1)
                def _():
                    gather(j0 + 2, rows0, sem0).start()

                gather(j1, rows1, sem1).wait()
                pltpu.sync_copy(rows1, table.at[dst_v.at[j1]], add=True)
                return inner

            lax.fori_loop(0, IB // 2, body, carry)
            return carry

        lax.fori_loop(0, ngroups, group, 0)
        plsc.subcore_barrier()
        pltpu.sync_copy(table.at[pl.ds(s * SLAB, SLAB)],
                        out_hbm.at[c, pl.ds(s * SLAB, SLAB)])

    return sc_indeg, sc_agg



def _dotT(a, w):
    return lax.dot_general(a, w, (((1,), (1,)), ((), ())),
                           preferred_element_type=jnp.float32)


def _b1_body(cnt_ref, wu0_ref, bu0_ref, bm0_ref, wm1_ref, bm1_ref,
             s1_ref, m_ref):
    m0 = jnp.maximum(bm0_ref[...], 0.0)
    v0 = _dotT(m0, wu0_ref[...])
    cnt = cnt_ref[0, :, 0:1] + cnt_ref[1, :, 0:1]
    s1 = jnp.maximum(cnt * v0 + bu0_ref[...], 0.0)
    s1_ref[...] = s1
    m_ref[...] = jnp.maximum(_dotT(s1, wm1_ref[...]) + bm1_ref[...], 0.0)


def _bmid_body(sp_ref, agg_ref, wu_ref, bu_ref, wm_ref, bm_ref,
               s_ref, m_ref):
    agg = agg_ref[0] + agg_ref[1]
    s = sp_ref[...] + jnp.maximum(_dotT(agg, wu_ref[...]) + bu_ref[...], 0.0)
    s_ref[...] = s
    m_ref[...] = jnp.maximum(_dotT(s, wm_ref[...]) + bm_ref[...], 0.0)


def _b4_body(sp_ref, agg_ref, wu_ref, bu_ref, batch_ref, graph_ref):
    agg = agg_ref[0] + agg_ref[1]
    s4 = sp_ref[...] + jnp.maximum(_dotT(agg, wu_ref[...]) + bu_ref[...], 0.0)
    b = batch_ref[0, 0, :].reshape(1, BLK)
    gi = lax.broadcasted_iota(jnp.int32, (G, BLK), 0)
    onehot = (b == gi).astype(jnp.float32)
    contrib = lax.dot_general(onehot, s4, (((1,), (0,)), ((), ())),
                              preferred_element_type=jnp.float32)

    @pl.when(pl.program_id(0) == 0)
    def _():
        graph_ref[...] = jnp.zeros_like(graph_ref)

    graph_ref[...] += contrib


_W_SPEC = pl.BlockSpec((D, D), lambda i: (0, 0))
_B_SPEC = pl.BlockSpec((1, D), lambda i: (0, 0))
_ROW_SPEC = pl.BlockSpec((BLK, D), lambda i: (i, 0))
_AGG_SPEC = pl.BlockSpec((NC, BLK, D), lambda i: (0, i, 0))

_ROW_SHAPE = jax.ShapeDtypeStruct((NP, D), jnp.float32)

_b1_call = pl.pallas_call(
    _b1_body,
    grid=(GRID,),
    in_specs=[pl.BlockSpec((NC, BLK, CW), lambda i: (0, i, 0)),
              _W_SPEC, _B_SPEC, _B_SPEC, _W_SPEC, _B_SPEC],
    out_specs=[_ROW_SPEC, _ROW_SPEC],
    out_shape=[_ROW_SHAPE, _ROW_SHAPE],
)

_bmid_call = pl.pallas_call(
    _bmid_body,
    grid=(GRID,),
    in_specs=[_ROW_SPEC, _AGG_SPEC, _W_SPEC, _B_SPEC, _W_SPEC, _B_SPEC],
    out_specs=[_ROW_SPEC, _ROW_SPEC],
    out_shape=[_ROW_SHAPE, _ROW_SHAPE],
)

_b4_call = pl.pallas_call(
    _b4_body,
    grid=(GRID,),
    in_specs=[_ROW_SPEC, _AGG_SPEC, _W_SPEC, _B_SPEC,
              pl.BlockSpec((1, 1, BLK), lambda i: (i, 0, 0))],
    out_specs=pl.BlockSpec((G, D), lambda i: (0, 0)),
    out_shape=jax.ShapeDtypeStruct((G, D), jnp.float32),
)



def kernel(x, edge_index, batch, Wm, bm, Wu, bu):
    src = edge_index[0]
    dst = edge_index[1]
    pad = E_PAD - E
    src_r = jnp.concatenate([src, jnp.zeros((pad,), jnp.int32)]).reshape(TOTCH, C)
    dst_r = jnp.concatenate([dst, jnp.full((pad,), N, jnp.int32)]).reshape(TOTCH, C)
    batch_r = jnp.concatenate([batch, jnp.full((NP - N,), G, jnp.int32)]).reshape(GRID, 1, BLK)
    zeros_d = jnp.zeros((SLAB, D), jnp.float32)
    ones_c = jnp.ones((C, CW), jnp.float32)
    bmr = bm.reshape(4, 1, D)
    bur = bu.reshape(4, 1, D)

    sc_indeg, sc_agg = _sc_kernels()
    cnt = sc_indeg(dst_r, ones_c, zeros_d)
    s1, m1 = _b1_call(cnt, Wu[0], bur[0], bmr[0], Wm[1], bmr[1])
    agg1 = sc_agg(m1, src_r, dst_r, zeros_d)
    s2, m2 = _bmid_call(s1, agg1, Wu[1], bur[1], Wm[2], bmr[2])
    agg2 = sc_agg(m2, src_r, dst_r, zeros_d)
    s3, m3 = _bmid_call(s2, agg2, Wu[2], bur[2], Wm[3], bmr[3])
    agg3 = sc_agg(m3, src_r, dst_r, zeros_d)
    graph = _b4_call(s3, agg3, Wu[3], bur[3], batch_r)
    return graph

# --- scband reference (transcript-rebuilt; emitter-appended) ---
"""Pipeline reference for scband-gan-mpnn-86560770884157 (READ-ONLY COPY).

The authoritative reference and input builder live on the scoring server;
editing this copy changes nothing except your own understanding.
"""

import jax, jax.numpy as jnp
import numpy as np

N, E, F, D, R, G = 10000, 320000, 128, 128, 4, 64


def setup_inputs(seed: int = 0) -> dict:
    key = jax.random.key(seed)
    ks = jax.random.split(key, 8)
    x = jax.random.normal(ks[0], (N, F), dtype=jnp.float32)
    edge_index = jax.random.randint(ks[1], (2, E), 0, N, dtype=jnp.int32)
    batch = jnp.sort(jax.random.randint(ks[2], (N,), 0, G, dtype=jnp.int32))
    s = 1.0 / np.sqrt(D)
    Wm = jax.random.uniform(ks[3], (R, D, D), dtype=jnp.float32, minval=-s, maxval=s)
    bm = jax.random.uniform(ks[4], (R, D), dtype=jnp.float32, minval=-s, maxval=s)
    Wu = jax.random.uniform(ks[5], (R, D, D), dtype=jnp.float32, minval=-s, maxval=s)
    bu = jax.random.uniform(ks[6], (R, D), dtype=jnp.float32, minval=-s, maxval=s)
    return {"x": x, "edge_index": edge_index, "batch": batch, "Wm": Wm, "bm": bm, "Wu": Wu, "bu": bu}


def reference(x, edge_index, batch, Wm, bm, Wu, bu):
    num_graphs = G
    num_nodes = batch.shape[0]
    d = Wm.shape[-1]
    rounds = Wm.shape[0]
    state = jnp.zeros((num_nodes, d), dtype=x.dtype)
    src = edge_index[0]
    dst = edge_index[1]
    for r in range(rounds):
        # message_net[r]: Linear + ReLU (torch Linear: y = x @ W.T + b)
        message = jax.nn.relu(state @ Wm[r].T + bm[r])
        # aggregated.index_add(0, edge_index[1], message[edge_index[0]])
        aggregated = jnp.zeros((num_nodes, d), dtype=x.dtype).at[dst].add(message[src])
        # update_net[r]: Linear + ReLU
        state = state + jax.nn.relu(aggregated @ Wu[r].T + bu[r])
    # graph readout: index_add over batch ids
    graph_state = jnp.zeros((num_graphs, d), dtype=x.dtype).at[batch].add(state)
    return graph_state

if __name__ == "__main__":
    import jax
    _d = setup_inputs()
    print(jax.jit(kernel)(*tuple(_d.values())))

</pallas_src>

<mosaic_0001>
#map = affine_map<(d0, d1) -> (0, 0)>
#map1 = affine_map<(d0, d1) -> (0, 0, 0)>
module attributes {stable_mosaic.version = 14 : i64} {
  func.func @sc_indeg(%arg0: i32, %arg1: i32, %arg2: memref<2560x128xi32, #tpu.memory_space<hbm>>, %arg3: memref<128x128xf32, #tpu.memory_space<hbm>>, %arg4: memref<640x128xf32, #tpu.memory_space<hbm>>, %arg5: memref<2x10240x128xf32, #tpu.memory_space<hbm>>, %arg6: memref<10240x128xf32, #tpu.memory_space<vmem_shared>>, %arg7: memref<80x128xi32, #tpu.memory_space<vmem>>, %arg8: memref<128x128xf32, #tpu.memory_space<vmem>>) attributes {dimension_semantics = [#tpu.dimension_semantics<core_parallel>, #tpu.dimension_semantics<subcore_parallel>], iteration_bounds = array<i64: 2, 16>, scalar_prefetch = 0 : i64, scratch_operands = 3 : i64, tpu.core_type = #tpu.core_type<sc_vector_subcore>, window_params = [{transform_indices = #map}, {transform_indices = #map}, {transform_indices = #map}, {transform_indices = #map1}]} {
    %mul3A = arith.constant 16 : i32
    %mul3A_0 = arith.muli %arg0, %mul3A : i32
    %add3A = arith.addi %mul3A_0, %arg1 : i32
    %mul3A_1 = arith.constant 640 : i32
    %mul3A_2 = arith.muli %arg1, %mul3A_1 : i32
    "tpu.region"() ({
      %run_scoped3A = tpu.sem_alloc : memref<!tpu.dma_semaphore, #tpu.memory_space<semaphore_mem>>
      %dma_start3A = arith.constant 0 : i32
      %dma_start3A_15 = tpu.memref_slice %arg6[%mul3A_2, %dma_start3A] : memref<10240x128xf32, #tpu.memory_space<vmem_shared>> -> memref<640x128xf32, #tpu.memory_space<vmem_shared>>
      tpu.enqueue_dma source(%arg4 : memref<640x128xf32, #tpu.memory_space<hbm>>) target(%dma_start3A_15 : memref<640x128xf32, #tpu.memory_space<vmem_shared>>) target_semaphore(%run_scoped3A : memref<!tpu.dma_semaphore, #tpu.memory_space<semaphore_mem>>)
      %dma_wait3A = arith.constant 0 : i32
      %dma_wait3A_16 = tpu.memref_slice %arg6[%mul3A_2, %dma_wait3A] : memref<10240x128xf32, #tpu.memory_space<vmem_shared>> -> memref<640x128xf32, #tpu.memory_space<vmem_shared>>
      tpu.wait_dma2 semaphore(%run_scoped3A : memref<!tpu.dma_semaphore, #tpu.memory_space<semaphore_mem>>) src(%arg4 : memref<640x128xf32, #tpu.memory_space<hbm>>) dst(%dma_wait3A_16 : memref<640x128xf32, #tpu.memory_space<vmem_shared>>)
      tpu.yield
    }) : () -> ()
    "tpu.region"() ({
      %run_scoped3A = tpu.sem_alloc : memref<!tpu.dma_semaphore, #tpu.memory_space<semaphore_mem>>
      tpu.enqueue_dma source(%arg3 : memref<128x128xf32, #tpu.memory_space<hbm>>) target(%arg8 : memref<128x128xf32, #tpu.memory_space<vmem>>) target_semaphore(%run_scoped3A : memref<!tpu.dma_semaphore, #tpu.memory_space<semaphore_mem>>)
      tpu.wait_dma2 semaphore(%run_scoped3A : memref<!tpu.dma_semaphore, #tpu.memory_space<semaphore_mem>>) src(%arg3 : memref<128x128xf32, #tpu.memory_space<hbm>>) dst(%arg8 : memref<128x128xf32, #tpu.memory_space<vmem>>)
      tpu.yield
    }) : () -> ()
    %mul3A_3 = arith.constant 80 : i32
    %mul3A_4 = arith.muli %add3A, %mul3A_3 : i32
    "tpu.region"() ({
      %run_scoped3A = tpu.sem_alloc : memref<!tpu.dma_semaphore, #tpu.memory_space<semaphore_mem>>
      %dma_start3A = arith.constant 0 : i32
      %dma_start3A_15 = tpu.memref_slice %arg2[%mul3A_4, %dma_start3A] : memref<2560x128xi32, #tpu.memory_space<hbm>> -> memref<80x128xi32, #tpu.memory_space<hbm>>
      %dma_start3A_16 = arith.constant 0 : i32
      %dma_start3A_17 = tpu.memref_slice %arg2[%mul3A_4, %dma_start3A_16] : memref<2560x128xi32, #tpu.memory_space<hbm>> -> memref<80x128xi32, #tpu.memory_space<hbm>>
      tpu.enqueue_dma source(%dma_start3A_17 : memref<80x128xi32, #tpu.memory_space<hbm>>) target(%arg7 : memref<80x128xi32, #tpu.memory_space<vmem>>) target_semaphore(%run_scoped3A : memref<!tpu.dma_semaphore, #tpu.memory_space<semaphore_mem>>)
      %dma_wait3A = arith.constant 0 : i32
      %dma_wait3A_18 = tpu.memref_slice %arg2[%mul3A_4, %dma_wait3A] : memref<2560x128xi32, #tpu.memory_space<hbm>> -> memref<80x128xi32, #tpu.memory_space<hbm>>
      %dma_wait3A_19 = arith.constant 0 : i32
      %dma_wait3A_20 = tpu.memref_slice %arg2[%mul3A_4, %dma_wait3A_19] : memref<2560x128xi32, #tpu.memory_space<hbm>> -> memref<80x128xi32, #tpu.memory_space<hbm>>
      tpu.wait_dma2 semaphore(%run_scoped3A : memref<!tpu.dma_semaphore, #tpu.memory_space<semaphore_mem>>) src(%dma_wait3A_20 : memref<80x128xi32, #tpu.memory_space<hbm>>) dst(%arg7 : memref<80x128xi32, #tpu.memory_space<vmem>>)
      tpu.yield
    }) : () -> ()
    %barrier3A = arith.constant 0 : index
    tpu.barrier barrier_id(%barrier3A)
    %scan3A = arith.constant 0 : i32
    %scan3A_5 = arith.constant 0 : i32
    %scan3A_6 = arith.constant 80 : i32
    %scan3A_7 = arith.addi %scan3A_5, %scan3A_6 : i32
    %scan3A_8 = arith.constant 1 : i32
    scf.for %scan3A_15 = %scan3A_5 to %scan3A_7 step %scan3A_8  : i32 {
      "tpu.region"() ({
        %run_scoped3A = tpu.sem_alloc : memref<!tpu.dma_semaphore, #tpu.memory_space<semaphore_mem>>
        %dma_start3A = arith.constant 0 : i32
        %dma_start3A_16 = tpu.memref_slice %arg7[%scan3A_15, %dma_start3A] : memref<80x128xi32, #tpu.memory_space<vmem>> -> memref<1x128xi32, #tpu.memory_space<vmem>>
        %dma_start3A_17 = tpu.memref_squeeze %dma_start3A_16 : memref<1x128xi32, #tpu.memory_space<vmem>> -> memref<128xi32, #tpu.memory_space<vmem>>
        %dma_start3A_18 = arith.constant 0 : i32
        %dma_start3A_19 = arith.constant 0 : i32
        %dma_start3A_20 = tpu.memref_slice %arg6[%dma_start3A_18, %dma_start3A_19] : memref<10240x128xf32, #tpu.memory_space<vmem_shared>> -> memref<10240x128xf32, #tpu.memory_space<vmem_shared>>
        tpu.enqueue_indirect_dma source(%arg8 : memref<128x128xf32, #tpu.memory_space<vmem>>) target(%dma_start3A_20 : memref<10240x128xf32, #tpu.memory_space<vmem_shared>>) offsets(%dma_start3A_17 : memref<128xi32, #tpu.memory_space<vmem>>) semaphore(%run_scoped3A : memref<!tpu.dma_semaphore, #tpu.memory_space<semaphore_mem>>) {add = true}
        %dma_wait3A = arith.constant 0 : i32
        %dma_wait3A_21 = tpu.memref_slice %arg7[%scan3A_15, %dma_wait3A] : memref<80x128xi32, #tpu.memory_space<vmem>> -> memref<1x128xi32, #tpu.memory_space<vmem>>
        %dma_wait3A_22 = tpu.memref_squeeze %dma_wait3A_21 : memref<1x128xi32, #tpu.memory_space<vmem>> -> memref<128xi32, #tpu.memory_space<vmem>>
        %dma_wait3A_23 = arith.constant 0 : i32
        %dma_wait3A_24 = arith.constant 0 : i32
        %dma_wait3A_25 = tpu.memref_slice %arg6[%dma_wait3A_23, %dma_wait3A_24] : memref<10240x128xf32, #tpu.memory_space<vmem_shared>> -> memref<10240x128xf32, #tpu.memory_space<vmem_shared>>
        tpu.wait_indirect_dma semaphore(%run_scoped3A : memref<!tpu.dma_semaphore, #tpu.memory_space<semaphore_mem>>) src(%arg8 : memref<128x128xf32, #tpu.memory_space<vmem>>) dst(%dma_wait3A_25 : memref<10240x128xf32, #tpu.memory_space<vmem_shared>>)
        tpu.yield
      }) : () -> ()
    }
    %scan3A_9 = arith.constant 80 : i32
    %barrier3A_10 = arith.constant 0 : index
    tpu.barrier barrier_id(%barrier3A_10)
    %mul3A_11 = arith.constant 640 : i32
    %mul3A_12 = arith.muli %arg1, %mul3A_11 : i32
    %mul3A_13 = arith.constant 640 : i32
    %mul3A_14 = arith.muli %arg1, %mul3A_13 : i32
    "tpu.region"() ({
      %run_scoped3A = tpu.sem_alloc : memref<!tpu.dma_semaphore, #tpu.memory_space<semaphore_mem>>
      %dma_start3A = arith.constant 0 : i32
      %dma_start3A_15 = tpu.memref_slice %arg5[%arg0, %mul3A_14, %dma_start3A] : memref<2x10240x128xf32, #tpu.memory_space<hbm>> -> memref<1x640x128xf32, #tpu.memory_space<hbm>>
      %dma_start3A_16 = tpu.memref_squeeze %dma_start3A_15 : memref<1x640x128xf32, #tpu.memory_space<hbm>> -> memref<640x128xf32, #tpu.memory_space<hbm>>
      %dma_start3A_17 = arith.constant 0 : i32
      %dma_start3A_18 = tpu.memref_slice %arg6[%mul3A_12, %dma_start3A_17] : memref<10240x128xf32, #tpu.memory_space<vmem_shared>> -> memref<640x128xf32, #tpu.memory_space<vmem_shared>>
      tpu.enqueue_dma source(%dma_start3A_18 : memref<640x128xf32, #tpu.memory_space<vmem_shared>>) target(%dma_start3A_16 : memref<640x128xf32, #tpu.memory_space<hbm>>) target_semaphore(%run_scoped3A : memref<!tpu.dma_semaphore, #tpu.memory_space<semaphore_mem>>)
      %dma_wait3A = arith.constant 0 : i32
      %dma_wait3A_19 = tpu.memref_slice %arg5[%arg0, %mul3A_14, %dma_wait3A] : memref<2x10240x128xf32, #tpu.memory_space<hbm>> -> memref<1x640x128xf32, #tpu.memory_space<hbm>>
      %dma_wait3A_20 = tpu.memref_squeeze %dma_wait3A_19 : memref<1x640x128xf32, #tpu.memory_space<hbm>> -> memref<640x128xf32, #tpu.memory_space<hbm>>
      %dma_wait3A_21 = arith.constant 0 : i32
      %dma_wait3A_22 = tpu.memref_slice %arg6[%mul3A_12, %dma_wait3A_21] : memref<10240x128xf32, #tpu.memory_space<vmem_shared>> -> memref<640x128xf32, #tpu.memory_space<vmem_shared>>
      tpu.wait_dma2 semaphore(%run_scoped3A : memref<!tpu.dma_semaphore, #tpu.memory_space<semaphore_mem>>) src(%dma_wait3A_22 : memref<640x128xf32, #tpu.memory_space<vmem_shared>>) dst(%dma_wait3A_20 : memref<640x128xf32, #tpu.memory_space<hbm>>)
      tpu.yield
    }) : () -> ()
    return
  }
}

#map = affine_map<(d0, d1) -> (0, 0)>
#map1 = affine_map<(d0, d1) -> (0, 0, 0)>
module attributes {stable_mosaic.version = 14 : i64} {
  func.func @sc_agg(%arg0: i32, %arg1: i32, %arg2: memref<10240x128xf32, #tpu.memory_space<hbm>>, %arg3: memref<2560x128xi32, #tpu.memory_space<hbm>>, %arg4: memref<2560x128xi32, #tpu.memory_space<hbm>>, %arg5: memref<640x128xf32, #tpu.memory_space<hbm>>, %arg6: memref<2x10240x128xf32, #tpu.memory_space<hbm>>, %arg7: memref<10240x128xf32, #tpu.memory_space<vmem_shared>>, %arg8: memref<40x128xi32, #tpu.memory_space<vmem>>, %arg9: memref<40x128xi32, #tpu.memory_space<vmem>>, %arg10: memref<128x128xf32, #tpu.memory_space<vmem>>, %arg11: memref<128x128xf32, #tpu.memory_space<vmem>>, %arg12: memref<!tpu.dma_semaphore, #tpu.memory_space<semaphore_mem>>, %arg13: memref<!tpu.dma_semaphore, #tpu.memory_space<semaphore_mem>>) attributes {dimension_semantics = [#tpu.dimension_semantics<core_parallel>, #tpu.dimension_semantics<subcore_parallel>], iteration_bounds = array<i64: 2, 16>, scalar_prefetch = 0 : i64, scratch_operands = 7 : i64, tpu.core_type = #tpu.core_type<sc_vector_subcore>, window_params = [{transform_indices = #map}, {transform_indices = #map}, {transform_indices = #map}, {transform_indices = #map}, {transform_indices = #map1}]} {
    %eq3A = arith.constant 0 : i32
    %eq3A_0 = arith.cmpi eq, %arg0, %eq3A : i32
    %mul3A = arith.constant 120 : i32
    %mul3A_1 = arith.muli %arg1, %mul3A : i32
    %mul3A_2 = arith.constant 40 : i32
    %mul3A_3 = arith.muli %arg1, %mul3A_2 : i32
    %add3A = arith.constant 1920 : i32
    %add3A_4 = arith.addi %add3A, %mul3A_3 : i32
    %select_n3A = arith.select %eq3A_0, %mul3A_1, %add3A_4 : i32
    %eq3A_5 = arith.constant 0 : i32
    %eq3A_6 = arith.cmpi eq, %arg0, %eq3A_5 : i32
    %jit3A = arith.constant 3 : i32
    %jit3A_7 = arith.constant 1 : i32
    %select_n3A_8 = arith.select %eq3A_6, %jit3A, %jit3A_7 : i32
    %mul3A_9 = arith.constant 640 : i32
    %mul3A_10 = arith.muli %arg1, %mul3A_9 : i32
    "tpu.region"() ({
      %run_scoped3A = tpu.sem_alloc : memref<!tpu.dma_semaphore, #tpu.memory_space<semaphore_mem>>
      %dma_start3A = arith.constant 0 : i32
      %dma_start3A_25 = tpu.memref_slice %arg7[%mul3A_10, %dma_start3A] : memref<10240x128xf32, #tpu.memory_space<vmem_shared>> -> memref<640x128xf32, #tpu.memory_space<vmem_shared>>
      tpu.enqueue_dma source(%arg5 : memref<640x128xf32, #tpu.memory_space<hbm>>) target(%dma_start3A_25 : memref<640x128xf32, #tpu.memory_space<vmem_shared>>) target_semaphore(%run_scoped3A : memref<!tpu.dma_semaphore, #tpu.memory_space<semaphore_mem>>)
      %dma_wait3A = arith.constant 0 : i32
      %dma_wait3A_26 = tpu.memref_slice %arg7[%mul3A_10, %dma_wait3A] : memref<10240x128xf32, #tpu.memory_space<vmem_shared>> -> memref<640x128xf32, #tpu.memory_space<vmem_shared>>
      tpu.wait_dma2 semaphore(%run_scoped3A : memref<!tpu.dma_semaphore, #tpu.memory_space<semaphore_mem>>) src(%arg5 : memref<640x128xf32, #tpu.memory_space<hbm>>) dst(%dma_wait3A_26 : memref<640x128xf32, #tpu.memory_space<vmem_shared>>)
      tpu.yield
    }) : () -> ()
    %barrier3A = arith.constant 0 : index
    tpu.barrier barrier_id(%barrier3A)
    %while3A = arith.constant 0 : i32
    %while3A_11 = arith.constant 0 : i32
    %while3A_12 = arith.subi %select_n3A_8, %while3A_11 : i32
    %while3A_13 = arith.addi %while3A_11, %while3A_12 : i32
    %while3A_14 = arith.constant 1 : i32
    %while3A_15 = arith.divsi %while3A_12, %while3A_14 : i32
    %while3A_16 = arith.muli %while3A_15, %while3A_14 : i32
    %while3A_17 = arith.addi %while3A_11, %while3A_16 : i32
    %while3A_18 = arith.constant 1 : i32
    scf.for %while3A_25 = %while3A_11 to %while3A_17 step %while3A_18  : i32 {
      %mul3A_26 = arith.constant 40 : i32
      %mul3A_27 = arith.muli %while3A_25, %mul3A_26 : i32
      %add3A_28 = arith.addi %select_n3A, %mul3A_27 : i32
      "tpu.region"() ({
        %run_scoped3A = tpu.sem_alloc : memref<!tpu.dma_semaphore, #tpu.memory_space<semaphore_mem>>
        %dma_start3A_42 = arith.constant 0 : i32
        %dma_start3A_43 = tpu.memref_slice %arg3[%add3A_28, %dma_start3A_42] : memref<2560x128xi32, #tpu.memory_space<hbm>> -> memref<40x128xi32, #tpu.memory_space<hbm>>
        %dma_start3A_44 = arith.constant 0 : i32
        %dma_start3A_45 = tpu.memref_slice %arg3[%add3A_28, %dma_start3A_44] : memref<2560x128xi32, #tpu.memory_space<hbm>> -> memref<40x128xi32, #tpu.memory_space<hbm>>
        tpu.enqueue_dma source(%dma_start3A_45 : memref<40x128xi32, #tpu.memory_space<hbm>>) target(%arg8 : memref<40x128xi32, #tpu.memory_space<vmem>>) target_semaphore(%run_scoped3A : memref<!tpu.dma_semaphore, #tpu.memory_space<semaphore_mem>>)
        %dma_wait3A = arith.constant 0 : i32
        %dma_wait3A_46 = tpu.memref_slice %arg3[%add3A_28, %dma_wait3A] : memref<2560x128xi32, #tpu.memory_space<hbm>> -> memref<40x128xi32, #tpu.memory_space<hbm>>
        %dma_wait3A_47 = arith.constant 0 : i32
        %dma_wait3A_48 = tpu.memref_slice %arg3[%add3A_28, %dma_wait3A_47] : memref<2560x128xi32, #tpu.memory_space<hbm>> -> memref<40x128xi32, #tpu.memory_space<hbm>>
        tpu.wait_dma2 semaphore(%run_scoped3A : memref<!tpu.dma_semaphore, #tpu.memory_space<semaphore_mem>>) src(%dma_wait3A_48 : memref<40x128xi32, #tpu.memory_space<hbm>>) dst(%arg8 : memref<40x128xi32, #tpu.memory_space<vmem>>)
        tpu.yield
      }) : () -> ()
      %mul3A_29 = arith.constant 40 : i32
      %mul3A_30 = arith.muli %while3A_25, %mul3A_29 : i32
      %add3A_31 = arith.addi %select_n3A, %mul3A_30 : i32
      "tpu.region"() ({
        %run_scoped3A = tpu.sem_alloc : memref<!tpu.dma_semaphore, #tpu.memory_space<semaphore_mem>>
        %dma_start3A_42 = arith.constant 0 : i32
        %dma_start3A_43 = tpu.memref_slice %arg4[%add3A_31, %dma_start3A_42] : memref<2560x128xi32, #tpu.memory_space<hbm>> -> memref<40x128xi32, #tpu.memory_space<hbm>>
        %dma_start3A_44 = arith.constant 0 : i32
        %dma_start3A_45 = tpu.memref_slice %arg4[%add3A_31, %dma_start3A_44] : memref<2560x128xi32, #tpu.memory_space<hbm>> -> memref<40x128xi32, #tpu.memory_space<hbm>>
        tpu.enqueue_dma source(%dma_start3A_45 : memref<40x128xi32, #tpu.memory_space<hbm>>) target(%arg9 : memref<40x128xi32, #tpu.memory_space<vmem>>) target_semaphore(%run_scoped3A : memref<!tpu.dma_semaphore, #tpu.memory_space<semaphore_mem>>)
        %dma_wait3A = arith.constant 0 : i32
        %dma_wait3A_46 = tpu.memref_slice %arg4[%add3A_31, %dma_wait3A] : memref<2560x128xi32, #tpu.memory_space<hbm>> -> memref<40x128xi32, #tpu.memory_space<hbm>>
        %dma_wait3A_47 = arith.constant 0 : i32
        %dma_wait3A_48 = tpu.memref_slice %arg4[%add3A_31, %dma_wait3A_47] : memref<2560x128xi32, #tpu.memory_space<hbm>> -> memref<40x128xi32, #tpu.memory_space<hbm>>
        tpu.wait_dma2 semaphore(%run_scoped3A : memref<!tpu.dma_semaphore, #tpu.memory_space<semaphore_mem>>) src(%dma_wait3A_48 : memref<40x128xi32, #tpu.memory_space<hbm>>) dst(%arg9 : memref<40x128xi32, #tpu.memory_space<vmem>>)
        tpu.yield
      }) : () -> ()
      %dma_start3A = arith.constant 0 : i32
      %dma_start3A_32 = arith.constant 0 : i32
      %dma_start3A_33 = tpu.memref_slice %arg8[%dma_start3A, %dma_start3A_32] : memref<40x128xi32, #tpu.memory_space<vmem>> -> memref<1x128xi32, #tpu.memory_space<vmem>>
      %dma_start3A_34 = tpu.memref_squeeze %dma_start3A_33 : memref<1x128xi32, #tpu.memory_space<vmem>> -> memref<128xi32, #tpu.memory_space<vmem>>
      %dma_start3A_35 = arith.constant 0 : i32
      %dma_start3A_36 = arith.constant 0 : i32
      %dma_start3A_37 = tpu.memref_slice %arg2[%dma_start3A_35, %dma_start3A_36] : memref<10240x128xf32, #tpu.memory_space<hbm>> -> memref<10240x128xf32, #tpu.memory_space<hbm>>
      tpu.enqueue_indirect_dma source(%dma_start3A_37 : memref<10240x128xf32, #tpu.memory_space<hbm>>) target(%arg10 : memref<128x128xf32, #tpu.memory_space<vmem>>) offsets(%dma_start3A_34 : memref<128xi32, #tpu.memory_space<vmem>>) semaphore(%arg12 : memref<!tpu.dma_semaphore, #tpu.memory_space<semaphore_mem>>)
      %scan3A = arith.constant 0 : i32
      %scan3A_38 = arith.constant 20 : i32
      %scan3A_39 = arith.addi %scan3A, %scan3A_38 : i32
      %scan3A_40 = arith.constant 1 : i32
      scf.for %scan3A_42 = %scan3A to %scan3A_39 step %scan3A_40  : i32 {
        %mul3A_43 = arith.constant 2 : i32
        %mul3A_44 = arith.muli %mul3A_43, %scan3A_42 : i32
        %add3A_45 = arith.constant 1 : i32
        %add3A_46 = arith.addi %mul3A_44, %add3A_45 : i32
        %dma_start3A_47 = arith.constant 0 : i32
        %dma_start3A_48 = tpu.memref_slice %arg8[%add3A_46, %dma_start3A_47] : memref<40x128xi32, #tpu.memory_space<vmem>> -> memref<1x128xi32, #tpu.memory_space<vmem>>
        %dma_start3A_49 = tpu.memref_squeeze %dma_start3A_48 : memref<1x128xi32, #tpu.memory_space<vmem>> -> memref<128xi32, #tpu.memory_space<vmem>>
        %dma_start3A_50 = arith.constant 0 : i32
        %dma_start3A_51 = arith.constant 0 : i32
        %dma_start3A_52 = tpu.memref_slice %arg2[%dma_start3A_50, %dma_start3A_51] : memref<10240x128xf32, #tpu.memory_space<hbm>> -> memref<10240x128xf32, #tpu.memory_space<hbm>>
        tpu.enqueue_indirect_dma source(%dma_start3A_52 : memref<10240x128xf32, #tpu.memory_space<hbm>>) target(%arg11 : memref<128x128xf32, #tpu.memory_space<vmem>>) offsets(%dma_start3A_49 : memref<128xi32, #tpu.memory_space<vmem>>) semaphore(%arg13 : memref<!tpu.dma_semaphore, #tpu.memory_space<semaphore_mem>>)
        %dma_wait3A = arith.constant 0 : i32
        %dma_wait3A_53 = tpu.memref_slice %arg8[%mul3A_44, %dma_wait3A] : memref<40x128xi32, #tpu.memory_space<vmem>> -> memref<1x128xi32, #tpu.memory_space<vmem>>
        %dma_wait3A_54 = tpu.memref_squeeze %dma_wait3A_53 : memref<1x128xi32, #tpu.memory_space<vmem>> -> memref<128xi32, #tpu.memory_space<vmem>>
        %dma_wait3A_55 = arith.constant 0 : i32
        %dma_wait3A_56 = arith.constant 0 : i32
        %dma_wait3A_57 = tpu.memref_slice %arg2[%dma_wait3A_55, %dma_wait3A_56] : memref<10240x128xf32, #tpu.memory_space<hbm>> -> memref<10240x128xf32, #tpu.memory_space<hbm>>
        tpu.wait_indirect_dma semaphore(%arg12 : memref<!tpu.dma_semaphore, #tpu.memory_space<semaphore_mem>>) src(%dma_wait3A_57 : memref<10240x128xf32, #tpu.memory_space<hbm>>) dst(%arg10 : memref<128x128xf32, #tpu.memory_space<vmem>>)
        "tpu.region"() ({
          %run_scoped3A = tpu.sem_alloc : memref<!tpu.dma_semaphore, #tpu.memory_space<semaphore_mem>>
          %dma_start3A_66 = arith.constant 0 : i32
          %dma_start3A_67 = tpu.memref_slice %arg9[%mul3A_44, %dma_start3A_66] : memref<40x128xi32, #tpu.memory_space<vmem>> -> memref<1x128xi32, #tpu.memory_space<vmem>>
          %dma_start3A_68 = tpu.memref_squeeze %dma_start3A_67 : memref<1x128xi32, #tpu.memory_space<vmem>> -> memref<128xi32, #tpu.memory_space<vmem>>
          %dma_start3A_69 = arith.constant 0 : i32
          %dma_start3A_70 = arith.constant 0 : i32
          %dma_start3A_71 = tpu.memref_slice %arg7[%dma_start3A_69, %dma_start3A_70] : memref<10240x128xf32, #tpu.memory_space<vmem_shared>> -> memref<10240x128xf32, #tpu.memory_space<vmem_shared>>
          tpu.enqueue_indirect_dma source(%arg10 : memref<128x128xf32, #tpu.memory_space<vmem>>) target(%dma_start3A_71 : memref<10240x128xf32, #tpu.memory_space<vmem_shared>>) offsets(%dma_start3A_68 : memref<128xi32, #tpu.memory_space<vmem>>) semaphore(%run_scoped3A : memref<!tpu.dma_semaphore, #tpu.memory_space<semaphore_mem>>) {add = true}
          %dma_wait3A_72 = arith.constant 0 : i32
          %dma_wait3A_73 = tpu.memref_slice %arg9[%mul3A_44, %dma_wait3A_72] : memref<40x128xi32, #tpu.memory_space<vmem>> -> memref<1x128xi32, #tpu.memory_space<vmem>>
          %dma_wait3A_74 = tpu.memref_squeeze %dma_wait3A_73 : memref<1x128xi32, #tpu.memory_space<vmem>> -> memref<128xi32, #tpu.memory_space<vmem>>
          %dma_wait3A_75 = arith.constant 0 : i32
          %dma_wait3A_76 = arith.constant 0 : i32
          %dma_wait3A_77 = tpu.memref_slice %arg7[%dma_wait3A_75, %dma_wait3A_76] : memref<10240x128xf32, #tpu.memory_space<vmem_shared>> -> memref<10240x128xf32, #tpu.memory_space<vmem_shared>>
          tpu.wait_indirect_dma semaphore(%run_scoped3A : memref<!tpu.dma_semaphore, #tpu.memory_space<semaphore_mem>>) src(%arg10 : memref<128x128xf32, #tpu.memory_space<vmem>>) dst(%dma_wait3A_77 : memref<10240x128xf32, #tpu.memory_space<vmem_shared>>)
          tpu.yield
        }) : () -> ()
        %lt3A = arith.constant 19 : i32
        %lt3A_58 = arith.cmpi slt, %scan3A_42, %lt3A : i32
        %convert_element_type3A = arith.extui %lt3A_58 : i1 to i32
        %cond3A = arith.constant 0 : i32
        %cond3A_59 = arith.cmpi ne, %convert_element_type3A, %cond3A : i32
        scf.if %cond3A_59 {
          %add3A_66 = arith.constant 2 : i32
          %add3A_67 = arith.addi %mul3A_44, %add3A_66 : i32
          %dma_start3A_68 = arith.constant 0 : i32
          %dma_start3A_69 = tpu.memref_slice %arg8[%add3A_67, %dma_start3A_68] : memref<40x128xi32, #tpu.memory_space<vmem>> -> memref<1x128xi32, #tpu.memory_space<vmem>>
          %dma_start3A_70 = tpu.memref_squeeze %dma_start3A_69 : memref<1x128xi32, #tpu.memory_space<vmem>> -> memref<128xi32, #tpu.memory_space<vmem>>
          %dma_start3A_71 = arith.constant 0 : i32
          %dma_start3A_72 = arith.constant 0 : i32
          %dma_start3A_73 = tpu.memref_slice %arg2[%dma_start3A_71, %dma_start3A_72] : memref<10240x128xf32, #tpu.memory_space<hbm>> -> memref<10240x128xf32, #tpu.memory_space<hbm>>
          tpu.enqueue_indirect_dma source(%dma_start3A_73 : memref<10240x128xf32, #tpu.memory_space<hbm>>) target(%arg10 : memref<128x128xf32, #tpu.memory_space<vmem>>) offsets(%dma_start3A_70 : memref<128xi32, #tpu.memory_space<vmem>>) semaphore(%arg12 : memref<!tpu.dma_semaphore, #tpu.memory_space<semaphore_mem>>)
        } else {
        }
        %dma_wait3A_60 = arith.constant 0 : i32
        %dma_wait3A_61 = tpu.memref_slice %arg8[%add3A_46, %dma_wait3A_60] : memref<40x128xi32, #tpu.memory_space<vmem>> -> memref<1x128xi32, #tpu.memory_space<vmem>>
        %dma_wait3A_62 = tpu.memref_squeeze %dma_wait3A_61 : memref<1x128xi32, #tpu.memory_space<vmem>> -> memref<128xi32, #tpu.memory_space<vmem>>
        %dma_wait3A_63 = arith.constant 0 : i32
        %dma_wait3A_64 = arith.constant 0 : i32
        %dma_wait3A_65 = tpu.memref_slice %arg2[%dma_wait3A_63, %dma_wait3A_64] : memref<10240x128xf32, #tpu.memory_space<hbm>> -> memref<10240x128xf32, #tpu.memory_space<hbm>>
        tpu.wait_indirect_dma semaphore(%arg13 : memref<!tpu.dma_semaphore, #tpu.memory_space<semaphore_mem>>) src(%dma_wait3A_65 : memref<10240x128xf32, #tpu.memory_space<hbm>>) dst(%arg11 : memref<128x128xf32, #tpu.memory_space<vmem>>)
        "tpu.region"() ({
          %run_scoped3A = tpu.sem_alloc : memref<!tpu.dma_semaphore, #tpu.memory_space<semaphore_mem>>
          %dma_start3A_66 = arith.constant 0 : i32
          %dma_start3A_67 = tpu.memref_slice %arg9[%add3A_46, %dma_start3A_66] : memref<40x128xi32, #tpu.memory_space<vmem>> -> memref<1x128xi32, #tpu.memory_space<vmem>>
          %dma_start3A_68 = tpu.memref_squeeze %dma_start3A_67 : memref<1x128xi32, #tpu.memory_space<vmem>> -> memref<128xi32, #tpu.memory_space<vmem>>
          %dma_start3A_69 = arith.constant 0 : i32
          %dma_start3A_70 = arith.constant 0 : i32
          %dma_start3A_71 = tpu.memref_slice %arg7[%dma_start3A_69, %dma_start3A_70] : memref<10240x128xf32, #tpu.memory_space<vmem_shared>> -> memref<10240x128xf32, #tpu.memory_space<vmem_shared>>
          tpu.enqueue_indirect_dma source(%arg11 : memref<128x128xf32, #tpu.memory_space<vmem>>) target(%dma_start3A_71 : memref<10240x128xf32, #tpu.memory_space<vmem_shared>>) offsets(%dma_start3A_68 : memref<128xi32, #tpu.memory_space<vmem>>) semaphore(%run_scoped3A : memref<!tpu.dma_semaphore, #tpu.memory_space<semaphore_mem>>) {add = true}
          %dma_wait3A_72 = arith.constant 0 : i32
          %dma_wait3A_73 = tpu.memref_slice %arg9[%add3A_46, %dma_wait3A_72] : memref<40x128xi32, #tpu.memory_space<vmem>> -> memref<1x128xi32, #tpu.memory_space<vmem>>
          %dma_wait3A_74 = tpu.memref_squeeze %dma_wait3A_73 : memref<1x128xi32, #tpu.memory_space<vmem>> -> memref<128xi32, #tpu.memory_space<vmem>>
          %dma_wait3A_75 = arith.constant 0 : i32
          %dma_wait3A_76 = arith.constant 0 : i32
          %dma_wait3A_77 = tpu.memref_slice %arg7[%dma_wait3A_75, %dma_wait3A_76] : memref<10240x128xf32, #tpu.memory_space<vmem_shared>> -> memref<10240x128xf32, #tpu.memory_space<vmem_shared>>
          tpu.wait_indirect_dma semaphore(%run_scoped3A : memref<!tpu.dma_semaphore, #tpu.memory_space<semaphore_mem>>) src(%arg11 : memref<128x128xf32, #tpu.memory_space<vmem>>) dst(%dma_wait3A_77 : memref<10240x128xf32, #tpu.memory_space<vmem_shared>>)
          tpu.yield
        }) : () -> ()
      }
      %scan3A_41 = arith.constant 20 : i32
    }
    %while3A_19 = arith.constant 1 : i32
    scf.for %while3A_25 = %while3A_17 to %while3A_13 step %while3A_19  : i32 {
      %mul3A_26 = arith.constant 40 : i32
      %mul3A_27 = arith.muli %while3A_25, %mul3A_26 : i32
      %add3A_28 = arith.addi %select_n3A, %mul3A_27 : i32
      "tpu.region"() ({
        %run_scoped3A = tpu.sem_alloc : memref<!tpu.dma_semaphore, #tpu.memory_space<semaphore_mem>>
        %dma_start3A_42 = arith.constant 0 : i32
        %dma_start3A_43 = tpu.memref_slice %arg3[%add3A_28, %dma_start3A_42] : memref<2560x128xi32, #tpu.memory_space<hbm>> -> memref<40x128xi32, #tpu.memory_space<hbm>>
        %dma_start3A_44 = arith.constant 0 : i32
        %dma_start3A_45 = tpu.memref_slice %arg3[%add3A_28, %dma_start3A_44] : memref<2560x128xi32, #tpu.memory_space<hbm>> -> memref<40x128xi32, #tpu.memory_space<hbm>>
        tpu.enqueue_dma source(%dma_start3A_45 : memref<40x128xi32, #tpu.memory_space<hbm>>) target(%arg8 : memref<40x128xi32, #tpu.memory_space<vmem>>) target_semaphore(%run_scoped3A : memref<!tpu.dma_semaphore, #tpu.memory_space<semaphore_mem>>)
        %dma_wait3A = arith.constant 0 : i32
        %dma_wait3A_46 = tpu.memref_slice %arg3[%add3A_28, %dma_wait3A] : memref<2560x128xi32, #tpu.memory_space<hbm>> -> memref<40x128xi32, #tpu.memory_space<hbm>>
        %dma_wait3A_47 = arith.constant 0 : i32
        %dma_wait3A_48 = tpu.memref_slice %arg3[%add3A_28, %dma_wait3A_47] : memref<2560x128xi32, #tpu.memory_space<hbm>> -> memref<40x128xi32, #tpu.memory_space<hbm>>
        tpu.wait_dma2 semaphore(%run_scoped3A : memref<!tpu.dma_semaphore, #tpu.memory_space<semaphore_mem>>) src(%dma_wait3A_48 : memref<40x128xi32, #tpu.memory_space<hbm>>) dst(%arg8 : memref<40x128xi32, #tpu.memory_space<vmem>>)
        tpu.yield
      }) : () -> ()
      %mul3A_29 = arith.constant 40 : i32
      %mul3A_30 = arith.muli %while3A_25, %mul3A_29 : i32
      %add3A_31 = arith.addi %select_n3A, %mul3A_30 : i32
      "tpu.region"() ({
        %run_scoped3A = tpu.sem_alloc : memref<!tpu.dma_semaphore, #tpu.memory_space<semaphore_mem>>
        %dma_start3A_42 = arith.constant 0 : i32
        %dma_start3A_43 = tpu.memref_slice %arg4[%add3A_31, %dma_start3A_42] : memref<2560x128xi32, #tpu.memory_space<hbm>> -> memref<40x128xi32, #tpu.memory_space<hbm>>
        %dma_start3A_44 = arith.constant 0 : i32
        %dma_start3A_45 = tpu.memref_slice %arg4[%add3A_31, %dma_start3A_44] : memref<2560x128xi32, #tpu.memory_space<hbm>> -> memref<40x128xi32, #tpu.memory_space<hbm>>
        tpu.enqueue_dma source(%dma_start3A_45 : memref<40x128xi32, #tpu.memory_space<hbm>>) target(%arg9 : memref<40x128xi32, #tpu.memory_space<vmem>>) target_semaphore(%run_scoped3A : memref<!tpu.dma_semaphore, #tpu.memory_space<semaphore_mem>>)
        %dma_wait3A = arith.constant 0 : i32
        %dma_wait3A_46 = tpu.memref_slice %arg4[%add3A_31, %dma_wait3A] : memref<2560x128xi32, #tpu.memory_space<hbm>> -> memref<40x128xi32, #tpu.memory_space<hbm>>
        %dma_wait3A_47 = arith.constant 0 : i32
        %dma_wait3A_48 = tpu.memref_slice %arg4[%add3A_31, %dma_wait3A_47] : memref<2560x128xi32, #tpu.memory_space<hbm>> -> memref<40x128xi32, #tpu.memory_space<hbm>>
        tpu.wait_dma2 semaphore(%run_scoped3A : memref<!tpu.dma_semaphore, #tpu.memory_space<semaphore_mem>>) src(%dma_wait3A_48 : memref<40x128xi32, #tpu.memory_space<hbm>>) dst(%arg9 : memref<40x128xi32, #tpu.memory_space<vmem>>)
        tpu.yield
      }) : () -> ()
      %dma_start3A = arith.constant 0 : i32
      %dma_start3A_32 = arith.constant 0 : i32
      %dma_start3A_33 = tpu.memref_slice %arg8[%dma_start3A, %dma_start3A_32] : memref<40x128xi32, #tpu.memory_space<vmem>> -> memref<1x128xi32, #tpu.memory_space<vmem>>
      %dma_start3A_34 = tpu.memref_squeeze %dma_start3A_33 : memref<1x128xi32, #tpu.memory_space<vmem>> -> memref<128xi32, #tpu.memory_space<vmem>>
      %dma_start3A_35 = arith.constant 0 : i32
      %dma_start3A_36 = arith.constant 0 : i32
      %dma_start3A_37 = tpu.memref_slice %arg2[%dma_start3A_35, %dma_start3A_36] : memref<10240x128xf32, #tpu.memory_space<hbm>> -> memref<10240x128xf32, #tpu.memory_space<hbm>>
      tpu.enqueue_indirect_dma source(%dma_start3A_37 : memref<10240x128xf32, #tpu.memory_space<hbm>>) target(%arg10 : memref<128x128xf32, #tpu.memory_space<vmem>>) offsets(%dma_start3A_34 : memref<128xi32, #tpu.memory_space<vmem>>) semaphore(%arg12 : memref<!tpu.dma_semaphore, #tpu.memory_space<semaphore_mem>>)
      %scan3A = arith.constant 0 : i32
      %scan3A_38 = arith.constant 20 : i32
      %scan3A_39 = arith.addi %scan3A, %scan3A_38 : i32
      %scan3A_40 = arith.constant 1 : i32
      scf.for %scan3A_42 = %scan3A to %scan3A_39 step %scan3A_40  : i32 {
        %mul3A_43 = arith.constant 2 : i32
        %mul3A_44 = arith.muli %mul3A_43, %scan3A_42 : i32
        %add3A_45 = arith.constant 1 : i32
        %add3A_46 = arith.addi %mul3A_44, %add3A_45 : i32
        %dma_start3A_47 = arith.constant 0 : i32
        %dma_start3A_48 = tpu.memref_slice %arg8[%add3A_46, %dma_start3A_47] : memref<40x128xi32, #tpu.memory_space<vmem>> -> memref<1x128xi32, #tpu.memory_space<vmem>>
        %dma_start3A_49 = tpu.memref_squeeze %dma_start3A_48 : memref<1x128xi32, #tpu.memory_space<vmem>> -> memref<128xi32, #tpu.memory_space<vmem>>
        %dma_start3A_50 = arith.constant 0 : i32
        %dma_start3A_51 = arith.constant 0 : i32
        %dma_start3A_52 = tpu.memref_slice %arg2[%dma_start3A_50, %dma_start3A_51] : memref<10240x128xf32, #tpu.memory_space<hbm>> -> memref<10240x128xf32, #tpu.memory_space<hbm>>
        tpu.enqueue_indirect_dma source(%dma_start3A_52 : memref<10240x128xf32, #tpu.memory_space<hbm>>) target(%arg11 : memref<128x128xf32, #tpu.memory_space<vmem>>) offsets(%dma_start3A_49 : memref<128xi32, #tpu.memory_space<vmem>>) semaphore(%arg13 : memref<!tpu.dma_semaphore, #tpu.memory_space<semaphore_mem>>)
        %dma_wait3A = arith.constant 0 : i32
        %dma_wait3A_53 = tpu.memref_slice %arg8[%mul3A_44, %dma_wait3A] : memref<40x128xi32, #tpu.memory_space<vmem>> -> memref<1x128xi32, #tpu.memory_space<vmem>>
        %dma_wait3A_54 = tpu.memref_squeeze %dma_wait3A_53 : memref<1x128xi32, #tpu.memory_space<vmem>> -> memref<128xi32, #tpu.memory_space<vmem>>
        %dma_wait3A_55 = arith.constant 0 : i32
        %dma_wait3A_56 = arith.constant 0 : i32
        %dma_wait3A_57 = tpu.memref_slice %arg2[%dma_wait3A_55, %dma_wait3A_56] : memref<10240x128xf32, #tpu.memory_space<hbm>> -> memref<10240x128xf32, #tpu.memory_space<hbm>>
        tpu.wait_indirect_dma semaphore(%arg12 : memref<!tpu.dma_semaphore, #tpu.memory_space<semaphore_mem>>) src(%dma_wait3A_57 : memref<10240x128xf32, #tpu.memory_space<hbm>>) dst(%arg10 : memref<128x128xf32, #tpu.memory_space<vmem>>)
        "tpu.region"() ({
          %run_scoped3A = tpu.sem_alloc : memref<!tpu.dma_semaphore, #tpu.memory_space<semaphore_mem>>
          %dma_start3A_66 = arith.constant 0 : i32
          %dma_start3A_67 = tpu.memref_slice %arg9[%mul3A_44, %dma_start3A_66] : memref<40x128xi32, #tpu.memory_space<vmem>> -> memref<1x128xi32, #tpu.memory_space<vmem>>
          %dma_start3A_68 = tpu.memref_squeeze %dma_start3A_67 : memref<1x128xi32, #tpu.memory_space<vmem>> -> memref<128xi32, #tpu.memory_space<vmem>>
          %dma_start3A_69 = arith.constant 0 : i32
          %dma_start3A_70 = arith.constant 0 : i32
          %dma_start3A_71 = tpu.memref_slice %arg7[%dma_start3A_69, %dma_start3A_70] : memref<10240x128xf32, #tpu.memory_space<vmem_shared>> -> memref<10240x128xf32, #tpu.memory_space<vmem_shared>>
          tpu.enqueue_indirect_dma source(%arg10 : memref<128x128xf32, #tpu.memory_space<vmem>>) target(%dma_start3A_71 : memref<10240x128xf32, #tpu.memory_space<vmem_shared>>) offsets(%dma_start3A_68 : memref<128xi32, #tpu.memory_space<vmem>>) semaphore(%run_scoped3A : memref<!tpu.dma_semaphore, #tpu.memory_space<semaphore_mem>>) {add = true}
          %dma_wait3A_72 = arith.constant 0 : i32
          %dma_wait3A_73 = tpu.memref_slice %arg9[%mul3A_44, %dma_wait3A_72] : memref<40x128xi32, #tpu.memory_space<vmem>> -> memref<1x128xi32, #tpu.memory_space<vmem>>
          %dma_wait3A_74 = tpu.memref_squeeze %dma_wait3A_73 : memref<1x128xi32, #tpu.memory_space<vmem>> -> memref<128xi32, #tpu.memory_space<vmem>>
          %dma_wait3A_75 = arith.constant 0 : i32
          %dma_wait3A_76 = arith.constant 0 : i32
          %dma_wait3A_77 = tpu.memref_slice %arg7[%dma_wait3A_75, %dma_wait3A_76] : memref<10240x128xf32, #tpu.memory_space<vmem_shared>> -> memref<10240x128xf32, #tpu.memory_space<vmem_shared>>
          tpu.wait_indirect_dma semaphore(%run_scoped3A : memref<!tpu.dma_semaphore, #tpu.memory_space<semaphore_mem>>) src(%arg10 : memref<128x128xf32, #tpu.memory_space<vmem>>) dst(%dma_wait3A_77 : memref<10240x128xf32, #tpu.memory_space<vmem_shared>>)
          tpu.yield
        }) : () -> ()
        %lt3A = arith.constant 19 : i32
        %lt3A_58 = arith.cmpi slt, %scan3A_42, %lt3A : i32
        %convert_element_type3A = arith.extui %lt3A_58 : i1 to i32
        %cond3A = arith.constant 0 : i32
        %cond3A_59 = arith.cmpi ne, %convert_element_type3A, %cond3A : i32
        scf.if %cond3A_59 {
          %add3A_66 = arith.constant 2 : i32
          %add3A_67 = arith.addi %mul3A_44, %add3A_66 : i32
          %dma_start3A_68 = arith.constant 0 : i32
          %dma_start3A_69 = tpu.memref_slice %arg8[%add3A_67, %dma_start3A_68] : memref<40x128xi32, #tpu.memory_space<vmem>> -> memref<1x128xi32, #tpu.memory_space<vmem>>
          %dma_start3A_70 = tpu.memref_squeeze %dma_start3A_69 : memref<1x128xi32, #tpu.memory_space<vmem>> -> memref<128xi32, #tpu.memory_space<vmem>>
          %dma_start3A_71 = arith.constant 0 : i32
          %dma_start3A_72 = arith.constant 0 : i32
          %dma_start3A_73 = tpu.memref_slice %arg2[%dma_start3A_71, %dma_start3A_72] : memref<10240x128xf32, #tpu.memory_space<hbm>> -> memref<10240x128xf32, #tpu.memory_space<hbm>>
          tpu.enqueue_indirect_dma source(%dma_start3A_73 : memref<10240x128xf32, #tpu.memory_space<hbm>>) target(%arg10 : memref<128x128xf32, #tpu.memory_space<vmem>>) offsets(%dma_start3A_70 : memref<128xi32, #tpu.memory_space<vmem>>) semaphore(%arg12 : memref<!tpu.dma_semaphore, #tpu.memory_space<semaphore_mem>>)
        } else {
        }
        %dma_wait3A_60 = arith.constant 0 : i32
        %dma_wait3A_61 = tpu.memref_slice %arg8[%add3A_46, %dma_wait3A_60] : memref<40x128xi32, #tpu.memory_space<vmem>> -> memref<1x128xi32, #tpu.memory_space<vmem>>
        %dma_wait3A_62 = tpu.memref_squeeze %dma_wait3A_61 : memref<1x128xi32, #tpu.memory_space<vmem>> -> memref<128xi32, #tpu.memory_space<vmem>>
        %dma_wait3A_63 = arith.constant 0 : i32
        %dma_wait3A_64 = arith.constant 0 : i32
        %dma_wait3A_65 = tpu.memref_slice %arg2[%dma_wait3A_63, %dma_wait3A_64] : memref<10240x128xf32, #tpu.memory_space<hbm>> -> memref<10240x128xf32, #tpu.memory_space<hbm>>
        tpu.wait_indirect_dma semaphore(%arg13 : memref<!tpu.dma_semaphore, #tpu.memory_space<semaphore_mem>>) src(%dma_wait3A_65 : memref<10240x128xf32, #tpu.memory_space<hbm>>) dst(%arg11 : memref<128x128xf32, #tpu.memory_space<vmem>>)
        "tpu.region"() ({
          %run_scoped3A = tpu.sem_alloc : memref<!tpu.dma_semaphore, #tpu.memory_space<semaphore_mem>>
          %dma_start3A_66 = arith.constant 0 : i32
          %dma_start3A_67 = tpu.memref_slice %arg9[%add3A_46, %dma_start3A_66] : memref<40x128xi32, #tpu.memory_space<vmem>> -> memref<1x128xi32, #tpu.memory_space<vmem>>
          %dma_start3A_68 = tpu.memref_squeeze %dma_start3A_67 : memref<1x128xi32, #tpu.memory_space<vmem>> -> memref<128xi32, #tpu.memory_space<vmem>>
          %dma_start3A_69 = arith.constant 0 : i32
          %dma_start3A_70 = arith.constant 0 : i32
          %dma_start3A_71 = tpu.memref_slice %arg7[%dma_start3A_69, %dma_start3A_70] : memref<10240x128xf32, #tpu.memory_space<vmem_shared>> -> memref<10240x128xf32, #tpu.memory_space<vmem_shared>>
          tpu.enqueue_indirect_dma source(%arg11 : memref<128x128xf32, #tpu.memory_space<vmem>>) target(%dma_start3A_71 : memref<10240x128xf32, #tpu.memory_space<vmem_shared>>) offsets(%dma_start3A_68 : memref<128xi32, #tpu.memory_space<vmem>>) semaphore(%run_scoped3A : memref<!tpu.dma_semaphore, #tpu.memory_space<semaphore_mem>>) {add = true}
          %dma_wait3A_72 = arith.constant 0 : i32
          %dma_wait3A_73 = tpu.memref_slice %arg9[%add3A_46, %dma_wait3A_72] : memref<40x128xi32, #tpu.memory_space<vmem>> -> memref<1x128xi32, #tpu.memory_space<vmem>>
          %dma_wait3A_74 = tpu.memref_squeeze %dma_wait3A_73 : memref<1x128xi32, #tpu.memory_space<vmem>> -> memref<128xi32, #tpu.memory_space<vmem>>
          %dma_wait3A_75 = arith.constant 0 : i32
          %dma_wait3A_76 = arith.constant 0 : i32
          %dma_wait3A_77 = tpu.memref_slice %arg7[%dma_wait3A_75, %dma_wait3A_76] : memref<10240x128xf32, #tpu.memory_space<vmem_shared>> -> memref<10240x128xf32, #tpu.memory_space<vmem_shared>>
          tpu.wait_indirect_dma semaphore(%run_scoped3A : memref<!tpu.dma_semaphore, #tpu.memory_space<semaphore_mem>>) src(%arg11 : memref<128x128xf32, #tpu.memory_space<vmem>>) dst(%dma_wait3A_77 : memref<10240x128xf32, #tpu.memory_space<vmem_shared>>)
          tpu.yield
        }) : () -> ()
      }
      %scan3A_41 = arith.constant 20 : i32
    }
    %barrier3A_20 = arith.constant 0 : index
    tpu.barrier barrier_id(%barrier3A_20)
    %mul3A_21 = arith.constant 640 : i32
    %mul3A_22 = arith.muli %arg1, %mul3A_21 : i32
    %mul3A_23 = arith.constant 640 : i32
    %mul3A_24 = arith.muli %arg1, %mul3A_23 : i32
    "tpu.region"() ({
      %run_scoped3A = tpu.sem_alloc : memref<!tpu.dma_semaphore, #tpu.memory_space<semaphore_mem>>
      %dma_start3A = arith.constant 0 : i32
      %dma_start3A_25 = tpu.memref_slice %arg6[%arg0, %mul3A_24, %dma_start3A] : memref<2x10240x128xf32, #tpu.memory_space<hbm>> -> memref<1x640x128xf32, #tpu.memory_space<hbm>>
      %dma_start3A_26 = tpu.memref_squeeze %dma_start3A_25 : memref<1x640x128xf32, #tpu.memory_space<hbm>> -> memref<640x128xf32, #tpu.memory_space<hbm>>
      %dma_start3A_27 = arith.constant 0 : i32
      %dma_start3A_28 = tpu.memref_slice %arg7[%mul3A_22, %dma_start3A_27] : memref<10240x128xf32, #tpu.memory_space<vmem_shared>> -> memref<640x128xf32, #tpu.memory_space<vmem_shared>>
      tpu.enqueue_dma source(%dma_start3A_28 : memref<640x128xf32, #tpu.memory_space<vmem_shared>>) target(%dma_start3A_26 : memref<640x128xf32, #tpu.memory_space<hbm>>) target_semaphore(%run_scoped3A : memref<!tpu.dma_semaphore, #tpu.memory_space<semaphore_mem>>)
      %dma_wait3A = arith.constant 0 : i32
      %dma_wait3A_29 = tpu.memref_slice %arg6[%arg0, %mul3A_24, %dma_wait3A] : memref<2x10240x128xf32, #tpu.memory_space<hbm>> -> memref<1x640x128xf32, #tpu.memory_space<hbm>>
      %dma_wait3A_30 = tpu.memref_squeeze %dma_wait3A_29 : memref<1x640x128xf32, #tpu.memory_space<hbm>> -> memref<640x128xf32, #tpu.memory_space<hbm>>
      %dma_wait3A_31 = arith.constant 0 : i32
      %dma_wait3A_32 = tpu.memref_slice %arg7[%mul3A_22, %dma_wait3A_31] : memref<10240x128xf32, #tpu.memory_space<vmem_shared>> -> memref<640x128xf32, #tpu.memory_space<vmem_shared>>
      tpu.wait_dma2 semaphore(%run_scoped3A : memref<!tpu.dma_semaphore, #tpu.memory_space<semaphore_mem>>) src(%dma_wait3A_32 : memref<640x128xf32, #tpu.memory_space<vmem_shared>>) dst(%dma_wait3A_30 : memref<640x128xf32, #tpu.memory_space<hbm>>)
      tpu.yield
    }) : () -> ()
    return
  }
}

#map = affine_map<(d0, d1) -> (0, 0)>
#map1 = affine_map<(d0, d1) -> (0, 0, 0)>
module attributes {stable_mosaic.version = 14 : i64} {
  func.func @sc_agg(%arg0: i32, %arg1: i32, %arg2: memref<10240x128xf32, #tpu.memory_space<hbm>>, %arg3: memref<2560x128xi32, #tpu.memory_space<hbm>>, %arg4: memref<2560x128xi32, #tpu.memory_space<hbm>>, %arg5: memref<640x128xf32, #tpu.memory_space<hbm>>, %arg6: memref<2x10240x128xf32, #tpu.memory_space<hbm>>, %arg7: memref<10240x128xf32, #tpu.memory_space<vmem_shared>>, %arg8: memref<40x128xi32, #tpu.memory_space<vmem>>, %arg9: memref<40x128xi32, #tpu.memory_space<vmem>>, %arg10: memref<128x128xf32, #tpu.memory_space<vmem>>, %arg11: memref<128x128xf32, #tpu.memory_space<vmem>>, %arg12: memref<!tpu.dma_semaphore, #tpu.memory_space<semaphore_mem>>, %arg13: memref<!tpu.dma_semaphore, #tpu.memory_space<semaphore_mem>>) attributes {dimension_semantics = [#tpu.dimension_semantics<core_parallel>, #tpu.dimension_semantics<subcore_parallel>], iteration_bounds = array<i64: 2, 16>, scalar_prefetch = 0 : i64, scratch_operands = 7 : i64, tpu.core_type = #tpu.core_type<sc_vector_subcore>, window_params = [{transform_indices = #map}, {transform_indices = #map}, {transform_indices = #map}, {transform_indices = #map}, {transform_indices = #map1}]} {
    %eq3A = arith.constant 0 : i32
    %eq3A_0 = arith.cmpi eq, %arg0, %eq3A : i32
    %mul3A = arith.constant 120 : i32
    %mul3A_1 = arith.muli %arg1, %mul3A : i32
    %mul3A_2 = arith.constant 40 : i32
    %mul3A_3 = arith.muli %arg1, %mul3A_2 : i32
    %add3A = arith.constant 1920 : i32
    %add3A_4 = arith.addi %add3A, %mul3A_3 : i32
    %select_n3A = arith.select %eq3A_0, %mul3A_1, %add3A_4 : i32
    %eq3A_5 = arith.constant 0 : i32
    %eq3A_6 = arith.cmpi eq, %arg0, %eq3A_5 : i32
    %jit3A = arith.constant 3 : i32
    %jit3A_7 = arith.constant 1 : i32
    %select_n3A_8 = arith.select %eq3A_6, %jit3A, %jit3A_7 : i32
    %mul3A_9 = arith.constant 640 : i32
    %mul3A_10 = arith.muli %arg1, %mul3A_9 : i32
    "tpu.region"() ({
      %run_scoped3A = tpu.sem_alloc : memref<!tpu.dma_semaphore, #tpu.memory_space<semaphore_mem>>
      %dma_start3A = arith.constant 0 : i32
      %dma_start3A_25 = tpu.memref_slice %arg7[%mul3A_10, %dma_start3A] : memref<10240x128xf32, #tpu.memory_space<vmem_shared>> -> memref<640x128xf32, #tpu.memory_space<vmem_shared>>
      tpu.enqueue_dma source(%arg5 : memref<640x128xf32, #tpu.memory_space<hbm>>) target(%dma_start3A_25 : memref<640x128xf32, #tpu.memory_space<vmem_shared>>) target_semaphore(%run_scoped3A : memref<!tpu.dma_semaphore, #tpu.memory_space<semaphore_mem>>)
      %dma_wait3A = arith.constant 0 : i32
      %dma_wait3A_26 = tpu.memref_slice %arg7[%mul3A_10, %dma_wait3A] : memref<10240x128xf32, #tpu.memory_space<vmem_shared>> -> memref<640x128xf32, #tpu.memory_space<vmem_shared>>
      tpu.wait_dma2 semaphore(%run_scoped3A : memref<!tpu.dma_semaphore, #tpu.memory_space<semaphore_mem>>) src(%arg5 : memref<640x128xf32, #tpu.memory_space<hbm>>) dst(%dma_wait3A_26 : memref<640x128xf32, #tpu.memory_space<vmem_shared>>)
      tpu.yield
    }) : () -> ()
    %barrier3A = arith.constant 0 : index
    tpu.barrier barrier_id(%barrier3A)
    %while3A = arith.constant 0 : i32
    %while3A_11 = arith.constant 0 : i32
    %while3A_12 = arith.subi %select_n3A_8, %while3A_11 : i32
    %while3A_13 = arith.addi %while3A_11, %while3A_12 : i32
    %while3A_14 = arith.constant 1 : i32
    %while3A_15 = arith.divsi %while3A_12, %while3A_14 : i32
    %while3A_16 = arith.muli %while3A_15, %while3A_14 : i32
    %while3A_17 = arith.addi %while3A_11, %while3A_16 : i32
    %while3A_18 = arith.constant 1 : i32
    scf.for %while3A_25 = %while3A_11 to %while3A_17 step %while3A_18  : i32 {
      %mul3A_26 = arith.constant 40 : i32
      %mul3A_27 = arith.muli %while3A_25, %mul3A_26 : i32
      %add3A_28 = arith.addi %select_n3A, %mul3A_27 : i32
      "tpu.region"() ({
        %run_scoped3A = tpu.sem_alloc : memref<!tpu.dma_semaphore, #tpu.memory_space<semaphore_mem>>
        %dma_start3A_42 = arith.constant 0 : i32
        %dma_start3A_43 = tpu.memref_slice %arg3[%add3A_28, %dma_start3A_42] : memref<2560x128xi32, #tpu.memory_space<hbm>> -> memref<40x128xi32, #tpu.memory_space<hbm>>
        %dma_start3A_44 = arith.constant 0 : i32
        %dma_start3A_45 = tpu.memref_slice %arg3[%add3A_28, %dma_start3A_44] : memref<2560x128xi32, #tpu.memory_space<hbm>> -> memref<40x128xi32, #tpu.memory_space<hbm>>
        tpu.enqueue_dma source(%dma_start3A_45 : memref<40x128xi32, #tpu.memory_space<hbm>>) target(%arg8 : memref<40x128xi32, #tpu.memory_space<vmem>>) target_semaphore(%run_scoped3A : memref<!tpu.dma_semaphore, #tpu.memory_space<semaphore_mem>>)
        %dma_wait3A = arith.constant 0 : i32
        %dma_wait3A_46 = tpu.memref_slice %arg3[%add3A_28, %dma_wait3A] : memref<2560x128xi32, #tpu.memory_space<hbm>> -> memref<40x128xi32, #tpu.memory_space<hbm>>
        %dma_wait3A_47 = arith.constant 0 : i32
        %dma_wait3A_48 = tpu.memref_slice %arg3[%add3A_28, %dma_wait3A_47] : memref<2560x128xi32, #tpu.memory_space<hbm>> -> memref<40x128xi32, #tpu.memory_space<hbm>>
        tpu.wait_dma2 semaphore(%run_scoped3A : memref<!tpu.dma_semaphore, #tpu.memory_space<semaphore_mem>>) src(%dma_wait3A_48 : memref<40x128xi32, #tpu.memory_space<hbm>>) dst(%arg8 : memref<40x128xi32, #tpu.memory_space<vmem>>)
        tpu.yield
      }) : () -> ()
      %mul3A_29 = arith.constant 40 : i32
      %mul3A_30 = arith.muli %while3A_25, %mul3A_29 : i32
      %add3A_31 = arith.addi %select_n3A, %mul3A_30 : i32
      "tpu.region"() ({
        %run_scoped3A = tpu.sem_alloc : memref<!tpu.dma_semaphore, #tpu.memory_space<semaphore_mem>>
        %dma_start3A_42 = arith.constant 0 : i32
        %dma_start3A_43 = tpu.memref_slice %arg4[%add3A_31, %dma_start3A_42] : memref<2560x128xi32, #tpu.memory_space<hbm>> -> memref<40x128xi32, #tpu.memory_space<hbm>>
        %dma_start3A_44 = arith.constant 0 : i32
        %dma_start3A_45 = tpu.memref_slice %arg4[%add3A_31, %dma_start3A_44] : memref<2560x128xi32, #tpu.memory_space<hbm>> -> memref<40x128xi32, #tpu.memory_space<hbm>>
        tpu.enqueue_dma source(%dma_start3A_45 : memref<40x128xi32, #tpu.memory_space<hbm>>) target(%arg9 : memref<40x128xi32, #tpu.memory_space<vmem>>) target_semaphore(%run_scoped3A : memref<!tpu.dma_semaphore, #tpu.memory_space<semaphore_mem>>)
        %dma_wait3A = arith.constant 0 : i32
        %dma_wait3A_46 = tpu.memref_slice %arg4[%add3A_31, %dma_wait3A] : memref<2560x128xi32, #tpu.memory_space<hbm>> -> memref<40x128xi32, #tpu.memory_space<hbm>>
        %dma_wait3A_47 = arith.constant 0 : i32
        %dma_wait3A_48 = tpu.memref_slice %arg4[%add3A_31, %dma_wait3A_47] : memref<2560x128xi32, #tpu.memory_space<hbm>> -> memref<40x128xi32, #tpu.memory_space<hbm>>
        tpu.wait_dma2 semaphore(%run_scoped3A : memref<!tpu.dma_semaphore, #tpu.memory_space<semaphore_mem>>) src(%dma_wait3A_48 : memref<40x128xi32, #tpu.memory_space<hbm>>) dst(%arg9 : memref<40x128xi32, #tpu.memory_space<vmem>>)
        tpu.yield
      }) : () -> ()
      %dma_start3A = arith.constant 0 : i32
      %dma_start3A_32 = arith.constant 0 : i32
      %dma_start3A_33 = tpu.memref_slice %arg8[%dma_start3A, %dma_start3A_32] : memref<40x128xi32, #tpu.memory_space<vmem>> -> memref<1x128xi32, #tpu.memory_space<vmem>>
      %dma_start3A_34 = tpu.memref_squeeze %dma_start3A_33 : memref<1x128xi32, #tpu.memory_space<vmem>> -> memref<128xi32, #tpu.memory_space<vmem>>
      %dma_start3A_35 = arith.constant 0 : i32
      %dma_start3A_36 = arith.constant 0 : i32
      %dma_start3A_37 = tpu.memref_slice %arg2[%dma_start3A_35, %dma_start3A_36] : memref<10240x128xf32, #tpu.memory_space<hbm>> -> memref<10240x128xf32, #tpu.memory_space<hbm>>
      tpu.enqueue_indirect_dma source(%dma_start3A_37 : memref<10240x128xf32, #tpu.memory_space<hbm>>) target(%arg10 : memref<128x128xf32, #tpu.memory_space<vmem>>) offsets(%dma_start3A_34 : memref<128xi32, #tpu.memory_space<vmem>>) semaphore(%arg12 : memref<!tpu.dma_semaphore, #tpu.memory_space<semaphore_mem>>)
      %scan3A = arith.constant 0 : i32
      %scan3A_38 = arith.constant 20 : i32
      %scan3A_39 = arith.addi %scan3A, %scan3A_38 : i32
      %scan3A_40 = arith.constant 1 : i32
      scf.for %scan3A_42 = %scan3A to %scan3A_39 step %scan3A_40  : i32 {
        %mul3A_43 = arith.constant 2 : i32
        %mul3A_44 = arith.muli %mul3A_43, %scan3A_42 : i32
        %add3A_45 = arith.constant 1 : i32
        %add3A_46 = arith.addi %mul3A_44, %add3A_45 : i32
        %dma_start3A_47 = arith.constant 0 : i32
        %dma_start3A_48 = tpu.memref_slice %arg8[%add3A_46, %dma_start3A_47] : memref<40x128xi32, #tpu.memory_space<vmem>> -> memref<1x128xi32, #tpu.memory_space<vmem>>
        %dma_start3A_49 = tpu.memref_squeeze %dma_start3A_48 : memref<1x128xi32, #tpu.memory_space<vmem>> -> memref<128xi32, #tpu.memory_space<vmem>>
        %dma_start3A_50 = arith.constant 0 : i32
        %dma_start3A_51 = arith.constant 0 : i32
        %dma_start3A_52 = tpu.memref_slice %arg2[%dma_start3A_50, %dma_start3A_51] : memref<10240x128xf32, #tpu.memory_space<hbm>> -> memref<10240x128xf32, #tpu.memory_space<hbm>>
        tpu.enqueue_indirect_dma source(%dma_start3A_52 : memref<10240x128xf32, #tpu.memory_space<hbm>>) target(%arg11 : memref<128x128xf32, #tpu.memory_space<vmem>>) offsets(%dma_start3A_49 : memref<128xi32, #tpu.memory_space<vmem>>) semaphore(%arg13 : memref<!tpu.dma_semaphore, #tpu.memory_space<semaphore_mem>>)
        %dma_wait3A = arith.constant 0 : i32
        %dma_wait3A_53 = tpu.memref_slice %arg8[%mul3A_44, %dma_wait3A] : memref<40x128xi32, #tpu.memory_space<vmem>> -> memref<1x128xi32, #tpu.memory_space<vmem>>
        %dma_wait3A_54 = tpu.memref_squeeze %dma_wait3A_53 : memref<1x128xi32, #tpu.memory_space<vmem>> -> memref<128xi32, #tpu.memory_space<vmem>>
        %dma_wait3A_55 = arith.constant 0 : i32
        %dma_wait3A_56 = arith.constant 0 : i32
        %dma_wait3A_57 = tpu.memref_slice %arg2[%dma_wait3A_55, %dma_wait3A_56] : memref<10240x128xf32, #tpu.memory_space<hbm>> -> memref<10240x128xf32, #tpu.memory_space<hbm>>
        tpu.wait_indirect_dma semaphore(%arg12 : memref<!tpu.dma_semaphore, #tpu.memory_space<semaphore_mem>>) src(%dma_wait3A_57 : memref<10240x128xf32, #tpu.memory_space<hbm>>) dst(%arg10 : memref<128x128xf32, #tpu.memory_space<vmem>>)
        "tpu.region"() ({
          %run_scoped3A = tpu.sem_alloc : memref<!tpu.dma_semaphore, #tpu.memory_space<semaphore_mem>>
          %dma_start3A_66 = arith.constant 0 : i32
          %dma_start3A_67 = tpu.memref_slice %arg9[%mul3A_44, %dma_start3A_66] : memref<40x128xi32, #tpu.memory_space<vmem>> -> memref<1x128xi32, #tpu.memory_space<vmem>>
          %dma_start3A_68 = tpu.memref_squeeze %dma_start3A_67 : memref<1x128xi32, #tpu.memory_space<vmem>> -> memref<128xi32, #tpu.memory_space<vmem>>
          %dma_start3A_69 = arith.constant 0 : i32
          %dma_start3A_70 = arith.constant 0 : i32
          %dma_start3A_71 = tpu.memref_slice %arg7[%dma_start3A_69, %dma_start3A_70] : memref<10240x128xf32, #tpu.memory_space<vmem_shared>> -> memref<10240x128xf32, #tpu.memory_space<vmem_shared>>
          tpu.enqueue_indirect_dma source(%arg10 : memref<128x128xf32, #tpu.memory_space<vmem>>) target(%dma_start3A_71 : memref<10240x128xf32, #tpu.memory_space<vmem_shared>>) offsets(%dma_start3A_68 : memref<128xi32, #tpu.memory_space<vmem>>) semaphore(%run_scoped3A : memref<!tpu.dma_semaphore, #tpu.memory_space<semaphore_mem>>) {add = true}
          %dma_wait3A_72 = arith.constant 0 : i32
          %dma_wait3A_73 = tpu.memref_slice %arg9[%mul3A_44, %dma_wait3A_72] : memref<40x128xi32, #tpu.memory_space<vmem>> -> memref<1x128xi32, #tpu.memory_space<vmem>>
          %dma_wait3A_74 = tpu.memref_squeeze %dma_wait3A_73 : memref<1x128xi32, #tpu.memory_space<vmem>> -> memref<128xi32, #tpu.memory_space<vmem>>
          %dma_wait3A_75 = arith.constant 0 : i32
          %dma_wait3A_76 = arith.constant 0 : i32
          %dma_wait3A_77 = tpu.memref_slice %arg7[%dma_wait3A_75, %dma_wait3A_76] : memref<10240x128xf32, #tpu.memory_space<vmem_shared>> -> memref<10240x128xf32, #tpu.memory_space<vmem_shared>>
          tpu.wait_indirect_dma semaphore(%run_scoped3A : memref<!tpu.dma_semaphore, #tpu.memory_space<semaphore_mem>>) src(%arg10 : memref<128x128xf32, #tpu.memory_space<vmem>>) dst(%dma_wait3A_77 : memref<10240x128xf32, #tpu.memory_space<vmem_shared>>)
          tpu.yield
        }) : () -> ()
        %lt3A = arith.constant 19 : i32
        %lt3A_58 = arith.cmpi slt, %scan3A_42, %lt3A : i32
        %convert_element_type3A = arith.extui %lt3A_58 : i1 to i32
        %cond3A = arith.constant 0 : i32
        %cond3A_59 = arith.cmpi ne, %convert_element_type3A, %cond3A : i32
        scf.if %cond3A_59 {
          %add3A_66 = arith.constant 2 : i32
          %add3A_67 = arith.addi %mul3A_44, %add3A_66 : i32
          %dma_start3A_68 = arith.constant 0 : i32
          %dma_start3A_69 = tpu.memref_slice %arg8[%add3A_67, %dma_start3A_68] : memref<40x128xi32, #tpu.memory_space<vmem>> -> memref<1x128xi32, #tpu.memory_space<vmem>>
          %dma_start3A_70 = tpu.memref_squeeze %dma_start3A_69 : memref<1x128xi32, #tpu.memory_space<vmem>> -> memref<128xi32, #tpu.memory_space<vmem>>
          %dma_start3A_71 = arith.constant 0 : i32
          %dma_start3A_72 = arith.constant 0 : i32
          %dma_start3A_73 = tpu.memref_slice %arg2[%dma_start3A_71, %dma_start3A_72] : memref<10240x128xf32, #tpu.memory_space<hbm>> -> memref<10240x128xf32, #tpu.memory_space<hbm>>
          tpu.enqueue_indirect_dma source(%dma_start3A_73 : memref<10240x128xf32, #tpu.memory_space<hbm>>) target(%arg10 : memref<128x128xf32, #tpu.memory_space<vmem>>) offsets(%dma_start3A_70 : memref<128xi32, #tpu.memory_space<vmem>>) semaphore(%arg12 : memref<!tpu.dma_semaphore, #tpu.memory_space<semaphore_mem>>)
        } else {
        }
        %dma_wait3A_60 = arith.constant 0 : i32
        %dma_wait3A_61 = tpu.memref_slice %arg8[%add3A_46, %dma_wait3A_60] : memref<40x128xi32, #tpu.memory_space<vmem>> -> memref<1x128xi32, #tpu.memory_space<vmem>>
        %dma_wait3A_62 = tpu.memref_squeeze %dma_wait3A_61 : memref<1x128xi32, #tpu.memory_space<vmem>> -> memref<128xi32, #tpu.memory_space<vmem>>
        %dma_wait3A_63 = arith.constant 0 : i32
        %dma_wait3A_64 = arith.constant 0 : i32
        %dma_wait3A_65 = tpu.memref_slice %arg2[%dma_wait3A_63, %dma_wait3A_64] : memref<10240x128xf32, #tpu.memory_space<hbm>> -> memref<10240x128xf32, #tpu.memory_space<hbm>>
        tpu.wait_indirect_dma semaphore(%arg13 : memref<!tpu.dma_semaphore, #tpu.memory_space<semaphore_mem>>) src(%dma_wait3A_65 : memref<10240x128xf32, #tpu.memory_space<hbm>>) dst(%arg11 : memref<128x128xf32, #tpu.memory_space<vmem>>)
        "tpu.region"() ({
          %run_scoped3A = tpu.sem_alloc : memref<!tpu.dma_semaphore, #tpu.memory_space<semaphore_mem>>
          %dma_start3A_66 = arith.constant 0 : i32
          %dma_start3A_67 = tpu.memref_slice %arg9[%add3A_46, %dma_start3A_66] : memref<40x128xi32, #tpu.memory_space<vmem>> -> memref<1x128xi32, #tpu.memory_space<vmem>>
          %dma_start3A_68 = tpu.memref_squeeze %dma_start3A_67 : memref<1x128xi32, #tpu.memory_space<vmem>> -> memref<128xi32, #tpu.memory_space<vmem>>
          %dma_start3A_69 = arith.constant 0 : i32
          %dma_start3A_70 = arith.constant 0 : i32
          %dma_start3A_71 = tpu.memref_slice %arg7[%dma_start3A_69, %dma_start3A_70] : memref<10240x128xf32, #tpu.memory_space<vmem_shared>> -> memref<10240x128xf32, #tpu.memory_space<vmem_shared>>
          tpu.enqueue_indirect_dma source(%arg11 : memref<128x128xf32, #tpu.memory_space<vmem>>) target(%dma_start3A_71 : memref<10240x128xf32, #tpu.memory_space<vmem_shared>>) offsets(%dma_start3A_68 : memref<128xi32, #tpu.memory_space<vmem>>) semaphore(%run_scoped3A : memref<!tpu.dma_semaphore, #tpu.memory_space<semaphore_mem>>) {add = true}
          %dma_wait3A_72 = arith.constant 0 : i32
          %dma_wait3A_73 = tpu.memref_slice %arg9[%add3A_46, %dma_wait3A_72] : memref<40x128xi32, #tpu.memory_space<vmem>> -> memref<1x128xi32, #tpu.memory_space<vmem>>
          %dma_wait3A_74 = tpu.memref_squeeze %dma_wait3A_73 : memref<1x128xi32, #tpu.memory_space<vmem>> -> memref<128xi32, #tpu.memory_space<vmem>>
          %dma_wait3A_75 = arith.constant 0 : i32
          %dma_wait3A_76 = arith.constant 0 : i32
          %dma_wait3A_77 = tpu.memref_slice %arg7[%dma_wait3A_75, %dma_wait3A_76] : memref<10240x128xf32, #tpu.memory_space<vmem_shared>> -> memref<10240x128xf32, #tpu.memory_space<vmem_shared>>
          tpu.wait_indirect_dma semaphore(%run_scoped3A : memref<!tpu.dma_semaphore, #tpu.memory_space<semaphore_mem>>) src(%arg11 : memref<128x128xf32, #tpu.memory_space<vmem>>) dst(%dma_wait3A_77 : memref<10240x128xf32, #tpu.memory_space<vmem_shared>>)
          tpu.yield
        }) : () -> ()
      }
      %scan3A_41 = arith.constant 20 : i32
    }
    %while3A_19 = arith.constant 1 : i32
    scf.for %while3A_25 = %while3A_17 to %while3A_13 step %while3A_19  : i32 {
      %mul3A_26 = arith.constant 40 : i32
      %mul3A_27 = arith.muli %while3A_25, %mul3A_26 : i32
      %add3A_28 = arith.addi %select_n3A, %mul3A_27 : i32
      "tpu.region"() ({
        %run_scoped3A = tpu.sem_alloc : memref<!tpu.dma_semaphore, #tpu.memory_space<semaphore_mem>>
        %dma_start3A_42 = arith.constant 0 : i32
        %dma_start3A_43 = tpu.memref_slice %arg3[%add3A_28, %dma_start3A_42] : memref<2560x128xi32, #tpu.memory_space<hbm>> -> memref<40x128xi32, #tpu.memory_space<hbm>>
        %dma_start3A_44 = arith.constant 0 : i32
        %dma_start3A_45 = tpu.memref_slice %arg3[%add3A_28, %dma_start3A_44] : memref<2560x128xi32, #tpu.memory_space<hbm>> -> memref<40x128xi32, #tpu.memory_space<hbm>>
        tpu.enqueue_dma source(%dma_start3A_45 : memref<40x128xi32, #tpu.memory_space<hbm>>) target(%arg8 : memref<40x128xi32, #tpu.memory_space<vmem>>) target_semaphore(%run_scoped3A : memref<!tpu.dma_semaphore, #tpu.memory_space<semaphore_mem>>)
        %dma_wait3A = arith.constant 0 : i32
        %dma_wait3A_46 = tpu.memref_slice %arg3[%add3A_28, %dma_wait3A] : memref<2560x128xi32, #tpu.memory_space<hbm>> -> memref<40x128xi32, #tpu.memory_space<hbm>>
        %dma_wait3A_47 = arith.constant 0 : i32
        %dma_wait3A_48 = tpu.memref_slice %arg3[%add3A_28, %dma_wait3A_47] : memref<2560x128xi32, #tpu.memory_space<hbm>> -> memref<40x128xi32, #tpu.memory_space<hbm>>
        tpu.wait_dma2 semaphore(%run_scoped3A : memref<!tpu.dma_semaphore, #tpu.memory_space<semaphore_mem>>) src(%dma_wait3A_48 : memref<40x128xi32, #tpu.memory_space<hbm>>) dst(%arg8 : memref<40x128xi32, #tpu.memory_space<vmem>>)
        tpu.yield
      }) : () -> ()
      %mul3A_29 = arith.constant 40 : i32
      %mul3A_30 = arith.muli %while3A_25, %mul3A_29 : i32
      %add3A_31 = arith.addi %select_n3A, %mul3A_30 : i32
      "tpu.region"() ({
        %run_scoped3A = tpu.sem_alloc : memref<!tpu.dma_semaphore, #tpu.memory_space<semaphore_mem>>
        %dma_start3A_42 = arith.constant 0 : i32
        %dma_start3A_43 = tpu.memref_slice %arg4[%add3A_31, %dma_start3A_42] : memref<2560x128xi32, #tpu.memory_space<hbm>> -> memref<40x128xi32, #tpu.memory_space<hbm>>
        %dma_start3A_44 = arith.constant 0 : i32
        %dma_start3A_45 = tpu.memref_slice %arg4[%add3A_31, %dma_start3A_44] : memref<2560x128xi32, #tpu.memory_space<hbm>> -> memref<40x128xi32, #tpu.memory_space<hbm>>
        tpu.enqueue_dma source(%dma_start3A_45 : memref<40x128xi32, #tpu.memory_space<hbm>>) target(%arg9 : memref<40x128xi32, #tpu.memory_space<vmem>>) target_semaphore(%run_scoped3A : memref<!tpu.dma_semaphore, #tpu.memory_space<semaphore_mem>>)
        %dma_wait3A = arith.constant 0 : i32
        %dma_wait3A_46 = tpu.memref_slice %arg4[%add3A_31, %dma_wait3A] : memref<2560x128xi32, #tpu.memory_space<hbm>> -> memref<40x128xi32, #tpu.memory_space<hbm>>
        %dma_wait3A_47 = arith.constant 0 : i32
        %dma_wait3A_48 = tpu.memref_slice %arg4[%add3A_31, %dma_wait3A_47] : memref<2560x128xi32, #tpu.memory_space<hbm>> -> memref<40x128xi32, #tpu.memory_space<hbm>>
        tpu.wait_dma2 semaphore(%run_scoped3A : memref<!tpu.dma_semaphore, #tpu.memory_space<semaphore_mem>>) src(%dma_wait3A_48 : memref<40x128xi32, #tpu.memory_space<hbm>>) dst(%arg9 : memref<40x128xi32, #tpu.memory_space<vmem>>)
        tpu.yield
      }) : () -> ()
      %dma_start3A = arith.constant 0 : i32
      %dma_start3A_32 = arith.constant 0 : i32
      %dma_start3A_33 = tpu.memref_slice %arg8[%dma_start3A, %dma_start3A_32] : memref<40x128xi32, #tpu.memory_space<vmem>> -> memref<1x128xi32, #tpu.memory_space<vmem>>
      %dma_start3A_34 = tpu.memref_squeeze %dma_start3A_33 : memref<1x128xi32, #tpu.memory_space<vmem>> -> memref<128xi32, #tpu.memory_space<vmem>>
      %dma_start3A_35 = arith.constant 0 : i32
      %dma_start3A_36 = arith.constant 0 : i32
      %dma_start3A_37 = tpu.memref_slice %arg2[%dma_start3A_35, %dma_start3A_36] : memref<10240x128xf32, #tpu.memory_space<hbm>> -> memref<10240x128xf32, #tpu.memory_space<hbm>>
      tpu.enqueue_indirect_dma source(%dma_start3A_37 : memref<10240x128xf32, #tpu.memory_space<hbm>>) target(%arg10 : memref<128x128xf32, #tpu.memory_space<vmem>>) offsets(%dma_start3A_34 : memref<128xi32, #tpu.memory_space<vmem>>) semaphore(%arg12 : memref<!tpu.dma_semaphore, #tpu.memory_space<semaphore_mem>>)
      %scan3A = arith.constant 0 : i32
      %scan3A_38 = arith.constant 20 : i32
      %scan3A_39 = arith.addi %scan3A, %scan3A_38 : i32
      %scan3A_40 = arith.constant 1 : i32
      scf.for %scan3A_42 = %scan3A to %scan3A_39 step %scan3A_40  : i32 {
        %mul3A_43 = arith.constant 2 : i32
        %mul3A_44 = arith.muli %mul3A_43, %scan3A_42 : i32
        %add3A_45 = arith.constant 1 : i32
        %add3A_46 = arith.addi %mul3A_44, %add3A_45 : i32
        %dma_start3A_47 = arith.constant 0 : i32
        %dma_start3A_48 = tpu.memref_slice %arg8[%add3A_46, %dma_start3A_47] : memref<40x128xi32, #tpu.memory_space<vmem>> -> memref<1x128xi32, #tpu.memory_space<vmem>>
        %dma_start3A_49 = tpu.memref_squeeze %dma_start3A_48 : memref<1x128xi32, #tpu.memory_space<vmem>> -> memref<128xi32, #tpu.memory_space<vmem>>
        %dma_start3A_50 = arith.constant 0 : i32
        %dma_start3A_51 = arith.constant 0 : i32
        %dma_start3A_52 = tpu.memref_slice %arg2[%dma_start3A_50, %dma_start3A_51] : memref<10240x128xf32, #tpu.memory_space<hbm>> -> memref<10240x128xf32, #tpu.memory_space<hbm>>
        tpu.enqueue_indirect_dma source(%dma_start3A_52 : memref<10240x128xf32, #tpu.memory_space<hbm>>) target(%arg11 : memref<128x128xf32, #tpu.memory_space<vmem>>) offsets(%dma_start3A_49 : memref<128xi32, #tpu.memory_space<vmem>>) semaphore(%arg13 : memref<!tpu.dma_semaphore, #tpu.memory_space<semaphore_mem>>)
        %dma_wait3A = arith.constant 0 : i32
        %dma_wait3A_53 = tpu.memref_slice %arg8[%mul3A_44, %dma_wait3A] : memref<40x128xi32, #tpu.memory_space<vmem>> -> memref<1x128xi32, #tpu.memory_space<vmem>>
        %dma_wait3A_54 = tpu.memref_squeeze %dma_wait3A_53 : memref<1x128xi32, #tpu.memory_space<vmem>> -> memref<128xi32, #tpu.memory_space<vmem>>
        %dma_wait3A_55 = arith.constant 0 : i32
        %dma_wait3A_56 = arith.constant 0 : i32
        %dma_wait3A_57 = tpu.memref_slice %arg2[%dma_wait3A_55, %dma_wait3A_56] : memref<10240x128xf32, #tpu.memory_space<hbm>> -> memref<10240x128xf32, #tpu.memory_space<hbm>>
        tpu.wait_indirect_dma semaphore(%arg12 : memref<!tpu.dma_semaphore, #tpu.memory_space<semaphore_mem>>) src(%dma_wait3A_57 : memref<10240x128xf32, #tpu.memory_space<hbm>>) dst(%arg10 : memref<128x128xf32, #tpu.memory_space<vmem>>)
        "tpu.region"() ({
          %run_scoped3A = tpu.sem_alloc : memref<!tpu.dma_semaphore, #tpu.memory_space<semaphore_mem>>
          %dma_start3A_66 = arith.constant 0 : i32
          %dma_start3A_67 = tpu.memref_slice %arg9[%mul3A_44, %dma_start3A_66] : memref<40x128xi32, #tpu.memory_space<vmem>> -> memref<1x128xi32, #tpu.memory_space<vmem>>
          %dma_start3A_68 = tpu.memref_squeeze %dma_start3A_67 : memref<1x128xi32, #tpu.memory_space<vmem>> -> memref<128xi32, #tpu.memory_space<vmem>>
          %dma_start3A_69 = arith.constant 0 : i32
          %dma_start3A_70 = arith.constant 0 : i32
          %dma_start3A_71 = tpu.memref_slice %arg7[%dma_start3A_69, %dma_start3A_70] : memref<10240x128xf32, #tpu.memory_space<vmem_shared>> -> memref<10240x128xf32, #tpu.memory_space<vmem_shared>>
          tpu.enqueue_indirect_dma source(%arg10 : memref<128x128xf32, #tpu.memory_space<vmem>>) target(%dma_start3A_71 : memref<10240x128xf32, #tpu.memory_space<vmem_shared>>) offsets(%dma_start3A_68 : memref<128xi32, #tpu.memory_space<vmem>>) semaphore(%run_scoped3A : memref<!tpu.dma_semaphore, #tpu.memory_space<semaphore_mem>>) {add = true}
          %dma_wait3A_72 = arith.constant 0 : i32
          %dma_wait3A_73 = tpu.memref_slice %arg9[%mul3A_44, %dma_wait3A_72] : memref<40x128xi32, #tpu.memory_space<vmem>> -> memref<1x128xi32, #tpu.memory_space<vmem>>
          %dma_wait3A_74 = tpu.memref_squeeze %dma_wait3A_73 : memref<1x128xi32, #tpu.memory_space<vmem>> -> memref<128xi32, #tpu.memory_space<vmem>>
          %dma_wait3A_75 = arith.constant 0 : i32
          %dma_wait3A_76 = arith.constant 0 : i32
          %dma_wait3A_77 = tpu.memref_slice %arg7[%dma_wait3A_75, %dma_wait3A_76] : memref<10240x128xf32, #tpu.memory_space<vmem_shared>> -> memref<10240x128xf32, #tpu.memory_space<vmem_shared>>
          tpu.wait_indirect_dma semaphore(%run_scoped3A : memref<!tpu.dma_semaphore, #tpu.memory_space<semaphore_mem>>) src(%arg10 : memref<128x128xf32, #tpu.memory_space<vmem>>) dst(%dma_wait3A_77 : memref<10240x128xf32, #tpu.memory_space<vmem_shared>>)
          tpu.yield
        }) : () -> ()
        %lt3A = arith.constant 19 : i32
        %lt3A_58 = arith.cmpi slt, %scan3A_42, %lt3A : i32
        %convert_element_type3A = arith.extui %lt3A_58 : i1 to i32
        %cond3A = arith.constant 0 : i32
        %cond3A_59 = arith.cmpi ne, %convert_element_type3A, %cond3A : i32
        scf.if %cond3A_59 {
          %add3A_66 = arith.constant 2 : i32
          %add3A_67 = arith.addi %mul3A_44, %add3A_66 : i32
          %dma_start3A_68 = arith.constant 0 : i32
          %dma_start3A_69 = tpu.memref_slice %arg8[%add3A_67, %dma_start3A_68] : memref<40x128xi32, #tpu.memory_space<vmem>> -> memref<1x128xi32, #tpu.memory_space<vmem>>
          %dma_start3A_70 = tpu.memref_squeeze %dma_start3A_69 : memref<1x128xi32, #tpu.memory_space<vmem>> -> memref<128xi32, #tpu.memory_space<vmem>>
          %dma_start3A_71 = arith.constant 0 : i32
          %dma_start3A_72 = arith.constant 0 : i32
          %dma_start3A_73 = tpu.memref_slice %arg2[%dma_start3A_71, %dma_start3A_72] : memref<10240x128xf32, #tpu.memory_space<hbm>> -> memref<10240x128xf32, #tpu.memory_space<hbm>>
          tpu.enqueue_indirect_dma source(%dma_start3A_73 : memref<10240x128xf32, #tpu.memory_space<hbm>>) target(%arg10 : memref<128x128xf32, #tpu.memory_space<vmem>>) offsets(%dma_start3A_70 : memref<128xi32, #tpu.memory_space<vmem>>) semaphore(%arg12 : memref<!tpu.dma_semaphore, #tpu.memory_space<semaphore_mem>>)
        } else {
        }
        %dma_wait3A_60 = arith.constant 0 : i32
        %dma_wait3A_61 = tpu.memref_slice %arg8[%add3A_46, %dma_wait3A_60] : memref<40x128xi32, #tpu.memory_space<vmem>> -> memref<1x128xi32, #tpu.memory_space<vmem>>
        %dma_wait3A_62 = tpu.memref_squeeze %dma_wait3A_61 : memref<1x128xi32, #tpu.memory_space<vmem>> -> memref<128xi32, #tpu.memory_space<vmem>>
        %dma_wait3A_63 = arith.constant 0 : i32
        %dma_wait3A_64 = arith.constant 0 : i32
        %dma_wait3A_65 = tpu.memref_slice %arg2[%dma_wait3A_63, %dma_wait3A_64] : memref<10240x128xf32, #tpu.memory_space<hbm>> -> memref<10240x128xf32, #tpu.memory_space<hbm>>
        tpu.wait_indirect_dma semaphore(%arg13 : memref<!tpu.dma_semaphore, #tpu.memory_space<semaphore_mem>>) src(%dma_wait3A_65 : memref<10240x128xf32, #tpu.memory_space<hbm>>) dst(%arg11 : memref<128x128xf32, #tpu.memory_space<vmem>>)
        "tpu.region"() ({
          %run_scoped3A = tpu.sem_alloc : memref<!tpu.dma_semaphore, #tpu.memory_space<semaphore_mem>>
          %dma_start3A_66 = arith.constant 0 : i32
          %dma_start3A_67 = tpu.memref_slice %arg9[%add3A_46, %dma_start3A_66] : memref<40x128xi32, #tpu.memory_space<vmem>> -> memref<1x128xi32, #tpu.memory_space<vmem>>
          %dma_start3A_68 = tpu.memref_squeeze %dma_start3A_67 : memref<1x128xi32, #tpu.memory_space<vmem>> -> memref<128xi32, #tpu.memory_space<vmem>>
          %dma_start3A_69 = arith.constant 0 : i32
          %dma_start3A_70 = arith.constant 0 : i32
          %dma_start3A_71 = tpu.memref_slice %arg7[%dma_start3A_69, %dma_start3A_70] : memref<10240x128xf32, #tpu.memory_space<vmem_shared>> -> memref<10240x128xf32, #tpu.memory_space<vmem_shared>>
          tpu.enqueue_indirect_dma source(%arg11 : memref<128x128xf32, #tpu.memory_space<vmem>>) target(%dma_start3A_71 : memref<10240x128xf32, #tpu.memory_space<vmem_shared>>) offsets(%dma_start3A_68 : memref<128xi32, #tpu.memory_space<vmem>>) semaphore(%run_scoped3A : memref<!tpu.dma_semaphore, #tpu.memory_space<semaphore_mem>>) {add = true}
          %dma_wait3A_72 = arith.constant 0 : i32
          %dma_wait3A_73 = tpu.memref_slice %arg9[%add3A_46, %dma_wait3A_72] : memref<40x128xi32, #tpu.memory_space<vmem>> -> memref<1x128xi32, #tpu.memory_space<vmem>>
          %dma_wait3A_74 = tpu.memref_squeeze %dma_wait3A_73 : memref<1x128xi32, #tpu.memory_space<vmem>> -> memref<128xi32, #tpu.memory_space<vmem>>
          %dma_wait3A_75 = arith.constant 0 : i32
          %dma_wait3A_76 = arith.constant 0 : i32
          %dma_wait3A_77 = tpu.memref_slice %arg7[%dma_wait3A_75, %dma_wait3A_76] : memref<10240x128xf32, #tpu.memory_space<vmem_shared>> -> memref<10240x128xf32, #tpu.memory_space<vmem_shared>>
          tpu.wait_indirect_dma semaphore(%run_scoped3A : memref<!tpu.dma_semaphore, #tpu.memory_space<semaphore_mem>>) src(%arg11 : memref<128x128xf32, #tpu.memory_space<vmem>>) dst(%dma_wait3A_77 : memref<10240x128xf32, #tpu.memory_space<vmem_shared>>)
          tpu.yield
        }) : () -> ()
      }
      %scan3A_41 = arith.constant 20 : i32
    }
    %barrier3A_20 = arith.constant 0 : index
    tpu.barrier barrier_id(%barrier3A_20)
    %mul3A_21 = arith.constant 640 : i32
    %mul3A_22 = arith.muli %arg1, %mul3A_21 : i32
    %mul3A_23 = arith.constant 640 : i32
    %mul3A_24 = arith.muli %arg1, %mul3A_23 : i32
    "tpu.region"() ({
      %run_scoped3A = tpu.sem_alloc : memref<!tpu.dma_semaphore, #tpu.memory_space<semaphore_mem>>
      %dma_start3A = arith.constant 0 : i32
      %dma_start3A_25 = tpu.memref_slice %arg6[%arg0, %mul3A_24, %dma_start3A] : memref<2x10240x128xf32, #tpu.memory_space<hbm>> -> memref<1x640x128xf32, #tpu.memory_space<hbm>>
      %dma_start3A_26 = tpu.memref_squeeze %dma_start3A_25 : memref<1x640x128xf32, #tpu.memory_space<hbm>> -> memref<640x128xf32, #tpu.memory_space<hbm>>
      %dma_start3A_27 = arith.constant 0 : i32
      %dma_start3A_28 = tpu.memref_slice %arg7[%mul3A_22, %dma_start3A_27] : memref<10240x128xf32, #tpu.memory_space<vmem_shared>> -> memref<640x128xf32, #tpu.memory_space<vmem_shared>>
      tpu.enqueue_dma source(%dma_start3A_28 : memref<640x128xf32, #tpu.memory_space<vmem_shared>>) target(%dma_start3A_26 : memref<640x128xf32, #tpu.memory_space<hbm>>) target_semaphore(%run_scoped3A : memref<!tpu.dma_semaphore, #tpu.memory_space<semaphore_mem>>)
      %dma_wait3A = arith.constant 0 : i32
      %dma_wait3A_29 = tpu.memref_slice %arg6[%arg0, %mul3A_24, %dma_wait3A] : memref<2x10240x128xf32, #tpu.memory_space<hbm>> -> memref<1x640x128xf32, #tpu.memory_space<hbm>>
      %dma_wait3A_30 = tpu.memref_squeeze %dma_wait3A_29 : memref<1x640x128xf32, #tpu.memory_space<hbm>> -> memref<640x128xf32, #tpu.memory_space<hbm>>
      %dma_wait3A_31 = arith.constant 0 : i32
      %dma_wait3A_32 = tpu.memref_slice %arg7[%mul3A_22, %dma_wait3A_31] : memref<10240x128xf32, #tpu.memory_space<vmem_shared>> -> memref<640x128xf32, #tpu.memory_space<vmem_shared>>
      tpu.wait_dma2 semaphore(%run_scoped3A : memref<!tpu.dma_semaphore, #tpu.memory_space<semaphore_mem>>) src(%dma_wait3A_32 : memref<640x128xf32, #tpu.memory_space<vmem_shared>>) dst(%dma_wait3A_30 : memref<640x128xf32, #tpu.memory_space<hbm>>)
      tpu.yield
    }) : () -> ()
    return
  }
}

#map = affine_map<(d0, d1) -> (0, 0)>
#map1 = affine_map<(d0, d1) -> (0, 0, 0)>
module attributes {stable_mosaic.version = 14 : i64} {
  func.func @sc_agg(%arg0: i32, %arg1: i32, %arg2: memref<10240x128xf32, #tpu.memory_space<hbm>>, %arg3: memref<2560x128xi32, #tpu.memory_space<hbm>>, %arg4: memref<2560x128xi32, #tpu.memory_space<hbm>>, %arg5: memref<640x128xf32, #tpu.memory_space<hbm>>, %arg6: memref<2x10240x128xf32, #tpu.memory_space<hbm>>, %arg7: memref<10240x128xf32, #tpu.memory_space<vmem_shared>>, %arg8: memref<40x128xi32, #tpu.memory_space<vmem>>, %arg9: memref<40x128xi32, #tpu.memory_space<vmem>>, %arg10: memref<128x128xf32, #tpu.memory_space<vmem>>, %arg11: memref<128x128xf32, #tpu.memory_space<vmem>>, %arg12: memref<!tpu.dma_semaphore, #tpu.memory_space<semaphore_mem>>, %arg13: memref<!tpu.dma_semaphore, #tpu.memory_space<semaphore_mem>>) attributes {dimension_semantics = [#tpu.dimension_semantics<core_parallel>, #tpu.dimension_semantics<subcore_parallel>], iteration_bounds = array<i64: 2, 16>, scalar_prefetch = 0 : i64, scratch_operands = 7 : i64, tpu.core_type = #tpu.core_type<sc_vector_subcore>, window_params = [{transform_indices = #map}, {transform_indices = #map}, {transform_indices = #map}, {transform_indices = #map}, {transform_indices = #map1}]} {
    %eq3A = arith.constant 0 : i32
    %eq3A_0 = arith.cmpi eq, %arg0, %eq3A : i32
    %mul3A = arith.constant 120 : i32
    %mul3A_1 = arith.muli %arg1, %mul3A : i32
    %mul3A_2 = arith.constant 40 : i32
    %mul3A_3 = arith.muli %arg1, %mul3A_2 : i32
    %add3A = arith.constant 1920 : i32
    %add3A_4 = arith.addi %add3A, %mul3A_3 : i32
    %select_n3A = arith.select %eq3A_0, %mul3A_1, %add3A_4 : i32
    %eq3A_5 = arith.constant 0 : i32
    %eq3A_6 = arith.cmpi eq, %arg0, %eq3A_5 : i32
    %jit3A = arith.constant 3 : i32
    %jit3A_7 = arith.constant 1 : i32
    %select_n3A_8 = arith.select %eq3A_6, %jit3A, %jit3A_7 : i32
    %mul3A_9 = arith.constant 640 : i32
    %mul3A_10 = arith.muli %arg1, %mul3A_9 : i32
    "tpu.region"() ({
      %run_scoped3A = tpu.sem_alloc : memref<!tpu.dma_semaphore, #tpu.memory_space<semaphore_mem>>
      %dma_start3A = arith.constant 0 : i32
      %dma_start3A_25 = tpu.memref_slice %arg7[%mul3A_10, %dma_start3A] : memref<10240x128xf32, #tpu.memory_space<vmem_shared>> -> memref<640x128xf32, #tpu.memory_space<vmem_shared>>
      tpu.enqueue_dma source(%arg5 : memref<640x128xf32, #tpu.memory_space<hbm>>) target(%dma_start3A_25 : memref<640x128xf32, #tpu.memory_space<vmem_shared>>) target_semaphore(%run_scoped3A : memref<!tpu.dma_semaphore, #tpu.memory_space<semaphore_mem>>)
      %dma_wait3A = arith.constant 0 : i32
      %dma_wait3A_26 = tpu.memref_slice %arg7[%mul3A_10, %dma_wait3A] : memref<10240x128xf32, #tpu.memory_space<vmem_shared>> -> memref<640x128xf32, #tpu.memory_space<vmem_shared>>
      tpu.wait_dma2 semaphore(%run_scoped3A : memref<!tpu.dma_semaphore, #tpu.memory_space<semaphore_mem>>) src(%arg5 : memref<640x128xf32, #tpu.memory_space<hbm>>) dst(%dma_wait3A_26 : memref<640x128xf32, #tpu.memory_space<vmem_shared>>)
      tpu.yield
    }) : () -> ()
    %barrier3A = arith.constant 0 : index
    tpu.barrier barrier_id(%barrier3A)
    %while3A = arith.constant 0 : i32
    %while3A_11 = arith.constant 0 : i32
    %while3A_12 = arith.subi %select_n3A_8, %while3A_11 : i32
    %while3A_13 = arith.addi %while3A_11, %while3A_12 : i32
    %while3A_14 = arith.constant 1 : i32
    %while3A_15 = arith.divsi %while3A_12, %while3A_14 : i32
    %while3A_16 = arith.muli %while3A_15, %while3A_14 : i32
    %while3A_17 = arith.addi %while3A_11, %while3A_16 : i32
    %while3A_18 = arith.constant 1 : i32
    scf.for %while3A_25 = %while3A_11 to %while3A_17 step %while3A_18  : i32 {
      %mul3A_26 = arith.constant 40 : i32
      %mul3A_27 = arith.muli %while3A_25, %mul3A_26 : i32
      %add3A_28 = arith.addi %select_n3A, %mul3A_27 : i32
      "tpu.region"() ({
        %run_scoped3A = tpu.sem_alloc : memref<!tpu.dma_semaphore, #tpu.memory_space<semaphore_mem>>
        %dma_start3A_42 = arith.constant 0 : i32
        %dma_start3A_43 = tpu.memref_slice %arg3[%add3A_28, %dma_start3A_42] : memref<2560x128xi32, #tpu.memory_space<hbm>> -> memref<40x128xi32, #tpu.memory_space<hbm>>
        %dma_start3A_44 = arith.constant 0 : i32
        %dma_start3A_45 = tpu.memref_slice %arg3[%add3A_28, %dma_start3A_44] : memref<2560x128xi32, #tpu.memory_space<hbm>> -> memref<40x128xi32, #tpu.memory_space<hbm>>
        tpu.enqueue_dma source(%dma_start3A_45 : memref<40x128xi32, #tpu.memory_space<hbm>>) target(%arg8 : memref<40x128xi32, #tpu.memory_space<vmem>>) target_semaphore(%run_scoped3A : memref<!tpu.dma_semaphore, #tpu.memory_space<semaphore_mem>>)
        %dma_wait3A = arith.constant 0 : i32
        %dma_wait3A_46 = tpu.memref_slice %arg3[%add3A_28, %dma_wait3A] : memref<2560x128xi32, #tpu.memory_space<hbm>> -> memref<40x128xi32, #tpu.memory_space<hbm>>
        %dma_wait3A_47 = arith.constant 0 : i32
        %dma_wait3A_48 = tpu.memref_slice %arg3[%add3A_28, %dma_wait3A_47] : memref<2560x128xi32, #tpu.memory_space<hbm>> -> memref<40x128xi32, #tpu.memory_space<hbm>>
        tpu.wait_dma2 semaphore(%run_scoped3A : memref<!tpu.dma_semaphore, #tpu.memory_space<semaphore_mem>>) src(%dma_wait3A_48 : memref<40x128xi32, #tpu.memory_space<hbm>>) dst(%arg8 : memref<40x128xi32, #tpu.memory_space<vmem>>)
        tpu.yield
      }) : () -> ()
      %mul3A_29 = arith.constant 40 : i32
      %mul3A_30 = arith.muli %while3A_25, %mul3A_29 : i32
      %add3A_31 = arith.addi %select_n3A, %mul3A_30 : i32
      "tpu.region"() ({
        %run_scoped3A = tpu.sem_alloc : memref<!tpu.dma_semaphore, #tpu.memory_space<semaphore_mem>>
        %dma_start3A_42 = arith.constant 0 : i32
        %dma_start3A_43 = tpu.memref_slice %arg4[%add3A_31, %dma_start3A_42] : memref<2560x128xi32, #tpu.memory_space<hbm>> -> memref<40x128xi32, #tpu.memory_space<hbm>>
        %dma_start3A_44 = arith.constant 0 : i32
        %dma_start3A_45 = tpu.memref_slice %arg4[%add3A_31, %dma_start3A_44] : memref<2560x128xi32, #tpu.memory_space<hbm>> -> memref<40x128xi32, #tpu.memory_space<hbm>>
        tpu.enqueue_dma source(%dma_start3A_45 : memref<40x128xi32, #tpu.memory_space<hbm>>) target(%arg9 : memref<40x128xi32, #tpu.memory_space<vmem>>) target_semaphore(%run_scoped3A : memref<!tpu.dma_semaphore, #tpu.memory_space<semaphore_mem>>)
        %dma_wait3A = arith.constant 0 : i32
        %dma_wait3A_46 = tpu.memref_slice %arg4[%add3A_31, %dma_wait3A] : memref<2560x128xi32, #tpu.memory_space<hbm>> -> memref<40x128xi32, #tpu.memory_space<hbm>>
        %dma_wait3A_47 = arith.constant 0 : i32
        %dma_wait3A_48 = tpu.memref_slice %arg4[%add3A_31, %dma_wait3A_47] : memref<2560x128xi32, #tpu.memory_space<hbm>> -> memref<40x128xi32, #tpu.memory_space<hbm>>
        tpu.wait_dma2 semaphore(%run_scoped3A : memref<!tpu.dma_semaphore, #tpu.memory_space<semaphore_mem>>) src(%dma_wait3A_48 : memref<40x128xi32, #tpu.memory_space<hbm>>) dst(%arg9 : memref<40x128xi32, #tpu.memory_space<vmem>>)
        tpu.yield
      }) : () -> ()
      %dma_start3A = arith.constant 0 : i32
      %dma_start3A_32 = arith.constant 0 : i32
      %dma_start3A_33 = tpu.memref_slice %arg8[%dma_start3A, %dma_start3A_32] : memref<40x128xi32, #tpu.memory_space<vmem>> -> memref<1x128xi32, #tpu.memory_space<vmem>>
      %dma_start3A_34 = tpu.memref_squeeze %dma_start3A_33 : memref<1x128xi32, #tpu.memory_space<vmem>> -> memref<128xi32, #tpu.memory_space<vmem>>
      %dma_start3A_35 = arith.constant 0 : i32
      %dma_start3A_36 = arith.constant 0 : i32
      %dma_start3A_37 = tpu.memref_slice %arg2[%dma_start3A_35, %dma_start3A_36] : memref<10240x128xf32, #tpu.memory_space<hbm>> -> memref<10240x128xf32, #tpu.memory_space<hbm>>
      tpu.enqueue_indirect_dma source(%dma_start3A_37 : memref<10240x128xf32, #tpu.memory_space<hbm>>) target(%arg10 : memref<128x128xf32, #tpu.memory_space<vmem>>) offsets(%dma_start3A_34 : memref<128xi32, #tpu.memory_space<vmem>>) semaphore(%arg12 : memref<!tpu.dma_semaphore, #tpu.memory_space<semaphore_mem>>)
      %scan3A = arith.constant 0 : i32
      %scan3A_38 = arith.constant 20 : i32
      %scan3A_39 = arith.addi %scan3A, %scan3A_38 : i32
      %scan3A_40 = arith.constant 1 : i32
      scf.for %scan3A_42 = %scan3A to %scan3A_39 step %scan3A_40  : i32 {
        %mul3A_43 = arith.constant 2 : i32
        %mul3A_44 = arith.muli %mul3A_43, %scan3A_42 : i32
        %add3A_45 = arith.constant 1 : i32
        %add3A_46 = arith.addi %mul3A_44, %add3A_45 : i32
        %dma_start3A_47 = arith.constant 0 : i32
        %dma_start3A_48 = tpu.memref_slice %arg8[%add3A_46, %dma_start3A_47] : memref<40x128xi32, #tpu.memory_space<vmem>> -> memref<1x128xi32, #tpu.memory_space<vmem>>
        %dma_start3A_49 = tpu.memref_squeeze %dma_start3A_48 : memref<1x128xi32, #tpu.memory_space<vmem>> -> memref<128xi32, #tpu.memory_space<vmem>>
        %dma_start3A_50 = arith.constant 0 : i32
        %dma_start3A_51 = arith.constant 0 : i32
        %dma_start3A_52 = tpu.memref_slice %arg2[%dma_start3A_50, %dma_start3A_51] : memref<10240x128xf32, #tpu.memory_space<hbm>> -> memref<10240x128xf32, #tpu.memory_space<hbm>>
        tpu.enqueue_indirect_dma source(%dma_start3A_52 : memref<10240x128xf32, #tpu.memory_space<hbm>>) target(%arg11 : memref<128x128xf32, #tpu.memory_space<vmem>>) offsets(%dma_start3A_49 : memref<128xi32, #tpu.memory_space<vmem>>) semaphore(%arg13 : memref<!tpu.dma_semaphore, #tpu.memory_space<semaphore_mem>>)
        %dma_wait3A = arith.constant 0 : i32
        %dma_wait3A_53 = tpu.memref_slice %arg8[%mul3A_44, %dma_wait3A] : memref<40x128xi32, #tpu.memory_space<vmem>> -> memref<1x128xi32, #tpu.memory_space<vmem>>
        %dma_wait3A_54 = tpu.memref_squeeze %dma_wait3A_53 : memref<1x128xi32, #tpu.memory_space<vmem>> -> memref<128xi32, #tpu.memory_space<vmem>>
        %dma_wait3A_55 = arith.constant 0 : i32
        %dma_wait3A_56 = arith.constant 0 : i32
        %dma_wait3A_57 = tpu.memref_slice %arg2[%dma_wait3A_55, %dma_wait3A_56] : memref<10240x128xf32, #tpu.memory_space<hbm>> -> memref<10240x128xf32, #tpu.memory_space<hbm>>
        tpu.wait_indirect_dma semaphore(%arg12 : memref<!tpu.dma_semaphore, #tpu.memory_space<semaphore_mem>>) src(%dma_wait3A_57 : memref<10240x128xf32, #tpu.memory_space<hbm>>) dst(%arg10 : memref<128x128xf32, #tpu.memory_space<vmem>>)
        "tpu.region"() ({
          %run_scoped3A = tpu.sem_alloc : memref<!tpu.dma_semaphore, #tpu.memory_space<semaphore_mem>>
          %dma_start3A_66 = arith.constant 0 : i32
          %dma_start3A_67 = tpu.memref_slice %arg9[%mul3A_44, %dma_start3A_66] : memref<40x128xi32, #tpu.memory_space<vmem>> -> memref<1x128xi32, #tpu.memory_space<vmem>>
          %dma_start3A_68 = tpu.memref_squeeze %dma_start3A_67 : memref<1x128xi32, #tpu.memory_space<vmem>> -> memref<128xi32, #tpu.memory_space<vmem>>
          %dma_start3A_69 = arith.constant 0 : i32
          %dma_start3A_70 = arith.constant 0 : i32
          %dma_start3A_71 = tpu.memref_slice %arg7[%dma_start3A_69, %dma_start3A_70] : memref<10240x128xf32, #tpu.memory_space<vmem_shared>> -> memref<10240x128xf32, #tpu.memory_space<vmem_shared>>
          tpu.enqueue_indirect_dma source(%arg10 : memref<128x128xf32, #tpu.memory_space<vmem>>) target(%dma_start3A_71 : memref<10240x128xf32, #tpu.memory_space<vmem_shared>>) offsets(%dma_start3A_68 : memref<128xi32, #tpu.memory_space<vmem>>) semaphore(%run_scoped3A : memref<!tpu.dma_semaphore, #tpu.memory_space<semaphore_mem>>) {add = true}
          %dma_wait3A_72 = arith.constant 0 : i32
          %dma_wait3A_73 = tpu.memref_slice %arg9[%mul3A_44, %dma_wait3A_72] : memref<40x128xi32, #tpu.memory_space<vmem>> -> memref<1x128xi32, #tpu.memory_space<vmem>>
          %dma_wait3A_74 = tpu.memref_squeeze %dma_wait3A_73 : memref<1x128xi32, #tpu.memory_space<vmem>> -> memref<128xi32, #tpu.memory_space<vmem>>
          %dma_wait3A_75 = arith.constant 0 : i32
          %dma_wait3A_76 = arith.constant 0 : i32
          %dma_wait3A_77 = tpu.memref_slice %arg7[%dma_wait3A_75, %dma_wait3A_76] : memref<10240x128xf32, #tpu.memory_space<vmem_shared>> -> memref<10240x128xf32, #tpu.memory_space<vmem_shared>>
          tpu.wait_indirect_dma semaphore(%run_scoped3A : memref<!tpu.dma_semaphore, #tpu.memory_space<semaphore_mem>>) src(%arg10 : memref<128x128xf32, #tpu.memory_space<vmem>>) dst(%dma_wait3A_77 : memref<10240x128xf32, #tpu.memory_space<vmem_shared>>)
          tpu.yield
        }) : () -> ()
        %lt3A = arith.constant 19 : i32
        %lt3A_58 = arith.cmpi slt, %scan3A_42, %lt3A : i32
        %convert_element_type3A = arith.extui %lt3A_58 : i1 to i32
        %cond3A = arith.constant 0 : i32
        %cond3A_59 = arith.cmpi ne, %convert_element_type3A, %cond3A : i32
        scf.if %cond3A_59 {
          %add3A_66 = arith.constant 2 : i32
          %add3A_67 = arith.addi %mul3A_44, %add3A_66 : i32
          %dma_start3A_68 = arith.constant 0 : i32
          %dma_start3A_69 = tpu.memref_slice %arg8[%add3A_67, %dma_start3A_68] : memref<40x128xi32, #tpu.memory_space<vmem>> -> memref<1x128xi32, #tpu.memory_space<vmem>>
          %dma_start3A_70 = tpu.memref_squeeze %dma_start3A_69 : memref<1x128xi32, #tpu.memory_space<vmem>> -> memref<128xi32, #tpu.memory_space<vmem>>
          %dma_start3A_71 = arith.constant 0 : i32
          %dma_start3A_72 = arith.constant 0 : i32
          %dma_start3A_73 = tpu.memref_slice %arg2[%dma_start3A_71, %dma_start3A_72] : memref<10240x128xf32, #tpu.memory_space<hbm>> -> memref<10240x128xf32, #tpu.memory_space<hbm>>
          tpu.enqueue_indirect_dma source(%dma_start3A_73 : memref<10240x128xf32, #tpu.memory_space<hbm>>) target(%arg10 : memref<128x128xf32, #tpu.memory_space<vmem>>) offsets(%dma_start3A_70 : memref<128xi32, #tpu.memory_space<vmem>>) semaphore(%arg12 : memref<!tpu.dma_semaphore, #tpu.memory_space<semaphore_mem>>)
        } else {
        }
        %dma_wait3A_60 = arith.constant 0 : i32
        %dma_wait3A_61 = tpu.memref_slice %arg8[%add3A_46, %dma_wait3A_60] : memref<40x128xi32, #tpu.memory_space<vmem>> -> memref<1x128xi32, #tpu.memory_space<vmem>>
        %dma_wait3A_62 = tpu.memref_squeeze %dma_wait3A_61 : memref<1x128xi32, #tpu.memory_space<vmem>> -> memref<128xi32, #tpu.memory_space<vmem>>
        %dma_wait3A_63 = arith.constant 0 : i32
        %dma_wait3A_64 = arith.constant 0 : i32
        %dma_wait3A_65 = tpu.memref_slice %arg2[%dma_wait3A_63, %dma_wait3A_64] : memref<10240x128xf32, #tpu.memory_space<hbm>> -> memref<10240x128xf32, #tpu.memory_space<hbm>>
        tpu.wait_indirect_dma semaphore(%arg13 : memref<!tpu.dma_semaphore, #tpu.memory_space<semaphore_mem>>) src(%dma_wait3A_65 : memref<10240x128xf32, #tpu.memory_space<hbm>>) dst(%arg11 : memref<128x128xf32, #tpu.memory_space<vmem>>)
        "tpu.region"() ({
          %run_scoped3A = tpu.sem_alloc : memref<!tpu.dma_semaphore, #tpu.memory_space<semaphore_mem>>
          %dma_start3A_66 = arith.constant 0 : i32
          %dma_start3A_67 = tpu.memref_slice %arg9[%add3A_46, %dma_start3A_66] : memref<40x128xi32, #tpu.memory_space<vmem>> -> memref<1x128xi32, #tpu.memory_space<vmem>>
          %dma_start3A_68 = tpu.memref_squeeze %dma_start3A_67 : memref<1x128xi32, #tpu.memory_space<vmem>> -> memref<128xi32, #tpu.memory_space<vmem>>
          %dma_start3A_69 = arith.constant 0 : i32
          %dma_start3A_70 = arith.constant 0 : i32
          %dma_start3A_71 = tpu.memref_slice %arg7[%dma_start3A_69, %dma_start3A_70] : memref<10240x128xf32, #tpu.memory_space<vmem_shared>> -> memref<10240x128xf32, #tpu.memory_space<vmem_shared>>
          tpu.enqueue_indirect_dma source(%arg11 : memref<128x128xf32, #tpu.memory_space<vmem>>) target(%dma_start3A_71 : memref<10240x128xf32, #tpu.memory_space<vmem_shared>>) offsets(%dma_start3A_68 : memref<128xi32, #tpu.memory_space<vmem>>) semaphore(%run_scoped3A : memref<!tpu.dma_semaphore, #tpu.memory_space<semaphore_mem>>) {add = true}
          %dma_wait3A_72 = arith.constant 0 : i32
          %dma_wait3A_73 = tpu.memref_slice %arg9[%add3A_46, %dma_wait3A_72] : memref<40x128xi32, #tpu.memory_space<vmem>> -> memref<1x128xi32, #tpu.memory_space<vmem>>
          %dma_wait3A_74 = tpu.memref_squeeze %dma_wait3A_73 : memref<1x128xi32, #tpu.memory_space<vmem>> -> memref<128xi32, #tpu.memory_space<vmem>>
          %dma_wait3A_75 = arith.constant 0 : i32
          %dma_wait3A_76 = arith.constant 0 : i32
          %dma_wait3A_77 = tpu.memref_slice %arg7[%dma_wait3A_75, %dma_wait3A_76] : memref<10240x128xf32, #tpu.memory_space<vmem_shared>> -> memref<10240x128xf32, #tpu.memory_space<vmem_shared>>
          tpu.wait_indirect_dma semaphore(%run_scoped3A : memref<!tpu.dma_semaphore, #tpu.memory_space<semaphore_mem>>) src(%arg11 : memref<128x128xf32, #tpu.memory_space<vmem>>) dst(%dma_wait3A_77 : memref<10240x128xf32, #tpu.memory_space<vmem_shared>>)
          tpu.yield
        }) : () -> ()
      }
      %scan3A_41 = arith.constant 20 : i32
    }
    %while3A_19 = arith.constant 1 : i32
    scf.for %while3A_25 = %while3A_17 to %while3A_13 step %while3A_19  : i32 {
      %mul3A_26 = arith.constant 40 : i32
      %mul3A_27 = arith.muli %while3A_25, %mul3A_26 : i32
      %add3A_28 = arith.addi %select_n3A, %mul3A_27 : i32
      "tpu.region"() ({
        %run_scoped3A = tpu.sem_alloc : memref<!tpu.dma_semaphore, #tpu.memory_space<semaphore_mem>>
        %dma_start3A_42 = arith.constant 0 : i32
        %dma_start3A_43 = tpu.memref_slice %arg3[%add3A_28, %dma_start3A_42] : memref<2560x128xi32, #tpu.memory_space<hbm>> -> memref<40x128xi32, #tpu.memory_space<hbm>>
        %dma_start3A_44 = arith.constant 0 : i32
        %dma_start3A_45 = tpu.memref_slice %arg3[%add3A_28, %dma_start3A_44] : memref<2560x128xi32, #tpu.memory_space<hbm>> -> memref<40x128xi32, #tpu.memory_space<hbm>>
        tpu.enqueue_dma source(%dma_start3A_45 : memref<40x128xi32, #tpu.memory_space<hbm>>) target(%arg8 : memref<40x128xi32, #tpu.memory_space<vmem>>) target_semaphore(%run_scoped3A : memref<!tpu.dma_semaphore, #tpu.memory_space<semaphore_mem>>)
        %dma_wait3A = arith.constant 0 : i32
        %dma_wait3A_46 = tpu.memref_slice %arg3[%add3A_28, %dma_wait3A] : memref<2560x128xi32, #tpu.memory_space<hbm>> -> memref<40x128xi32, #tpu.memory_space<hbm>>
        %dma_wait3A_47 = arith.constant 0 : i32
        %dma_wait3A_48 = tpu.memref_slice %arg3[%add3A_28, %dma_wait3A_47] : memref<2560x128xi32, #tpu.memory_space<hbm>> -> memref<40x128xi32, #tpu.memory_space<hbm>>
        tpu.wait_dma2 semaphore(%run_scoped3A : memref<!tpu.dma_semaphore, #tpu.memory_space<semaphore_mem>>) src(%dma_wait3A_48 : memref<40x128xi32, #tpu.memory_space<hbm>>) dst(%arg8 : memref<40x128xi32, #tpu.memory_space<vmem>>)
        tpu.yield
      }) : () -> ()
      %mul3A_29 = arith.constant 40 : i32
      %mul3A_30 = arith.muli %while3A_25, %mul3A_29 : i32
      %add3A_31 = arith.addi %select_n3A, %mul3A_30 : i32
      "tpu.region"() ({
        %run_scoped3A = tpu.sem_alloc : memref<!tpu.dma_semaphore, #tpu.memory_space<semaphore_mem>>
        %dma_start3A_42 = arith.constant 0 : i32
        %dma_start3A_43 = tpu.memref_slice %arg4[%add3A_31, %dma_start3A_42] : memref<2560x128xi32, #tpu.memory_space<hbm>> -> memref<40x128xi32, #tpu.memory_space<hbm>>
        %dma_start3A_44 = arith.constant 0 : i32
        %dma_start3A_45 = tpu.memref_slice %arg4[%add3A_31, %dma_start3A_44] : memref<2560x128xi32, #tpu.memory_space<hbm>> -> memref<40x128xi32, #tpu.memory_space<hbm>>
        tpu.enqueue_dma source(%dma_start3A_45 : memref<40x128xi32, #tpu.memory_space<hbm>>) target(%arg9 : memref<40x128xi32, #tpu.memory_space<vmem>>) target_semaphore(%run_scoped3A : memref<!tpu.dma_semaphore, #tpu.memory_space<semaphore_mem>>)
        %dma_wait3A = arith.constant 0 : i32
        %dma_wait3A_46 = tpu.memref_slice %arg4[%add3A_31, %dma_wait3A] : memref<2560x128xi32, #tpu.memory_space<hbm>> -> memref<40x128xi32, #tpu.memory_space<hbm>>
        %dma_wait3A_47 = arith.constant 0 : i32
        %dma_wait3A_48 = tpu.memref_slice %arg4[%add3A_31, %dma_wait3A_47] : memref<2560x128xi32, #tpu.memory_space<hbm>> -> memref<40x128xi32, #tpu.memory_space<hbm>>
        tpu.wait_dma2 semaphore(%run_scoped3A : memref<!tpu.dma_semaphore, #tpu.memory_space<semaphore_mem>>) src(%dma_wait3A_48 : memref<40x128xi32, #tpu.memory_space<hbm>>) dst(%arg9 : memref<40x128xi32, #tpu.memory_space<vmem>>)
        tpu.yield
      }) : () -> ()
      %dma_start3A = arith.constant 0 : i32
      %dma_start3A_32 = arith.constant 0 : i32
      %dma_start3A_33 = tpu.memref_slice %arg8[%dma_start3A, %dma_start3A_32] : memref<40x128xi32, #tpu.memory_space<vmem>> -> memref<1x128xi32, #tpu.memory_space<vmem>>
      %dma_start3A_34 = tpu.memref_squeeze %dma_start3A_33 : memref<1x128xi32, #tpu.memory_space<vmem>> -> memref<128xi32, #tpu.memory_space<vmem>>
      %dma_start3A_35 = arith.constant 0 : i32
      %dma_start3A_36 = arith.constant 0 : i32
      %dma_start3A_37 = tpu.memref_slice %arg2[%dma_start3A_35, %dma_start3A_36] : memref<10240x128xf32, #tpu.memory_space<hbm>> -> memref<10240x128xf32, #tpu.memory_space<hbm>>
      tpu.enqueue_indirect_dma source(%dma_start3A_37 : memref<10240x128xf32, #tpu.memory_space<hbm>>) target(%arg10 : memref<128x128xf32, #tpu.memory_space<vmem>>) offsets(%dma_start3A_34 : memref<128xi32, #tpu.memory_space<vmem>>) semaphore(%arg12 : memref<!tpu.dma_semaphore, #tpu.memory_space<semaphore_mem>>)
      %scan3A = arith.constant 0 : i32
      %scan3A_38 = arith.constant 20 : i32
      %scan3A_39 = arith.addi %scan3A, %scan3A_38 : i32
      %scan3A_40 = arith.constant 1 : i32
      scf.for %scan3A_42 = %scan3A to %scan3A_39 step %scan3A_40  : i32 {
        %mul3A_43 = arith.constant 2 : i32
        %mul3A_44 = arith.muli %mul3A_43, %scan3A_42 : i32
        %add3A_45 = arith.constant 1 : i32
        %add3A_46 = arith.addi %mul3A_44, %add3A_45 : i32
        %dma_start3A_47 = arith.constant 0 : i32
        %dma_start3A_48 = tpu.memref_slice %arg8[%add3A_46, %dma_start3A_47] : memref<40x128xi32, #tpu.memory_space<vmem>> -> memref<1x128xi32, #tpu.memory_space<vmem>>
        %dma_start3A_49 = tpu.memref_squeeze %dma_start3A_48 : memref<1x128xi32, #tpu.memory_space<vmem>> -> memref<128xi32, #tpu.memory_space<vmem>>
        %dma_start3A_50 = arith.constant 0 : i32
        %dma_start3A_51 = arith.constant 0 : i32
        %dma_start3A_52 = tpu.memref_slice %arg2[%dma_start3A_50, %dma_start3A_51] : memref<10240x128xf32, #tpu.memory_space<hbm>> -> memref<10240x128xf32, #tpu.memory_space<hbm>>
        tpu.enqueue_indirect_dma source(%dma_start3A_52 : memref<10240x128xf32, #tpu.memory_space<hbm>>) target(%arg11 : memref<128x128xf32, #tpu.memory_space<vmem>>) offsets(%dma_start3A_49 : memref<128xi32, #tpu.memory_space<vmem>>) semaphore(%arg13 : memref<!tpu.dma_semaphore, #tpu.memory_space<semaphore_mem>>)
        %dma_wait3A = arith.constant 0 : i32
        %dma_wait3A_53 = tpu.memref_slice %arg8[%mul3A_44, %dma_wait3A] : memref<40x128xi32, #tpu.memory_space<vmem>> -> memref<1x128xi32, #tpu.memory_space<vmem>>
        %dma_wait3A_54 = tpu.memref_squeeze %dma_wait3A_53 : memref<1x128xi32, #tpu.memory_space<vmem>> -> memref<128xi32, #tpu.memory_space<vmem>>
        %dma_wait3A_55 = arith.constant 0 : i32
        %dma_wait3A_56 = arith.constant 0 : i32
        %dma_wait3A_57 = tpu.memref_slice %arg2[%dma_wait3A_55, %dma_wait3A_56] : memref<10240x128xf32, #tpu.memory_space<hbm>> -> memref<10240x128xf32, #tpu.memory_space<hbm>>
        tpu.wait_indirect_dma semaphore(%arg12 : memref<!tpu.dma_semaphore, #tpu.memory_space<semaphore_mem>>) src(%dma_wait3A_57 : memref<10240x128xf32, #tpu.memory_space<hbm>>) dst(%arg10 : memref<128x128xf32, #tpu.memory_space<vmem>>)
        "tpu.region"() ({
          %run_scoped3A = tpu.sem_alloc : memref<!tpu.dma_semaphore, #tpu.memory_space<semaphore_mem>>
          %dma_start3A_66 = arith.constant 0 : i32
          %dma_start3A_67 = tpu.memref_slice %arg9[%mul3A_44, %dma_start3A_66] : memref<40x128xi32, #tpu.memory_space<vmem>> -> memref<1x128xi32, #tpu.memory_space<vmem>>
          %dma_start3A_68 = tpu.memref_squeeze %dma_start3A_67 : memref<1x128xi32, #tpu.memory_space<vmem>> -> memref<128xi32, #tpu.memory_space<vmem>>
          %dma_start3A_69 = arith.constant 0 : i32
          %dma_start3A_70 = arith.constant 0 : i32
          %dma_start3A_71 = tpu.memref_slice %arg7[%dma_start3A_69, %dma_start3A_70] : memref<10240x128xf32, #tpu.memory_space<vmem_shared>> -> memref<10240x128xf32, #tpu.memory_space<vmem_shared>>
          tpu.enqueue_indirect_dma source(%arg10 : memref<128x128xf32, #tpu.memory_space<vmem>>) target(%dma_start3A_71 : memref<10240x128xf32, #tpu.memory_space<vmem_shared>>) offsets(%dma_start3A_68 : memref<128xi32, #tpu.memory_space<vmem>>) semaphore(%run_scoped3A : memref<!tpu.dma_semaphore, #tpu.memory_space<semaphore_mem>>) {add = true}
          %dma_wait3A_72 = arith.constant 0 : i32
          %dma_wait3A_73 = tpu.memref_slice %arg9[%mul3A_44, %dma_wait3A_72] : memref<40x128xi32, #tpu.memory_space<vmem>> -> memref<1x128xi32, #tpu.memory_space<vmem>>
          %dma_wait3A_74 = tpu.memref_squeeze %dma_wait3A_73 : memref<1x128xi32, #tpu.memory_space<vmem>> -> memref<128xi32, #tpu.memory_space<vmem>>
          %dma_wait3A_75 = arith.constant 0 : i32
          %dma_wait3A_76 = arith.constant 0 : i32
          %dma_wait3A_77 = tpu.memref_slice %arg7[%dma_wait3A_75, %dma_wait3A_76] : memref<10240x128xf32, #tpu.memory_space<vmem_shared>> -> memref<10240x128xf32, #tpu.memory_space<vmem_shared>>
          tpu.wait_indirect_dma semaphore(%run_scoped3A : memref<!tpu.dma_semaphore, #tpu.memory_space<semaphore_mem>>) src(%arg10 : memref<128x128xf32, #tpu.memory_space<vmem>>) dst(%dma_wait3A_77 : memref<10240x128xf32, #tpu.memory_space<vmem_shared>>)
          tpu.yield
        }) : () -> ()
        %lt3A = arith.constant 19 : i32
        %lt3A_58 = arith.cmpi slt, %scan3A_42, %lt3A : i32
        %convert_element_type3A = arith.extui %lt3A_58 : i1 to i32
        %cond3A = arith.constant 0 : i32
        %cond3A_59 = arith.cmpi ne, %convert_element_type3A, %cond3A : i32
        scf.if %cond3A_59 {
          %add3A_66 = arith.constant 2 : i32
          %add3A_67 = arith.addi %mul3A_44, %add3A_66 : i32
          %dma_start3A_68 = arith.constant 0 : i32
          %dma_start3A_69 = tpu.memref_slice %arg8[%add3A_67, %dma_start3A_68] : memref<40x128xi32, #tpu.memory_space<vmem>> -> memref<1x128xi32, #tpu.memory_space<vmem>>
          %dma_start3A_70 = tpu.memref_squeeze %dma_start3A_69 : memref<1x128xi32, #tpu.memory_space<vmem>> -> memref<128xi32, #tpu.memory_space<vmem>>
          %dma_start3A_71 = arith.constant 0 : i32
          %dma_start3A_72 = arith.constant 0 : i32
          %dma_start3A_73 = tpu.memref_slice %arg2[%dma_start3A_71, %dma_start3A_72] : memref<10240x128xf32, #tpu.memory_space<hbm>> -> memref<10240x128xf32, #tpu.memory_space<hbm>>
          tpu.enqueue_indirect_dma source(%dma_start3A_73 : memref<10240x128xf32, #tpu.memory_space<hbm>>) target(%arg10 : memref<128x128xf32, #tpu.memory_space<vmem>>) offsets(%dma_start3A_70 : memref<128xi32, #tpu.memory_space<vmem>>) semaphore(%arg12 : memref<!tpu.dma_semaphore, #tpu.memory_space<semaphore_mem>>)
        } else {
        }
        %dma_wait3A_60 = arith.constant 0 : i32
        %dma_wait3A_61 = tpu.memref_slice %arg8[%add3A_46, %dma_wait3A_60] : memref<40x128xi32, #tpu.memory_space<vmem>> -> memref<1x128xi32, #tpu.memory_space<vmem>>
        %dma_wait3A_62 = tpu.memref_squeeze %dma_wait3A_61 : memref<1x128xi32, #tpu.memory_space<vmem>> -> memref<128xi32, #tpu.memory_space<vmem>>
        %dma_wait3A_63 = arith.constant 0 : i32
        %dma_wait3A_64 = arith.constant 0 : i32
        %dma_wait3A_65 = tpu.memref_slice %arg2[%dma_wait3A_63, %dma_wait3A_64] : memref<10240x128xf32, #tpu.memory_space<hbm>> -> memref<10240x128xf32, #tpu.memory_space<hbm>>
        tpu.wait_indirect_dma semaphore(%arg13 : memref<!tpu.dma_semaphore, #tpu.memory_space<semaphore_mem>>) src(%dma_wait3A_65 : memref<10240x128xf32, #tpu.memory_space<hbm>>) dst(%arg11 : memref<128x128xf32, #tpu.memory_space<vmem>>)
        "tpu.region"() ({
          %run_scoped3A = tpu.sem_alloc : memref<!tpu.dma_semaphore, #tpu.memory_space<semaphore_mem>>
          %dma_start3A_66 = arith.constant 0 : i32
          %dma_start3A_67 = tpu.memref_slice %arg9[%add3A_46, %dma_start3A_66] : memref<40x128xi32, #tpu.memory_space<vmem>> -> memref<1x128xi32, #tpu.memory_space<vmem>>
          %dma_start3A_68 = tpu.memref_squeeze %dma_start3A_67 : memref<1x128xi32, #tpu.memory_space<vmem>> -> memref<128xi32, #tpu.memory_space<vmem>>
          %dma_start3A_69 = arith.constant 0 : i32
          %dma_start3A_70 = arith.constant 0 : i32
          %dma_start3A_71 = tpu.memref_slice %arg7[%dma_start3A_69, %dma_start3A_70] : memref<10240x128xf32, #tpu.memory_space<vmem_shared>> -> memref<10240x128xf32, #tpu.memory_space<vmem_shared>>
          tpu.enqueue_indirect_dma source(%arg11 : memref<128x128xf32, #tpu.memory_space<vmem>>) target(%dma_start3A_71 : memref<10240x128xf32, #tpu.memory_space<vmem_shared>>) offsets(%dma_start3A_68 : memref<128xi32, #tpu.memory_space<vmem>>) semaphore(%run_scoped3A : memref<!tpu.dma_semaphore, #tpu.memory_space<semaphore_mem>>) {add = true}
          %dma_wait3A_72 = arith.constant 0 : i32
          %dma_wait3A_73 = tpu.memref_slice %arg9[%add3A_46, %dma_wait3A_72] : memref<40x128xi32, #tpu.memory_space<vmem>> -> memref<1x128xi32, #tpu.memory_space<vmem>>
          %dma_wait3A_74 = tpu.memref_squeeze %dma_wait3A_73 : memref<1x128xi32, #tpu.memory_space<vmem>> -> memref<128xi32, #tpu.memory_space<vmem>>
          %dma_wait3A_75 = arith.constant 0 : i32
          %dma_wait3A_76 = arith.constant 0 : i32
          %dma_wait3A_77 = tpu.memref_slice %arg7[%dma_wait3A_75, %dma_wait3A_76] : memref<10240x128xf32, #tpu.memory_space<vmem_shared>> -> memref<10240x128xf32, #tpu.memory_space<vmem_shared>>
          tpu.wait_indirect_dma semaphore(%run_scoped3A : memref<!tpu.dma_semaphore, #tpu.memory_space<semaphore_mem>>) src(%arg11 : memref<128x128xf32, #tpu.memory_space<vmem>>) dst(%dma_wait3A_77 : memref<10240x128xf32, #tpu.memory_space<vmem_shared>>)
          tpu.yield
        }) : () -> ()
      }
      %scan3A_41 = arith.constant 20 : i32
    }
    %barrier3A_20 = arith.constant 0 : index
    tpu.barrier barrier_id(%barrier3A_20)
    %mul3A_21 = arith.constant 640 : i32
    %mul3A_22 = arith.muli %arg1, %mul3A_21 : i32
    %mul3A_23 = arith.constant 640 : i32
    %mul3A_24 = arith.muli %arg1, %mul3A_23 : i32
    "tpu.region"() ({
      %run_scoped3A = tpu.sem_alloc : memref<!tpu.dma_semaphore, #tpu.memory_space<semaphore_mem>>
      %dma_start3A = arith.constant 0 : i32
      %dma_start3A_25 = tpu.memref_slice %arg6[%arg0, %mul3A_24, %dma_start3A] : memref<2x10240x128xf32, #tpu.memory_space<hbm>> -> memref<1x640x128xf32, #tpu.memory_space<hbm>>
      %dma_start3A_26 = tpu.memref_squeeze %dma_start3A_25 : memref<1x640x128xf32, #tpu.memory_space<hbm>> -> memref<640x128xf32, #tpu.memory_space<hbm>>
      %dma_start3A_27 = arith.constant 0 : i32
      %dma_start3A_28 = tpu.memref_slice %arg7[%mul3A_22, %dma_start3A_27] : memref<10240x128xf32, #tpu.memory_space<vmem_shared>> -> memref<640x128xf32, #tpu.memory_space<vmem_shared>>
      tpu.enqueue_dma source(%dma_start3A_28 : memref<640x128xf32, #tpu.memory_space<vmem_shared>>) target(%dma_start3A_26 : memref<640x128xf32, #tpu.memory_space<hbm>>) target_semaphore(%run_scoped3A : memref<!tpu.dma_semaphore, #tpu.memory_space<semaphore_mem>>)
      %dma_wait3A = arith.constant 0 : i32
      %dma_wait3A_29 = tpu.memref_slice %arg6[%arg0, %mul3A_24, %dma_wait3A] : memref<2x10240x128xf32, #tpu.memory_space<hbm>> -> memref<1x640x128xf32, #tpu.memory_space<hbm>>
      %dma_wait3A_30 = tpu.memref_squeeze %dma_wait3A_29 : memref<1x640x128xf32, #tpu.memory_space<hbm>> -> memref<640x128xf32, #tpu.memory_space<hbm>>
      %dma_wait3A_31 = arith.constant 0 : i32
      %dma_wait3A_32 = tpu.memref_slice %arg7[%mul3A_22, %dma_wait3A_31] : memref<10240x128xf32, #tpu.memory_space<vmem_shared>> -> memref<640x128xf32, #tpu.memory_space<vmem_shared>>
      tpu.wait_dma2 semaphore(%run_scoped3A : memref<!tpu.dma_semaphore, #tpu.memory_space<semaphore_mem>>) src(%dma_wait3A_32 : memref<640x128xf32, #tpu.memory_space<vmem_shared>>) dst(%dma_wait3A_30 : memref<640x128xf32, #tpu.memory_space<hbm>>)
      tpu.yield
    }) : () -> ()
    return
  }
}

module attributes {stable_mosaic.version = 14 : i64} {
  func.func @_b1_body(%arg0: i32, %arg1: memref<2x512x128xf32, #tpu.memory_space<vmem>>, %arg2: memref<128x128xf32, #tpu.memory_space<vmem>>, %arg3: memref<1x128xf32, #tpu.memory_space<vmem>>, %arg4: memref<1x128xf32, #tpu.memory_space<vmem>>, %arg5: memref<128x128xf32, #tpu.memory_space<vmem>>, %arg6: memref<1x128xf32, #tpu.memory_space<vmem>>, %arg7: memref<512x128xf32, #tpu.memory_space<vmem>>, %arg8: memref<512x128xf32, #tpu.memory_space<vmem>>) attributes {dimension_semantics = [#tpu.dimension_semantics<arbitrary>], iteration_bounds = array<i64: 20>, scalar_prefetch = 0 : i64, scratch_operands = 0 : i64, tpu.core_type = #tpu.core_type<tc>, window_params = [{transform_indices = @transform_0, window_bounds = array<i64: 2, 512, 128>}, {pipeline_mode = #tpu.pipeline_mode<synchronous>, transform_indices = @transform_1, window_bounds = array<i64: 128, 128>}, {pipeline_mode = #tpu.pipeline_mode<synchronous>, transform_indices = @transform_2, window_bounds = array<i64: 1, 128>}, {pipeline_mode = #tpu.pipeline_mode<synchronous>, transform_indices = @transform_3, window_bounds = array<i64: 1, 128>}, {pipeline_mode = #tpu.pipeline_mode<synchronous>, transform_indices = @transform_4, window_bounds = array<i64: 128, 128>}, {pipeline_mode = #tpu.pipeline_mode<synchronous>, transform_indices = @transform_5, window_bounds = array<i64: 1, 128>}, {transform_indices = @transform_6, window_bounds = array<i64: 512, 128>}, {transform_indices = @transform_7, window_bounds = array<i64: 512, 128>}]} {
    %get3A = arith.constant 0 : index
    %get3A_0 = arith.constant 0 : index
    %get3A_1 = vector.load %arg4[%get3A, %get3A_0] : memref<1x128xf32, #tpu.memory_space<vmem>>, vector<1x128xf32>
    %max3A = arith.constant 0.000000e+00 : f32
    %max3A_2 = vector.broadcast %max3A : f32 to vector<1x128xf32>
    %max3A_3 = arith.maximumf %get3A_1, %max3A_2 : vector<1x128xf32>
    %get3A_4 = arith.constant 0 : index
    %get3A_5 = arith.constant 0 : index
    %get3A_6 = vector.load %arg2[%get3A_4, %get3A_5] : memref<128x128xf32, #tpu.memory_space<vmem>>, vector<128x128xf32>
    %dot_general3A = arith.constant dense<0.000000e+00> : vector<1x128xf32>
    %dot_general3A_7 = tpu.matmul %max3A_3, %get3A_6, %dot_general3A {dimension_numbers = #tpu.dot_dimension_numbers<[1], [1], [0], [0], [0, 0, 1, 0], [], []>, transpose_lhs_hint = false} : vector<1x128xf32>, vector<128x128xf32>, vector<1x128xf32> -> vector<1x128xf32>
    %get3A_8 = arith.constant 0 : index
    %get3A_9 = arith.constant 0 : index
    %get3A_10 = arith.constant 0 : index
    %get3A_11 = vector.load %arg1[%get3A_8, %get3A_9, %get3A_10] : memref<2x512x128xf32, #tpu.memory_space<vmem>>, vector<1x512x1xf32>
    %get3A_12 = vector.shape_cast %get3A_11 : vector<1x512x1xf32> to vector<512x1xf32>
    %get3A_13 = arith.constant 1 : index
    %get3A_14 = arith.constant 0 : index
    %get3A_15 = arith.constant 0 : index
    %get3A_16 = vector.load %arg1[%get3A_13, %get3A_14, %get3A_15] : memref<2x512x128xf32, #tpu.memory_space<vmem>>, vector<1x512x1xf32>
    %get3A_17 = vector.shape_cast %get3A_16 : vector<1x512x1xf32> to vector<512x1xf32>
    %add3A = arith.addf %get3A_12, %get3A_17 : vector<512x1xf32>
    %mul3A = vector.broadcast %add3A : vector<512x1xf32> to vector<512x128xf32>
    %mul3A_18 = vector.broadcast %dot_general3A_7 : vector<1x128xf32> to vector<512x128xf32>
    %mul3A_19 = arith.mulf %mul3A, %mul3A_18 : vector<512x128xf32>
    %get3A_20 = arith.constant 0 : index
    %get3A_21 = arith.constant 0 : index
    %get3A_22 = vector.load %arg3[%get3A_20, %get3A_21] : memref<1x128xf32, #tpu.memory_space<vmem>>, vector<1x128xf32>
    %add3A_23 = vector.broadcast %get3A_22 : vector<1x128xf32> to vector<512x128xf32>
    %add3A_24 = arith.addf %mul3A_19, %add3A_23 : vector<512x128xf32>
    %max3A_25 = arith.constant 0.000000e+00 : f32
    %max3A_26 = vector.broadcast %max3A_25 : f32 to vector<512x128xf32>
    %max3A_27 = arith.maximumf %add3A_24, %max3A_26 : vector<512x128xf32>
    %swap3A = arith.constant 0 : index
    %swap3A_28 = arith.constant 0 : index
    %swap3A_29 = vector.load %arg7[%swap3A, %swap3A_28] : memref<512x128xf32, #tpu.memory_space<vmem>>, vector<512x128xf32>
    tpu.vector_store %arg7[%swap3A, %swap3A_28], %max3A_27 {strides = array<i32>} : memref<512x128xf32, #tpu.memory_space<vmem>>, vector<512x128xf32>,
    %get3A_30 = arith.constant 0 : index
    %get3A_31 = arith.constant 0 : index
    %get3A_32 = vector.load %arg5[%get3A_30, %get3A_31] : memref<128x128xf32, #tpu.memory_space<vmem>>, vector<128x128xf32>
    %dot_general3A_33 = arith.constant dense<0.000000e+00> : vector<512x128xf32>
    %dot_general3A_34 = tpu.matmul %max3A_27, %get3A_32, %dot_general3A_33 {dimension_numbers = #tpu.dot_dimension_numbers<[1], [1], [0], [0], [0, 0, 1, 0], [], []>, transpose_lhs_hint = false} : vector<512x128xf32>, vector<128x128xf32>, vector<512x128xf32> -> vector<512x128xf32>
    %get3A_35 = arith.constant 0 : index
    %get3A_36 = arith.constant 0 : index
    %get3A_37 = vector.load %arg6[%get3A_35, %get3A_36] : memref<1x128xf32, #tpu.memory_space<vmem>>, vector<1x128xf32>
    %add3A_38 = vector.broadcast %get3A_37 : vector<1x128xf32> to vector<512x128xf32>
    %add3A_39 = arith.addf %dot_general3A_34, %add3A_38 : vector<512x128xf32>
    %max3A_40 = arith.constant 0.000000e+00 : f32
    %max3A_41 = vector.broadcast %max3A_40 : f32 to vector<512x128xf32>
    %max3A_42 = arith.maximumf %add3A_39, %max3A_41 : vector<512x128xf32>
    %swap3A_43 = arith.constant 0 : index
    %swap3A_44 = arith.constant 0 : index
    %swap3A_45 = vector.load %arg8[%swap3A_43, %swap3A_44] : memref<512x128xf32, #tpu.memory_space<vmem>>, vector<512x128xf32>
    tpu.vector_store %arg8[%swap3A_43, %swap3A_44], %max3A_42 {strides = array<i32>} : memref<512x128xf32, #tpu.memory_space<vmem>>, vector<512x128xf32>,
    return
  }
  func.func @transform_0(%arg0: i32) -> (i32, i32, i32) {
    %c0_i32 = arith.constant 0 : i32
    %c0_i32_0 = arith.constant 0 : i32
    %c0_i32_1 = arith.constant 0 : i32
    return %c0_i32, %arg0, %c0_i32_0 : i32, i32, i32
  }
  func.func @transform_1(%arg0: i32) -> (i32, i32) {
    %c0_i32 = arith.constant 0 : i32
    %c0_i32_0 = arith.constant 0 : i32
    %c0_i32_1 = arith.constant 0 : i32
    return %c0_i32, %c0_i32_0 : i32, i32
  }
  func.func @transform_2(%arg0: i32) -> (i32, i32) {
    %c0_i32 = arith.constant 0 : i32
    %c0_i32_0 = arith.constant 0 : i32
    %c0_i32_1 = arith.constant 0 : i32
    return %c0_i32, %c0_i32_0 : i32, i32
  }
  func.func @transform_3(%arg0: i32) -> (i32, i32) {
    %c0_i32 = arith.constant 0 : i32
    %c0_i32_0 = arith.constant 0 : i32
    %c0_i32_1 = arith.constant 0 : i32
    return %c0_i32, %c0_i32_0 : i32, i32
  }
  func.func @transform_4(%arg0: i32) -> (i32, i32) {
    %c0_i32 = arith.constant 0 : i32
    %c0_i32_0 = arith.constant 0 : i32
    %c0_i32_1 = arith.constant 0 : i32
    return %c0_i32, %c0_i32_0 : i32, i32
  }
  func.func @transform_5(%arg0: i32) -> (i32, i32) {
    %c0_i32 = arith.constant 0 : i32
    %c0_i32_0 = arith.constant 0 : i32
    %c0_i32_1 = arith.constant 0 : i32
    return %c0_i32, %c0_i32_0 : i32, i32
  }
  func.func @transform_6(%arg0: i32) -> (i32, i32) {
    %c0_i32 = arith.constant 0 : i32
    %c0_i32_0 = arith.constant 0 : i32
    return %arg0, %c0_i32 : i32, i32
  }
  func.func @transform_7(%arg0: i32) -> (i32, i32) {
    %c0_i32 = arith.constant 0 : i32
    %c0_i32_0 = arith.constant 0 : i32
    return %arg0, %c0_i32 : i32, i32
  }
}

module attributes {stable_mosaic.version = 14 : i64} {
  func.func @_bmid_body(%arg0: i32, %arg1: memref<512x128xf32, #tpu.memory_space<vmem>>, %arg2: memref<2x512x128xf32, #tpu.memory_space<vmem>>, %arg3: memref<128x128xf32, #tpu.memory_space<vmem>>, %arg4: memref<1x128xf32, #tpu.memory_space<vmem>>, %arg5: memref<128x128xf32, #tpu.memory_space<vmem>>, %arg6: memref<1x128xf32, #tpu.memory_space<vmem>>, %arg7: memref<512x128xf32, #tpu.memory_space<vmem>>, %arg8: memref<512x128xf32, #tpu.memory_space<vmem>>) attributes {dimension_semantics = [#tpu.dimension_semantics<arbitrary>], iteration_bounds = array<i64: 20>, scalar_prefetch = 0 : i64, scratch_operands = 0 : i64, tpu.core_type = #tpu.core_type<tc>, window_params = [{transform_indices = @transform_0, window_bounds = array<i64: 512, 128>}, {transform_indices = @transform_1, window_bounds = array<i64: 2, 512, 128>}, {pipeline_mode = #tpu.pipeline_mode<synchronous>, transform_indices = @transform_2, window_bounds = array<i64: 128, 128>}, {pipeline_mode = #tpu.pipeline_mode<synchronous>, transform_indices = @transform_3, window_bounds = array<i64: 1, 128>}, {pipeline_mode = #tpu.pipeline_mode<synchronous>, transform_indices = @transform_4, window_bounds = array<i64: 128, 128>}, {pipeline_mode = #tpu.pipeline_mode<synchronous>, transform_indices = @transform_5, window_bounds = array<i64: 1, 128>}, {transform_indices = @transform_6, window_bounds = array<i64: 512, 128>}, {transform_indices = @transform_7, window_bounds = array<i64: 512, 128>}]} {
    %get3A = arith.constant 0 : index
    %get3A_0 = arith.constant 0 : index
    %get3A_1 = arith.constant 0 : index
    %get3A_2 = vector.load %arg2[%get3A, %get3A_0, %get3A_1] : memref<2x512x128xf32, #tpu.memory_space<vmem>>, vector<1x512x128xf32>
    %get3A_3 = vector.shape_cast %get3A_2 : vector<1x512x128xf32> to vector<512x128xf32>
    %get3A_4 = arith.constant 1 : index
    %get3A_5 = arith.constant 0 : index
    %get3A_6 = arith.constant 0 : index
    %get3A_7 = vector.load %arg2[%get3A_4, %get3A_5, %get3A_6] : memref<2x512x128xf32, #tpu.memory_space<vmem>>, vector<1x512x128xf32>
    %get3A_8 = vector.shape_cast %get3A_7 : vector<1x512x128xf32> to vector<512x128xf32>
    %add3A = arith.addf %get3A_3, %get3A_8 : vector<512x128xf32>
    %get3A_9 = arith.constant 0 : index
    %get3A_10 = arith.constant 0 : index
    %get3A_11 = vector.load %arg1[%get3A_9, %get3A_10] : memref<512x128xf32, #tpu.memory_space<vmem>>, vector<512x128xf32>
    %get3A_12 = arith.constant 0 : index
    %get3A_13 = arith.constant 0 : index
    %get3A_14 = vector.load %arg3[%get3A_12, %get3A_13] : memref<128x128xf32, #tpu.memory_space<vmem>>, vector<128x128xf32>
    %dot_general3A = arith.constant dense<0.000000e+00> : vector<512x128xf32>
    %dot_general3A_15 = tpu.matmul %add3A, %get3A_14, %dot_general3A {dimension_numbers = #tpu.dot_dimension_numbers<[1], [1], [0], [0], [0, 0, 1, 0], [], []>, transpose_lhs_hint = false} : vector<512x128xf32>, vector<128x128xf32>, vector<512x128xf32> -> vector<512x128xf32>
    %get3A_16 = arith.constant 0 : index
    %get3A_17 = arith.constant 0 : index
    %get3A_18 = vector.load %arg4[%get3A_16, %get3A_17] : memref<1x128xf32, #tpu.memory_space<vmem>>, vector<1x128xf32>
    %add3A_19 = vector.broadcast %get3A_18 : vector<1x128xf32> to vector<512x128xf32>
    %add3A_20 = arith.addf %dot_general3A_15, %add3A_19 : vector<512x128xf32>
    %max3A = arith.constant 0.000000e+00 : f32
    %max3A_21 = vector.broadcast %max3A : f32 to vector<512x128xf32>
    %max3A_22 = arith.maximumf %add3A_20, %max3A_21 : vector<512x128xf32>
    %add3A_23 = arith.addf %get3A_11, %max3A_22 : vector<512x128xf32>
    %swap3A = arith.constant 0 : index
    %swap3A_24 = arith.constant 0 : index
    %swap3A_25 = vector.load %arg7[%swap3A, %swap3A_24] : memref<512x128xf32, #tpu.memory_space<vmem>>, vector<512x128xf32>
    tpu.vector_store %arg7[%swap3A, %swap3A_24], %add3A_23 {strides = array<i32>} : memref<512x128xf32, #tpu.memory_space<vmem>>, vector<512x128xf32>,
    %get3A_26 = arith.constant 0 : index
    %get3A_27 = arith.constant 0 : index
    %get3A_28 = vector.load %arg5[%get3A_26, %get3A_27] : memref<128x128xf32, #tpu.memory_space<vmem>>, vector<128x128xf32>
    %dot_general3A_29 = arith.constant dense<0.000000e+00> : vector<512x128xf32>
    %dot_general3A_30 = tpu.matmul %add3A_23, %get3A_28, %dot_general3A_29 {dimension_numbers = #tpu.dot_dimension_numbers<[1], [1], [0], [0], [0, 0, 1, 0], [], []>, transpose_lhs_hint = false} : vector<512x128xf32>, vector<128x128xf32>, vector<512x128xf32> -> vector<512x128xf32>
    %get3A_31 = arith.constant 0 : index
    %get3A_32 = arith.constant 0 : index
    %get3A_33 = vector.load %arg6[%get3A_31, %get3A_32] : memref<1x128xf32, #tpu.memory_space<vmem>>, vector<1x128xf32>
    %add3A_34 = vector.broadcast %get3A_33 : vector<1x128xf32> to vector<512x128xf32>
    %add3A_35 = arith.addf %dot_general3A_30, %add3A_34 : vector<512x128xf32>
    %max3A_36 = arith.constant 0.000000e+00 : f32
    %max3A_37 = vector.broadcast %max3A_36 : f32 to vector<512x128xf32>
    %max3A_38 = arith.maximumf %add3A_35, %max3A_37 : vector<512x128xf32>
    %swap3A_39 = arith.constant 0 : index
    %swap3A_40 = arith.constant 0 : index
    %swap3A_41 = vector.load %arg8[%swap3A_39, %swap3A_40] : memref<512x128xf32, #tpu.memory_space<vmem>>, vector<512x128xf32>
    tpu.vector_store %arg8[%swap3A_39, %swap3A_40], %max3A_38 {strides = array<i32>} : memref<512x128xf32, #tpu.memory_space<vmem>>, vector<512x128xf32>,
    return
  }
  func.func @transform_0(%arg0: i32) -> (i32, i32) {
    %c0_i32 = arith.constant 0 : i32
    %c0_i32_0 = arith.constant 0 : i32
    return %arg0, %c0_i32 : i32, i32
  }
  func.func @transform_1(%arg0: i32) -> (i32, i32, i32) {
    %c0_i32 = arith.constant 0 : i32
    %c0_i32_0 = arith.constant 0 : i32
    %c0_i32_1 = arith.constant 0 : i32
    return %c0_i32, %arg0, %c0_i32_0 : i32, i32, i32
  }
  func.func @transform_2(%arg0: i32) -> (i32, i32) {
    %c0_i32 = arith.constant 0 : i32
    %c0_i32_0 = arith.constant 0 : i32
    %c0_i32_1 = arith.constant 0 : i32
    return %c0_i32, %c0_i32_0 : i32, i32
  }
  func.func @transform_3(%arg0: i32) -> (i32, i32) {
    %c0_i32 = arith.constant 0 : i32
    %c0_i32_0 = arith.constant 0 : i32
    %c0_i32_1 = arith.constant 0 : i32
    return %c0_i32, %c0_i32_0 : i32, i32
  }
  func.func @transform_4(%arg0: i32) -> (i32, i32) {
    %c0_i32 = arith.constant 0 : i32
    %c0_i32_0 = arith.constant 0 : i32
    %c0_i32_1 = arith.constant 0 : i32
    return %c0_i32, %c0_i32_0 : i32, i32
  }
  func.func @transform_5(%arg0: i32) -> (i32, i32) {
    %c0_i32 = arith.constant 0 : i32
    %c0_i32_0 = arith.constant 0 : i32
    %c0_i32_1 = arith.constant 0 : i32
    return %c0_i32, %c0_i32_0 : i32, i32
  }
  func.func @transform_6(%arg0: i32) -> (i32, i32) {
    %c0_i32 = arith.constant 0 : i32
    %c0_i32_0 = arith.constant 0 : i32
    return %arg0, %c0_i32 : i32, i32
  }
  func.func @transform_7(%arg0: i32) -> (i32, i32) {
    %c0_i32 = arith.constant 0 : i32
    %c0_i32_0 = arith.constant 0 : i32
    return %arg0, %c0_i32 : i32, i32
  }
}

module attributes {stable_mosaic.version = 14 : i64} {
  func.func @_b4_body(%arg0: i32, %arg1: memref<512x128xf32, #tpu.memory_space<vmem>>, %arg2: memref<2x512x128xf32, #tpu.memory_space<vmem>>, %arg3: memref<128x128xf32, #tpu.memory_space<vmem>>, %arg4: memref<1x128xf32, #tpu.memory_space<vmem>>, %arg5: memref<1x1x512xi32, #tpu.memory_space<vmem>>, %arg6: memref<64x128xf32, #tpu.memory_space<vmem>>) attributes {dimension_semantics = [#tpu.dimension_semantics<arbitrary>], iteration_bounds = array<i64: 20>, scalar_prefetch = 0 : i64, scratch_operands = 0 : i64, tpu.core_type = #tpu.core_type<tc>, window_params = [{transform_indices = @transform_0, window_bounds = array<i64: 512, 128>}, {transform_indices = @transform_1, window_bounds = array<i64: 2, 512, 128>}, {pipeline_mode = #tpu.pipeline_mode<synchronous>, transform_indices = @transform_2, window_bounds = array<i64: 128, 128>}, {pipeline_mode = #tpu.pipeline_mode<synchronous>, transform_indices = @transform_3, window_bounds = array<i64: 1, 128>}, {transform_indices = @transform_4, window_bounds = array<i64: 1, 1, 512>}, {pipeline_mode = #tpu.pipeline_mode<synchronous>, transform_indices = @transform_5, window_bounds = array<i64: 64, 128>}]} {
    %get3A = arith.constant 0 : index
    %get3A_0 = arith.constant 0 : index
    %get3A_1 = arith.constant 0 : index
    %get3A_2 = vector.load %arg2[%get3A, %get3A_0, %get3A_1] : memref<2x512x128xf32, #tpu.memory_space<vmem>>, vector<1x512x128xf32>
    %get3A_3 = vector.shape_cast %get3A_2 : vector<1x512x128xf32> to vector<512x128xf32>
    %get3A_4 = arith.constant 1 : index
    %get3A_5 = arith.constant 0 : index
    %get3A_6 = arith.constant 0 : index
    %get3A_7 = vector.load %arg2[%get3A_4, %get3A_5, %get3A_6] : memref<2x512x128xf32, #tpu.memory_space<vmem>>, vector<1x512x128xf32>
    %get3A_8 = vector.shape_cast %get3A_7 : vector<1x512x128xf32> to vector<512x128xf32>
    %add3A = arith.addf %get3A_3, %get3A_8 : vector<512x128xf32>
    %get3A_9 = arith.constant 0 : index
    %get3A_10 = arith.constant 0 : index
    %get3A_11 = vector.load %arg1[%get3A_9, %get3A_10] : memref<512x128xf32, #tpu.memory_space<vmem>>, vector<512x128xf32>
    %get3A_12 = arith.constant 0 : index
    %get3A_13 = arith.constant 0 : index
    %get3A_14 = vector.load %arg3[%get3A_12, %get3A_13] : memref<128x128xf32, #tpu.memory_space<vmem>>, vector<128x128xf32>
    %dot_general3A = arith.constant dense<0.000000e+00> : vector<512x128xf32>
    %dot_general3A_15 = tpu.matmul %add3A, %get3A_14, %dot_general3A {dimension_numbers = #tpu.dot_dimension_numbers<[1], [1], [0], [0], [0, 0, 1, 0], [], []>, transpose_lhs_hint = false} : vector<512x128xf32>, vector<128x128xf32>, vector<512x128xf32> -> vector<512x128xf32>
    %get3A_16 = arith.constant 0 : index
    %get3A_17 = arith.constant 0 : index
    %get3A_18 = vector.load %arg4[%get3A_16, %get3A_17] : memref<1x128xf32, #tpu.memory_space<vmem>>, vector<1x128xf32>
    %add3A_19 = vector.broadcast %get3A_18 : vector<1x128xf32> to vector<512x128xf32>
    %add3A_20 = arith.addf %dot_general3A_15, %add3A_19 : vector<512x128xf32>
    %max3A = arith.constant 0.000000e+00 : f32
    %max3A_21 = vector.broadcast %max3A : f32 to vector<512x128xf32>
    %max3A_22 = arith.maximumf %add3A_20, %max3A_21 : vector<512x128xf32>
    %add3A_23 = arith.addf %get3A_11, %max3A_22 : vector<512x128xf32>
    %get3A_24 = arith.constant 0 : index
    %get3A_25 = arith.constant 0 : index
    %get3A_26 = arith.constant 0 : index
    %get3A_27 = vector.load %arg5[%get3A_24, %get3A_25, %get3A_26] : memref<1x1x512xi32, #tpu.memory_space<vmem>>, vector<1x1x512xi32>
    %get3A_28 = vector.shape_cast %get3A_27 : vector<1x1x512xi32> to vector<512xi32>
    %reshape3A = vector.shape_cast %get3A_28 : vector<512xi32> to vector<1x512xi32>
    %iota3A = tpu.iota {dimensions = array<i32: 0>} : vector<64x512xi32>
    %eq3A = vector.broadcast %reshape3A : vector<1x512xi32> to vector<64x512xi32>
    %eq3A_29 = arith.cmpi eq, %eq3A, %iota3A : vector<64x512xi32>
    %convert_element_type3A = arith.extui %eq3A_29 : vector<64x512xi1> to vector<64x512xi32>
    %convert_element_type3A_30 = arith.sitofp %convert_element_type3A : vector<64x512xi32> to vector<64x512xf32>
    %dot_general3A_31 = arith.constant dense<0.000000e+00> : vector<64x128xf32>
    %dot_general3A_32 = tpu.matmul %convert_element_type3A_30, %add3A_23, %dot_general3A_31 {dimension_numbers = #tpu.dot_dimension_numbers<[1], [0], [0], [1], [0, 0, 1, 1], [], []>, transpose_lhs_hint = false} : vector<64x512xf32>, vector<512x128xf32>, vector<64x128xf32> -> vector<64x128xf32>
    %eq3A_33 = arith.constant 0 : i32
    %eq3A_34 = arith.cmpi eq, %arg0, %eq3A_33 : i32
    %convert_element_type3A_35 = arith.extui %eq3A_34 : i1 to i32
    %cond3A = arith.constant 0 : i32
    %cond3A_36 = arith.cmpi ne, %convert_element_type3A_35, %cond3A : i32
    scf.if %cond3A_36 {
      %broadcast_in_dim3A = arith.constant 0.000000e+00 : f32
      %broadcast_in_dim3A_43 = vector.broadcast %broadcast_in_dim3A : f32 to vector<64x128xf32>
      %swap3A_44 = arith.constant 0 : index
      %swap3A_45 = arith.constant 0 : index
      %swap3A_46 = vector.load %arg6[%swap3A_44, %swap3A_45] : memref<64x128xf32, #tpu.memory_space<vmem>>, vector<64x128xf32>
      tpu.vector_store %arg6[%swap3A_44, %swap3A_45], %broadcast_in_dim3A_43 {strides = array<i32>} : memref<64x128xf32, #tpu.memory_space<vmem>>, vector<64x128xf32>,
    } else {
    }
    %get3A_37 = arith.constant 0 : index
    %get3A_38 = arith.constant 0 : index
    %get3A_39 = vector.load %arg6[%get3A_37, %get3A_38] : memref<64x128xf32, #tpu.memory_space<vmem>>, vector<64x128xf32>
    %add3A_40 = arith.addf %get3A_39, %dot_general3A_32 : vector<64x128xf32>
    %swap3A = arith.constant 0 : index
    %swap3A_41 = arith.constant 0 : index
    %swap3A_42 = vector.load %arg6[%swap3A, %swap3A_41] : memref<64x128xf32, #tpu.memory_space<vmem>>, vector<64x128xf32>
    tpu.vector_store %arg6[%swap3A, %swap3A_41], %add3A_40 {strides = array<i32>} : memref<64x128xf32, #tpu.memory_space<vmem>>, vector<64x128xf32>,
    return
  }
  func.func @transform_0(%arg0: i32) -> (i32, i32) {
    %c0_i32 = arith.constant 0 : i32
    %c0_i32_0 = arith.constant 0 : i32
    return %arg0, %c0_i32 : i32, i32
  }
  func.func @transform_1(%arg0: i32) -> (i32, i32, i32) {
    %c0_i32 = arith.constant 0 : i32
    %c0_i32_0 = arith.constant 0 : i32
    %c0_i32_1 = arith.constant 0 : i32
    return %c0_i32, %arg0, %c0_i32_0 : i32, i32, i32
  }
  func.func @transform_2(%arg0: i32) -> (i32, i32) {
    %c0_i32 = arith.constant 0 : i32
    %c0_i32_0 = arith.constant 0 : i32
    %c0_i32_1 = arith.constant 0 : i32
    return %c0_i32, %c0_i32_0 : i32, i32
  }
  func.func @transform_3(%arg0: i32) -> (i32, i32) {
    %c0_i32 = arith.constant 0 : i32
    %c0_i32_0 = arith.constant 0 : i32
    %c0_i32_1 = arith.constant 0 : i32
    return %c0_i32, %c0_i32_0 : i32, i32
  }
  func.func @transform_4(%arg0: i32) -> (i32, i32, i32) {
    %c0_i32 = arith.constant 0 : i32
    %c0_i32_0 = arith.constant 0 : i32
    %c0_i32_1 = arith.constant 0 : i32
    return %arg0, %c0_i32, %c0_i32_0 : i32, i32, i32
  }
  func.func @transform_5(%arg0: i32) -> (i32, i32) {
    %c0_i32 = arith.constant 0 : i32
    %c0_i32_0 = arith.constant 0 : i32
    %c0_i32_1 = arith.constant 0 : i32
    return %c0_i32, %c0_i32_0 : i32, i32
  }
}

</mosaic_0001>

<sc_bundles>
// kernel: kernel.10.cloned.1.call-start
scs
__scs_entry_jumppad:
0x0: {  	(pc) =	sbr.rel $0x88, $3  }
0x1: {  	(tag) =	ssettag $0x0;
	lr =	simm.s32 $0x1  }
0x2: {  	[smem:$0x3F9B] =	sst lr;
	_ =	strace $0xD0000000  }
0x3: {  	_ = 	snop  }
0x4: {  	_ = 	snop  }
0x5: {  	_ = 	snop  }
0x6: {  	_ = 	snop  }
0x7: {  	_ = 	snop  }
__scs_overlays_trampoline_lowered:
0x8: {  	[smem:$0x3FAA] =	sst s0  }
0x9: {  	[smem:$0x3FAB] =	sst s1  }
0xa: {  	[smem:$0x3FAC] =	sst s2  }
0xb: {  	[smem:$0x3FAD] =	sst s3  }
0xc: {  	[smem:$0x3FAE] =	sst s4  }
0xd: {  	[smem:$0x3FAF] =	sst s5  }
0xe: {  	[smem:$0x3FB0] =	sst s6  }
0xf: {  	[smem:$0x3FB1] =	sst s7  }
0x10: {  	[smem:$0x3FB2] =	sst s8  }
0x11: {  	[smem:$0x3FB3] =	sst s9;
	s0 =	simm.s32 @!p0 $0x0  }
0x12: {  	s1 =	sld [smem:$0x3F99];
	s0 =	simm.s32 @p0 $0x1  }
0x13: {  	[smem:$0x3FB4] =	sst s0;
	s0 =	simm.s32 @!p1 $0x0  }
0x14: {  	s2 =	sld [smem:$0x3F98];
	s0 =	simm.s32 @p1 $0x1  }
0x15: {  	[smem:$0x3FB5] =	sst s0;
	s0 =	simm.s32 @!p2 $0x0  }
0x16: {  	s3 =	sld [smem:$0x3FDB];
	s0 =	simm.s32 @p2 $0x1  }
0x17: {  	s4 =	simm.s32 $0x1BF5;
	[smem:$0x3FB7] =	sst s0  }
0x18: {  	s0 =	sld [smem:$0x3F9A];
	_ =	swait.ge [sflag:s4], $0x0  }
0x19: {  	s7 =	sld [smem:$0x3F9B]  }
0x1a: {  	s8 =	sadd.s32 $0xFFFFE003, lr  }
0x1b: {  	s9 =	sadd.s32 $0xFFFFFEF7, lr;
	s5 =	simm.s32 $0xFFFFFFFF;
	p2 =	slt.u32 s8, $0xFFFFF086  }
0x1c: {  	p1 =	slt.u32 s9, $0xF7A;
	s5 =	simm.s32 @!p2 $0x0  }
0x1d: {  	s5 =	simm.s32 @p1 $0x1;
	p0 =	seq.s32 s7, s2  }
0x1e: {  	s7 =	smul.u32 @!p0 $0xF7A, s2;
	p2 =	seq.s32 @!p0 s5, $0x0  }
0x1f: {  	s9 =	smul.u32 $0xF7A, s1;
	s8 =	simm.s32 @!p0 $0x1BF5;
	p2 =	por !p2, p0  }
0x20: {  	[sflag:s8] =	ssyncset.s32 @!p0 $0xFFFFF086;
	s6 =	sadd.s32 @!p0 s3, s7;
	s7 =	simm.s32 @!p0 $0x108  }
0x21: {  	s3 =	sadd.s32 s3, s9;
	s6 =	sadd.s32 @!p0 $0x88, s6;
	s7 =	simm.s32 @p2 $0x1082  }
0x22: {  	[simem:s7], [sflag:s8] =	dma.local @!p0 [hbm:s6], $0xF7A  }
0x23: {  	s9 =	sor.u32 $0xD0000000, s2;
	s6 =	simm.s32 $0x108;
	_ =	swait.ge @!p0 [sflag:s8], $0x0  }
0x24: {  	s3 =	sadd.s32 $0x88, s3;
	s6 =	simm.s32 @!p1 $0x1082;
	[sflag:s4] =	ssyncset.s32 $0xFFFFF086  }
0x25: {  	[simem:s6], [sflag:s4] =	dma.local [hbm:s3], $0xF7A  }
0x26: {  	[smem:$0x3F9B] =	sst s1;
	(tag) =	ssettag s2;
	_ =	strace s9  }
0x27: {  	s1 =	sld [smem:$0x3FAB]  }
0x28: {  	s2 =	sld [smem:$0x3FAC]  }
0x29: {  	s4 =	sld [smem:$0x3FAE]  }
0x2a: {  	p0 =	seq.s32 s5, $0x0;
	s5 =	sld [smem:$0x3FAF]  }
0x2b: {  	s6 =	sld [smem:$0x3FB0]  }
0x2c: {  	s7 =	sld [smem:$0x3FB1]  }
0x2d: {  	s3 =	simm.s32 $0x108;
	s8 =	sld [smem:$0x3FB2]  }
0x2e: {  	s3 =	simm.s32 @!p0 $0x1082;
	s9 =	sld [smem:$0x3FB3]  }
0x2f: {  	lr =	sadd.s32 s0, s3;
	s0 =	sld [smem:$0x3FAA]  }
0x30: {  	s3 =	sld [smem:$0x3FAD]  }
0x31: {  	[smem:$0x3FB6] =	sst s10  }
0x32: {  	s10 =	sld [smem:$0x3FB4];
	_ =	sdelay $0x3  }
0x33: {  	p0 =	seq.s32 s10, $0x1;
	s10 =	sld [smem:$0x3FB6];
	_ =	sdelay $0x3  }
0x34: {  	[smem:$0x3FB6] =	sst s10  }
0x35: {  	s10 =	sld [smem:$0x3FB5];
	_ =	sdelay $0x3  }
0x36: {  	p1 =	seq.s32 s10, $0x1;
	s10 =	sld [smem:$0x3FB6];
	_ =	sdelay $0x3  }
0x37: {  	[smem:$0x3FB6] =	sst s10  }
0x38: {  	s10 =	sld [smem:$0x3FB7]  }
0x39: {  	_ = 	snop;
	(pc) =	sbr.ind lr, $3  }
0x3a: {  	_ = 	snop  }
0x3b: {  	_ = 	snop  }
0x3c: {  	p2 =	seq.s32 s10, $0x1;
	s10 =	sld [smem:$0x3FB6]  }
0x3d: {  	_ =	shalt  }
0x3e: {  	_ =	shalt  }
0x3f: {  	_ =	shalt  }
0x40: {  	_ =	shalt  }
0x41: {  	_ =	shalt  }
0x42: {  	_ =	shalt  }
0x43: {  	_ =	shalt  }
0x44: {  	_ =	shalt  }
0x45: {  	_ =	shalt  }
0x46: {  	_ =	shalt  }
0x47: {  	_ =	shalt  }
0x48: {  	_ =	shalt  }
0x49: {  	_ =	shalt  }
0x4a: {  	_ =	shalt  }
0x4b: {  	_ =	shalt  }
0x4c: {  	_ =	shalt  }
0x4d: {  	_ =	shalt  }
0x4e: {  	_ =	shalt  }
0x4f: {  	_ =	shalt  }
0x50: {  	_ =	shalt  }
0x51: {  	_ =	shalt  }
0x52: {  	_ =	shalt  }
0x53: {  	_ =	shalt  }
0x54: {  	_ =	shalt  }
0x55: {  	_ =	shalt  }
0x56: {  	_ =	shalt  }
0x57: {  	_ =	shalt  }
0x58: {  	_ =	shalt  }
0x59: {  	_ =	shalt  }
0x5a: {  	_ =	shalt  }
0x5b: {  	_ =	shalt  }
0x5c: {  	_ =	shalt  }
0x5d: {  	_ =	shalt  }
0x5e: {  	_ =	shalt  }
0x5f: {  	_ =	shalt  }
0x60: {  	_ =	shalt  }
0x61: {  	_ =	shalt  }
0x62: {  	_ =	shalt  }
0x63: {  	_ =	shalt  }
0x64: {  	_ =	shalt  }
0x65: {  	_ =	shalt  }
0x66: {  	_ =	shalt  }
0x67: {  	_ =	shalt  }
0x68: {  	_ =	shalt  }
0x69: {  	_ =	shalt  }
0x6a: {  	_ =	shalt  }
0x6b: {  	_ =	shalt  }
0x6c: {  	_ =	shalt  }
0x6d: {  	_ =	shalt  }
0x6e: {  	_ =	shalt  }
0x6f: {  	_ =	shalt  }
0x70: {  	_ =	shalt  }
0x71: {  	_ =	shalt  }
0x72: {  	_ =	shalt  }
0x73: {  	_ =	shalt  }
0x74: {  	_ =	shalt  }
0x75: {  	_ =	shalt  }
0x76: {  	_ =	shalt  }
0x77: {  	_ =	shalt  }
0x78: {  	_ =	shalt  }
0x79: {  	_ =	shalt  }
0x7a: {  	_ =	shalt  }
0x7b: {  	_ =	shalt  }
0x7c: {  	_ =	shalt  }
0x7d: {  	_ =	shalt  }
0x7e: {  	_ =	shalt  }
0x7f: {  	_ =	shalt  }
0x80: {  	_ =	shalt  }
0x81: {  	_ =	shalt  }
0x82: {  	_ =	shalt  }
0x83: {  	_ =	shalt  }
0x84: {  	_ =	shalt  }
0x85: {  	_ =	shalt  }
0x86: {  	_ =	shalt  }
0x87: {  	_ =	shalt  }
.Lfunc_end0:
.L_simem_size_0:
called_computation_lowered:
.L_overlay_start_0:
0x88: {  	s2 =	sld [smem:$0x3FD9]  }
0x89: {  	s3 =	sld [smem:$0x3FFE];
	_ =	sdelay $0x1  }
0x8a: {  	s1 =	srdreg.scid  }
0x8b: {  	s0 =	sand.u32 $0x1, s1  }
0x8c: {  	s16 =	sshll.u32 s0, $0xA;
	s2 =	sadd.s32 s3, s2  }
0x8d: {  	s2 =	sadd.s32 s2, s16  }
0x8e: {  	[smem:$0x3FC2] =	sst s2  }
0x8f: {  	_ = 	snop  }
0x90: {  	(tm) =	ssettm $0x1  }
0x91: {  	s17 =	sld [smem:$0x3FFB];
	_ =	sdelay $0x3  }
0x92: {  	_ =	strace s17  }
0x93: {  	s2 =	sld [smem:$0x3FFC];
	_ =	sdelay $0x3  }
0x94: {  	_ =	strace s2  }
0x95: {  	s2 =	sld [smem:$0x3FFD];
	_ =	sdelay $0x3  }
0x96: {  	_ =	strace s2  }
0x97: {  	_ =	strace $0x8FFFFFFF  }
0x98: {  	s18 =	sld [smem:$0x3FDB];
	_ =	sdelay $0x1  }
0x99: {  	s19 =	simm.s32 $_scs_section_size  }
0x9a: {  	s4 =	simm.s32 $_size__tile_overlayer_lowered;
	s5 =	simm.s32 $_tile_overlayer_lowered  }
0x9b: {  	s22 =	simm.s32 $0x1BFF;
	s21 =	sshll.u32 s5, $0x1;
	s2 =	sadd.s32 s19, s18  }
0x9c: {  	s6 =	simm.s32 $0x0;
	s20 =	sshll.u32 s4, $0x1;
	s4 =	sadd.s32 s21, s2  }
0x9d: {  	[timem:s6], [sflag:s22] =	dma.local [hbm:s4], s20  }
0x9e: {  	_ =	swait.ge [sflag:s22], s20  }
0x9f: {  	s3 =	ssub.s32 $0x0, s20;
	[sflag:s22] =	ssyncset.done $0x0  }
0xa0: {  	[sflag:s22] =	ssyncadd.s32 s3;
	_ =	sdelay $0x1  }
0xa1: {  	s23 =	simm.s32 $0x1B8B  }
0xa2: {  	_ =	swait.ge [sflag:s23], $0x1  }
0xa3: {  	[sflag:s23] =	ssyncset.done $0x0  }
0xa4: {  	s25 =	simm.s32 $0x1B8E;
	s24 =	sld [smem:$0x3FFE];
	[sflag:s23] =	ssyncadd.s32 $0xFFFFFFFF  }
0xa5: {  	s26 =	simm.s32 $execute0_lowered;
	[smem:$0x3FD2] =	sst s25  }
0xa6: {  	s4 =	sshll.u32 s26, $0x1;
	_ =	strace $0x80000046;
	[dreg:$0x1] =	wrdreg $0xFFFFFFFF  }
0xa7: {  	s28 =	simm.s32 $_size_execute0_lowered;
	s2 =	sadd.s32 s2, s4;
	[dreg:$0x0] =	wrdreg $0x0  }
0xa8: {  	s4 =	sshll.u32 s28, $0x1;
	[dreg:$0x2] =	wrdreg s2  }
0xa9: {  	[dreg:$0x3] =	wrdreg s4  }
0xaa: {  	[dreg:$0x4] =	wrdreg $0xC0  }
0xab: {  	_ =	task [dreg:s6], $0x5FFFF  }
0xac: {  	[dreg:$0x1] =	wrdreg $0xFFFFFFFF  }
0xad: {  	[dreg:$0x0] =	wrdreg $0x60  }
0xae: {  	[dreg:$0x2] =	wrdreg s24  }
0xaf: {  	[dreg:$0x3] =	wrdreg $0x0  }
0xb0: {  	[dreg:$0x4] =	wrdreg $0x9  }
0xb1: {  	_ =	task.clear_ibuf [dreg:s6], $0x5FFFF;
	_ =	strace $0x90000046  }
0xb2: {  	s29 =	simm.s32 $0x9;
	_ =	strace $0x80000048  }
0xb3: {  	_ =	swait.ge [sflag:s29], $0x1  }
0xb4: {  	[sflag:s29] =	ssyncadd.s32 $0xFFFFFFFF  }
0xb5: {  	_ =	strace $0x90000048  }
0xb6: {  	_ =	sfence  }
0xb7: {  	s30 =	sld [smem:$0x0];
	_ =	sdelay $0x2  }
0xb8: {  	s31 =	sshll.u32 s1, $0xD;
	s1 =	sshrl.u32 s1, $0x2  }
0xb9: {  	s3 =	sand.u32 $0x4000, s31;
	s1 =	sadd.s32 s1, s30  }
0xba: {  	s0 =	sor.u32 s3, s0;
	s1 =	sshll.u32 s1, $0x11  }
0xbb: {  	s0 =	sor.u32 s1, s0  }
0xbc: {  	s0 =	sadd.s32 $0x8F2B, s0  }
0xbd: {  	[sflag:s0] =	ssyncadd.remote.s32 $0x1  }
0xbe: {  	_ =	sfence.sel $0xFFFF  }
0xbf: {  	[dreg:$0x0] =	wrdreg $0xFFFFFFFF;
	(pc) =	sbr.abs _section_cstart, $3  }
0xc0: {  	[dreg:$0x1] =	wrdreg $0xFFFFFFFF  }
0xc1: {  	_ =	task.clear_ibuf [dreg:s6], $0x2FFFF;
	_ =	strace $0x9FFFFFFF  }
0xc2: {  	(tm) =	ssettm $0x7FFFFFFF  }
0xc3: {  	_ =	shalt  }
tec
execute0_lowered:
.L_overlay_start_1:
0x0: {  	(tag) =	ssettag $0x1  }
0x1: {  	s7 =	rddreg [dreg:$0x0]  }
0x2: {  	s0 =	srdreg.scid;
	s2 =	rddreg [dreg:$0x1];
	s3 =	simm.s32 $0x0  }
0x3: {  	s13 =	simm.s32 $0x14000;
	s14 =	simm.s32 $0x80;
	s6 =	sand.u32 $0x1, s0  }
0x4: {  	s15 =	simm.s32 $0x0;
	s0 =	stileid.u32;
	s5 =	smul.u32 $0x140000, s6  }
0x5: {  	[smem:$0x7FF] =	sst s3;
	s1 =	sshll.u32 s6, $0x4;
	s8 =	smul.u32 $0x14000, s0  }
0x6: {  	s10 =	smul.u32 $0x50000, s0;
	s6 =	ssub.s32 $0x2, s6;
	s1 =	sor.u32 s0, s1  }
0x7: {  	s11 =	sshll.u32 s0, $0x6;
	s31 =	sshrl.u32 s6, $0x1;
	s4 =	smul.u32 $0x500, s1  }
0x8: {  	s1 =	rddreg [dreg:$0x2];
	_ =	strace $0x80000047;
	s5 =	sadd.s32 s8, s5  }
0x9: {  	s10 =	sshrl.u32 s10, $0x2;
	s12 =	ssub.s32 s6, s31;
	s6 =	sor.u32 $0x1C01, s11  }
0xa: {  	s11 =	simm.s32 $0x1;
	s8 =	sshrl.u32 s5, $0x3;
	s5 =	sadd.s32 $0x16800, s7  }
0xb: {  	s10 =	sadd.s32 s10, s2;
	s9 =	sadd.s32 s4, s7;
	s4 =	sadd.s32 $0x19000, s7  }
0xc: {  	s8 =	sadd.s32 s8, s7;
	s10 =	sshrl.u32 s10, $0x3;
	s7 =	sadd.s32 $0xC800, s9  }
0xd: {  	s8 =	sadd.s32 $0x19800, s8;
	s9 =	smax.u32 s12, $0x1;
	s12 =	simm.s32 $0x16800  }
.LBB2_1:
0xe: {  	[spmem:s10], [sflag:s6] =	dma.local [hbm:s5], $0x2800  }
0xf: {  	_ =	swait.ge [sflag:s11], $0x2800  }
0x10: {  	[sflag:s11] =	ssyncset.done $0x0  }
0x11: {  	[sflag:s11] =	ssyncadd.s32 $0xFFFFD800  }
0x12: {  	[tilespmem:s12], [sflag:$0x1] =	stream.linear.gather [hbm4b:s4+s3], $0x4000, $0x38;
	[tilespmem:$0x1A800] =	vst v63  }
0x13: {  	_ =	swait.ge [sflag:s11], $0x4000  }
0x14: {  	[sflag:s11] =	ssyncset.done $0x0  }
0x15: {  	[sflag:s11] =	ssyncadd.s32 $0xFFFFC000  }
0x16: {  	[tilespmem:s13], [sflag:$0x1] =	stream.linear.gather [hbm4b:s7+s3], $0x2800, $0x38;
	[tilespmem:$0x1A800] =	vst v63  }
0x17: {  	_ =	swait.ge [sflag:s11], $0x2800  }
0x18: {  	[sflag:s11] =	ssyncset.done $0x0  }
0x19: {  	[sflag:s11] =	ssyncadd.s32 $0xFFFFD800  }
0x1a: {  	s16 =	simm.s32 $0x14000;
	[bflag:$0x0] =	sbarrier.arrive $0xFFFF  }
0x1b: {  	[spmem:s2] =	stream.indirect.scatter.add.f32 [tilespmem:s12], [sflag:$0x1], $0x80, s16, s14, $0xb8;
	[tilespmem:$0x1A800] =	vst v63  }
0x1c: {  	s16 =	simm.s32 $0x200;
	_ =	swait.ge [sflag:s11], $0x4000  }
.LBB2_2:
0x1d: {  	s17 =	sshra.s32 s16, $0x2;
	[sflag:s11] =	ssyncset.done $0x0;
	p0 =	sne.s32 s16, $0x9E00  }
.Ltmp0:
0x1e: {  	s17 =	sadd.s32 $0x14000, s17;
	[sflag:s11] =	ssyncadd.s32 $0xFFFFC000;
	(pc) =	sbr.rel @p0 .LBB2_2-.Ltmp0, $3  }
0x1f: {  	[spmem:s2] =	stream.indirect.scatter.add.f32 [tilespmem:s12], [sflag:$0x1], $0x80, s17, s14, $0xb8;
	[tilespmem:$0x1A800] =	vst v63  }
0x20: {  	s16 =	sadd.s32 $0x200, s16;
	_ =	sdelay $0x1  }
0x21: {  	_ =	swait.ge [sflag:s11], $0x4000  }
0x22: {  	[sflag:s11] =	ssyncset.done $0x0;
	s15 =	sadd.s32 $0x1, s15  }
0x23: {  	[sflag:s11] =	ssyncadd.s32 $0xFFFFC000;
	p0 =	sne.s32 s15, s9  }
.Ltmp1:
0x24: {  	[bflag:$0x0] =	sbarrier.arrive $0xFFFF;
	(pc) =	sbr.rel @p0 .LBB2_1-.Ltmp1, $4  }
0x25: {  	[hbm:s8], [sflag:s6] =	dma.local [spmem:s10], $0x2800  }
0x26: {  	_ =	swait.ge [sflag:s11], $0x2800  }
0x27: {  	[sflag:s11] =	ssyncset.done $0x0  }
0x28: {  	[sflag:s11] =	ssyncadd.s32 $0xFFFFD800  }
0x29: {  	_ =	sfence.sel $0x180000  }
0x2a: {  	[bflag:$0x0] =	sbarrier.arrive $0xFFFF  }
0x2b: {  	p0 =	sne.s32 s0, $0x0;
	_ =	strace $0x90000047  }
0x2c: {  	s0 =	sadd.s32 @!p0 $0x100000, s1;
	[bflag:$0x2] =	sbarrier.arrive $0xFFFF  }
0x2d: {  	[sflag:s0] =	ssyncadd.tile.s32 @!p0 $0x1;
	_ =	shalt  }
.Lfunc_end2:
_tile_overlayer_lowered:
.L_overlay_start_2:
0x2e: {  	(tag) =	ssettag $0x2  }
0x2f: {  	s0 =	rddreg [dreg:$0x0];
	s2 =	stileid.u32  }
0x30: {  	s1 =	rddreg [dreg:$0x1];
	p0 =	sne.s32 s2, $0x0  }
0x31: {  	s3 =	rddreg [dreg:$0x2];
	[bflag:$0x3] =	sbarrier.arrive $0xFFFF;
	s2 =	simm.s32 @!p0 $0x1C01  }
0x32: {  	[timem:s3], [sflag:s2] =	dma.local @!p0 [hbm:s0], s1  }
0x33: {  	s0 =	simm.s32 @!p0 $0x1  }
0x34: {  	_ =	swait.ge @!p0 [sflag:s0], s1  }
0x35: {  	s1 =	ssub.s32 @!p0 $0x0, s1;
	[sflag:s0] =	ssyncset.done @!p0 $0x0  }
0x36: {  	[sflag:s0] =	ssyncadd.s32 @!p0 s1  }
0x37: {  	[bflag:$0x3] =	sbarrier.arrive $0xFFFF  }
0x38: {  	_ =	shalt  }

// kernel: kernel.13.cloned.1.call-start
scs
__scs_entry_jumppad:
0x0: {  	(pc) =	sbr.rel $0x88, $3  }
0x1: {  	(tag) =	ssettag $0x0;
	lr =	simm.s32 $0x1  }
0x2: {  	[smem:$0x3F9B] =	sst lr;
	_ =	strace $0xD0000000  }
0x3: {  	_ = 	snop  }
0x4: {  	_ = 	snop  }
0x5: {  	_ = 	snop  }
0x6: {  	_ = 	snop  }
0x7: {  	_ = 	snop  }
__scs_overlays_trampoline_lowered:
0x8: {  	[smem:$0x3FAA] =	sst s0  }
0x9: {  	[smem:$0x3FAB] =	sst s1  }
0xa: {  	[smem:$0x3FAC] =	sst s2  }
0xb: {  	[smem:$0x3FAD] =	sst s3  }
0xc: {  	[smem:$0x3FAE] =	sst s4  }
0xd: {  	[smem:$0x3FAF] =	sst s5  }
0xe: {  	[smem:$0x3FB0] =	sst s6  }
0xf: {  	[smem:$0x3FB1] =	sst s7  }
0x10: {  	[smem:$0x3FB2] =	sst s8  }
0x11: {  	[smem:$0x3FB3] =	sst s9;
	s0 =	simm.s32 @!p0 $0x0  }
0x12: {  	s1 =	sld [smem:$0x3F99];
	s0 =	simm.s32 @p0 $0x1  }
0x13: {  	[smem:$0x3FB4] =	sst s0;
	s0 =	simm.s32 @!p1 $0x0  }
0x14: {  	s2 =	sld [smem:$0x3F98];
	s0 =	simm.s32 @p1 $0x1  }
0x15: {  	[smem:$0x3FB5] =	sst s0;
	s0 =	simm.s32 @!p2 $0x0  }
0x16: {  	s3 =	sld [smem:$0x3FDB];
	s0 =	simm.s32 @p2 $0x1  }
0x17: {  	s4 =	simm.s32 $0x1BF5;
	[smem:$0x3FB7] =	sst s0  }
0x18: {  	s0 =	sld [smem:$0x3F9A];
	_ =	swait.ge [sflag:s4], $0x0  }
0x19: {  	s7 =	sld [smem:$0x3F9B]  }
0x1a: {  	s8 =	sadd.s32 $0xFFFFE003, lr  }
0x1b: {  	s9 =	sadd.s32 $0xFFFFFEF7, lr;
	s5 =	simm.s32 $0xFFFFFFFF;
	p2 =	slt.u32 s8, $0xFFFFF086  }
0x1c: {  	p1 =	slt.u32 s9, $0xF7A;
	s5 =	simm.s32 @!p2 $0x0  }
0x1d: {  	s5 =	simm.s32 @p1 $0x1;
	p0 =	seq.s32 s7, s2  }
0x1e: {  	s7 =	smul.u32 @!p0 $0xF7A, s2;
	p2 =	seq.s32 @!p0 s5, $0x0  }
0x1f: {  	s9 =	smul.u32 $0xF7A, s1;
	s8 =	simm.s32 @!p0 $0x1BF5;
	p2 =	por !p2, p0  }
0x20: {  	[sflag:s8] =	ssyncset.s32 @!p0 $0xFFFFF086;
	s6 =	sadd.s32 @!p0 s3, s7;
	s7 =	simm.s32 @!p0 $0x108  }
0x21: {  	s3 =	sadd.s32 s3, s9;
	s6 =	sadd.s32 @!p0 $0x88, s6;
	s7 =	simm.s32 @p2 $0x1082  }
0x22: {  	[simem:s7], [sflag:s8] =	dma.local @!p0 [hbm:s6], $0xF7A  }
0x23: {  	s9 =	sor.u32 $0xD0000000, s2;
	s6 =	simm.s32 $0x108;
	_ =	swait.ge @!p0 [sflag:s8], $0x0  }
0x24: {  	s3 =	sadd.s32 $0x88, s3;
	s6 =	simm.s32 @!p1 $0x1082;
	[sflag:s4] =	ssyncset.s32 $0xFFFFF086  }
0x25: {  	[simem:s6], [sflag:s4] =	dma.local [hbm:s3], $0xF7A  }
0x26: {  	[smem:$0x3F9B] =	sst s1;
	(tag) =	ssettag s2;
	_ =	strace s9  }
0x27: {  	s1 =	sld [smem:$0x3FAB]  }
0x28: {  	s2 =	sld [smem:$0x3FAC]  }
0x29: {  	s4 =	sld [smem:$0x3FAE]  }
0x2a: {  	p0 =	seq.s32 s5, $0x0;
	s5 =	sld [smem:$0x3FAF]  }
0x2b: {  	s6 =	sld [smem:$0x3FB0]  }
0x2c: {  	s7 =	sld [smem:$0x3FB1]  }
0x2d: {  	s3 =	simm.s32 $0x108;
	s8 =	sld [smem:$0x3FB2]  }
0x2e: {  	s3 =	simm.s32 @!p0 $0x1082;
	s9 =	sld [smem:$0x3FB3]  }
0x2f: {  	lr =	sadd.s32 s0, s3;
	s0 =	sld [smem:$0x3FAA]  }
0x30: {  	s3 =	sld [smem:$0x3FAD]  }
0x31: {  	[smem:$0x3FB6] =	sst s10  }
0x32: {  	s10 =	sld [smem:$0x3FB4];
	_ =	sdelay $0x3  }
0x33: {  	p0 =	seq.s32 s10, $0x1;
	s10 =	sld [smem:$0x3FB6];
	_ =	sdelay $0x3  }
0x34: {  	[smem:$0x3FB6] =	sst s10  }
0x35: {  	s10 =	sld [smem:$0x3FB5];
	_ =	sdelay $0x3  }
0x36: {  	p1 =	seq.s32 s10, $0x1;
	s10 =	sld [smem:$0x3FB6];
	_ =	sdelay $0x3  }
0x37: {  	[smem:$0x3FB6] =	sst s10  }
0x38: {  	s10 =	sld [smem:$0x3FB7]  }
0x39: {  	_ = 	snop;
	(pc) =	sbr.ind lr, $3  }
0x3a: {  	_ = 	snop  }
0x3b: {  	_ = 	snop  }
0x3c: {  	p2 =	seq.s32 s10, $0x1;
	s10 =	sld [smem:$0x3FB6]  }
0x3d: {  	_ =	shalt  }
0x3e: {  	_ =	shalt  }
0x3f: {  	_ =	shalt  }
0x40: {  	_ =	shalt  }
0x41: {  	_ =	shalt  }
0x42: {  	_ =	shalt  }
0x43: {  	_ =	shalt  }
0x44: {  	_ =	shalt  }
0x45: {  	_ =	shalt  }
0x46: {  	_ =	shalt  }
0x47: {  	_ =	shalt  }
0x48: {  	_ =	shalt  }
0x49: {  	_ =	shalt  }
0x4a: {  	_ =	shalt  }
0x4b: {  	_ =	shalt  }
0x4c: {  	_ =	shalt  }
0x4d: {  	_ =	shalt  }
0x4e: {  	_ =	shalt  }
0x4f: {  	_ =	shalt  }
0x50: {  	_ =	shalt  }
0x51: {  	_ =	shalt  }
0x52: {  	_ =	shalt  }
0x53: {  	_ =	shalt  }
0x54: {  	_ =	shalt  }
0x55: {  	_ =	shalt  }
0x56: {  	_ =	shalt  }
0x57: {  	_ =	shalt  }
0x58: {  	_ =	shalt  }
0x59: {  	_ =	shalt  }
0x5a: {  	_ =	shalt  }
0x5b: {  	_ =	shalt  }
0x5c: {  	_ =	shalt  }
0x5d: {  	_ =	shalt  }
0x5e: {  	_ =	shalt  }
0x5f: {  	_ =	shalt  }
0x60: {  	_ =	shalt  }
0x61: {  	_ =	shalt  }
0x62: {  	_ =	shalt  }
0x63: {  	_ =	shalt  }
0x64: {  	_ =	shalt  }
0x65: {  	_ =	shalt  }
0x66: {  	_ =	shalt  }
0x67: {  	_ =	shalt  }
0x68: {  	_ =	shalt  }
0x69: {  	_ =	shalt  }
0x6a: {  	_ =	shalt  }
0x6b: {  	_ =	shalt  }
0x6c: {  	_ =	shalt  }
0x6d: {  	_ =	shalt  }
0x6e: {  	_ =	shalt  }
0x6f: {  	_ =	shalt  }
0x70: {  	_ =	shalt  }
0x71: {  	_ =	shalt  }
0x72: {  	_ =	shalt  }
0x73: {  	_ =	shalt  }
0x74: {  	_ =	shalt  }
0x75: {  	_ =	shalt  }
0x76: {  	_ =	shalt  }
0x77: {  	_ =	shalt  }
0x78: {  	_ =	shalt  }
0x79: {  	_ =	shalt  }
0x7a: {  	_ =	shalt  }
0x7b: {  	_ =	shalt  }
0x7c: {  	_ =	shalt  }
0x7d: {  	_ =	shalt  }
0x7e: {  	_ =	shalt  }
0x7f: {  	_ =	shalt  }
0x80: {  	_ =	shalt  }
0x81: {  	_ =	shalt  }
0x82: {  	_ =	shalt  }
0x83: {  	_ =	shalt  }
0x84: {  	_ =	shalt  }
0x85: {  	_ =	shalt  }
0x86: {  	_ =	shalt  }
0x87: {  	_ =	shalt  }
.Lfunc_end0:
.L_simem_size_0:
called_computation.1_lowered:
.L_overlay_start_0:
0x88: {  	s2 =	sld [smem:$0x3FD9]  }
0x89: {  	s3 =	sld [smem:$0x3FFE];
	_ =	sdelay $0x1  }
0x8a: {  	s1 =	srdreg.scid  }
0x8b: {  	s0 =	sand.u32 $0x1, s1  }
0x8c: {  	s16 =	sshll.u32 s0, $0xA;
	s2 =	sadd.s32 s3, s2  }
0x8d: {  	s2 =	sadd.s32 s2, s16  }
0x8e: {  	[smem:$0x3FC2] =	sst s2  }
0x8f: {  	_ = 	snop  }
0x90: {  	(tm) =	ssettm $0x1  }
0x91: {  	s17 =	sld [smem:$0x3FFB];
	_ =	sdelay $0x3  }
0x92: {  	_ =	strace s17  }
0x93: {  	s2 =	sld [smem:$0x3FFC];
	_ =	sdelay $0x3  }
0x94: {  	_ =	strace s2  }
0x95: {  	s2 =	sld [smem:$0x3FFD];
	_ =	sdelay $0x3  }
0x96: {  	_ =	strace s2  }
0x97: {  	_ =	strace $0x8FFFFFFF  }
0x98: {  	s18 =	sld [smem:$0x3FDB];
	_ =	sdelay $0x1  }
0x99: {  	s19 =	simm.s32 $_scs_section_size  }
0x9a: {  	s4 =	simm.s32 $_size__tile_overlayer_lowered;
	s5 =	simm.s32 $_tile_overlayer_lowered  }
0x9b: {  	s22 =	simm.s32 $0x1BFF;
	s21 =	sshll.u32 s5, $0x1;
	s2 =	sadd.s32 s19, s18  }
0x9c: {  	s6 =	simm.s32 $0x0;
	s20 =	sshll.u32 s4, $0x1;
	s4 =	sadd.s32 s21, s2  }
0x9d: {  	[timem:s6], [sflag:s22] =	dma.local [hbm:s4], s20  }
0x9e: {  	_ =	swait.ge [sflag:s22], s20  }
0x9f: {  	s3 =	ssub.s32 $0x0, s20;
	[sflag:s22] =	ssyncset.done $0x0  }
0xa0: {  	[sflag:s22] =	ssyncadd.s32 s3;
	_ =	sdelay $0x1  }
0xa1: {  	s23 =	simm.s32 $0x1B8B  }
0xa2: {  	_ =	swait.ge [sflag:s23], $0x1  }
0xa3: {  	[sflag:s23] =	ssyncset.done $0x0  }
0xa4: {  	s25 =	simm.s32 $0x1B8E;
	s24 =	sld [smem:$0x3FFE];
	[sflag:s23] =	ssyncadd.s32 $0xFFFFFFFF  }
0xa5: {  	s26 =	simm.s32 $execute0_lowered;
	[smem:$0x3FD2] =	sst s25  }
0xa6: {  	s4 =	sshll.u32 s26, $0x1;
	_ =	strace $0x80000049;
	[dreg:$0x1] =	wrdreg $0xFFFFFFFF  }
0xa7: {  	s28 =	simm.s32 $_size_execute0_lowered;
	s2 =	sadd.s32 s2, s4;
	[dreg:$0x0] =	wrdreg $0x0  }
0xa8: {  	s4 =	sshll.u32 s28, $0x1;
	[dreg:$0x2] =	wrdreg s2  }
0xa9: {  	[dreg:$0x3] =	wrdreg s4  }
0xaa: {  	[dreg:$0x4] =	wrdreg $0xC0  }
0xab: {  	_ =	task [dreg:s6], $0x5FFFF  }
0xac: {  	[dreg:$0x1] =	wrdreg $0xFFFFFFFF  }
0xad: {  	[dreg:$0x0] =	wrdreg $0x60  }
0xae: {  	[dreg:$0x2] =	wrdreg s24  }
0xaf: {  	[dreg:$0x3] =	wrdreg $0x0  }
0xb0: {  	[dreg:$0x4] =	wrdreg $0x9  }
0xb1: {  	_ =	task.clear_ibuf [dreg:s6], $0x5FFFF;
	_ =	strace $0x90000049  }
0xb2: {  	s29 =	simm.s32 $0x9;
	_ =	strace $0x8000004B  }
0xb3: {  	_ =	swait.ge [sflag:s29], $0x1  }
0xb4: {  	[sflag:s29] =	ssyncadd.s32 $0xFFFFFFFF  }
0xb5: {  	_ =	strace $0x9000004B  }
0xb6: {  	_ =	sfence  }
0xb7: {  	s30 =	sld [smem:$0x0];
	_ =	sdelay $0x2  }
0xb8: {  	s31 =	sshll.u32 s1, $0xD;
	s1 =	sshrl.u32 s1, $0x2  }
0xb9: {  	s3 =	sand.u32 $0x4000, s31;
	s1 =	sadd.s32 s1, s30  }
0xba: {  	s0 =	sor.u32 s3, s0;
	s1 =	sshll.u32 s1, $0x11  }
0xbb: {  	s0 =	sor.u32 s1, s0  }
0xbc: {  	s0 =	sadd.s32 $0x8F2B, s0  }
0xbd: {  	[sflag:s0] =	ssyncadd.remote.s32 $0x1  }
0xbe: {  	_ =	sfence.sel $0xFFFF  }
0xbf: {  	[dreg:$0x0] =	wrdreg $0xFFFFFFFF;
	(pc) =	sbr.abs _section_cstart, $3  }
0xc0: {  	[dreg:$0x1] =	wrdreg $0xFFFFFFFF  }
0xc1: {  	_ =	task.clear_ibuf [dreg:s6], $0x2FFFF;
	_ =	strace $0x9FFFFFFF  }
0xc2: {  	(tm) =	ssettm $0x7FFFFFFF  }
0xc3: {  	_ =	shalt  }
tec
execute0_lowered:
.L_overlay_start_1:
0x0: {  	(tag) =	ssettag $0x1  }
0x1: {  	s8 =	rddreg [dreg:$0x0]  }
0x2: {  	s1 =	rddreg [dreg:$0x1]  }
0x3: {  	s2 =	srdreg.scid;
	s0 =	rddreg [dreg:$0x2]  }
0x4: {  	s3 =	simm.s32 $0x0;
	s15 =	simm.s32 $0x15400;
	s16 =	simm.s32 $0x80  }
0x5: {  	s17 =	simm.s32 $0x16800;
	s18 =	simm.s32 $0x1A800;
	s19 =	simm.s32 $0x1  }
0x6: {  	s20 =	simm.s32 $0x2;
	s22 =	simm.s32 $0x16700;
	s23 =	simm.s32 $0x16780  }
0x7: {  	s21 =	sand.u32 $0x1, s2;
	s2 =	stileid.u32;
	[smem:$0x7FF] =	sst s3  }
0x8: {  	s4 =	sadd.s32 $0x19000, s8;
	s5 =	sadd.s32 $0x2800, s8;
	s9 =	smul.u32 $0x140000, s21  }
0x9: {  	s6 =	sadd.s32 $0xC800, s8;
	s7 =	sadd.s32 $0x16800, s8;
	s10 =	smul.u32 $0x14000, s2  }
0xa: {  	_ =	strace $0x8000004A;
	s28 =	ssub.s32 $0x2, s21;
	s11 =	smul.u32 $0x28, s2  }
0xb: {  	s30 =	smul.u32 $0x50000, s2;
	p0 =	seq.s32 s21, $0x0;
	s9 =	sadd.s32 s10, s9  }
0xc: {  	s31 =	sshll.u32 s2, $0x6;
	s29 =	sshrl.u32 s28, $0x1;
	s9 =	sshrl.u32 s9, $0x3  }
0xd: {  	s13 =	ssub.s32 s28, s29;
	s10 =	smul.u32 $0x78, s2;
	s12 =	sadd.s32 s9, s8  }
0xe: {  	s8 =	sadd.s32 $0x780, s11;
	s9 =	sshrl.u32 s30, $0x2;
	s11 =	smax.u32 s13, $0x1  }
0xf: {  	s13 =	simm.s32 $0x3;
	s8 =	smov.u32 @p0 s10;
	s14 =	sadd.s32 s9, s1  }
0x10: {  	s9 =	sor.u32 $0x1C03, s31;
	s10 =	sadd.s32 $0x41000, s12;
	p0 =	sne.s32 s21, $0x0  }
0x11: {  	s21 =	simm.s32 $0x15380;
	s12 =	sshrl.u32 s14, $0x3;
	s14 =	simm.s32 $0x14000  }
.LBB2_1:
0x12: {  	[spmem:s12], [sflag:s9] =	dma.local [hbm:s7], $0x2800  }
0x13: {  	_ =	swait.ge [sflag:s13], $0x2800  }
0x14: {  	[sflag:s13] =	ssyncset.done $0x0  }
0x15: {  	[sflag:s13] =	ssyncadd.s32 $0xFFFFD800  }
0x16: {  	s24 =	simm.s32 $0x0;
	[bflag:$0x0] =	sbarrier.arrive $0xFFFF  }
.LBB2_2:
0x17: {  	s25 =	smul.u32 $0x28, s24;
	_ =	sdelay $0x1  }
0x18: {  	s25 =	sadd.s32 s8, s25  }
0x19: {  	s25 =	sshll.u32 s25, $0x4  }
0x1a: {  	s28 =	simm.s32 $0x0;
	s26 =	sadd.s32 s5, s25  }
0x1b: {  	[tilespmem:s14], [sflag:$0x3] =	stream.linear.gather [hbm4b:s26+s28], $0x1400, $0x38;
	[tilespmem:$0x1E800] =	vst v63  }
0x1c: {  	_ =	swait.ge [sflag:s13], $0x1400  }
0x1d: {  	[sflag:s13] =	ssyncset.done $0x0  }
0x1e: {  	s25 =	sadd.s32 s6, s25;
	[sflag:s13] =	ssyncadd.s32 $0xFFFFEC00  }
0x1f: {  	[tilespmem:s15], [sflag:$0x3] =	stream.linear.gather [hbm4b:s25+s28], $0x1400, $0x38;
	[tilespmem:$0x1E800] =	vst v63  }
0x20: {  	_ =	swait.ge [sflag:s13], $0x1400  }
0x21: {  	[sflag:s13] =	ssyncset.done $0x0  }
0x22: {  	[sflag:s13] =	ssyncadd.s32 $0xFFFFEC00  }
0x23: {  	[tilespmem:s17], [sflag:$0x1] =	stream.indirect.gather [hbm4b:s4+s16], $0x80, s14, s16, $0xb8;
	[tilespmem:$0x1E800] =	vst v63  }
0x24: {  	s28 =	simm.s32 $0x14080  }
0x25: {  	[tilespmem:s18], [sflag:$0x2] =	stream.indirect.gather [hbm4b:s4+s16], $0x80, s28, s16, $0xb8;
	[tilespmem:$0x1E800] =	vst v63  }
0x26: {  	_ =	swait.ge [sflag:s19], $0x4000  }
0x27: {  	[sflag:s19] =	ssyncset.done $0x0  }
0x28: {  	s29 =	simm.s32 $0x15400;
	[sflag:s19] =	ssyncadd.s32 $0xFFFFC000  }
0x29: {  	[spmem:s1] =	stream.indirect.scatter.add.f32 [tilespmem:s17], [sflag:$0x3], $0x80, s29, s16, $0xb8;
	[tilespmem:$0x1E800] =	vst v63  }
0x2a: {  	_ =	swait.ge [sflag:s13], $0x4000  }
0x2b: {  	[sflag:s13] =	ssyncset.done $0x0  }
0x2c: {  	s30 =	simm.s32 $0x14100;
	[sflag:s13] =	ssyncadd.s32 $0xFFFFC000  }
0x2d: {  	[tilespmem:s17], [sflag:$0x1] =	stream.indirect.gather [hbm4b:s4+s16], $0x80, s30, s16, $0xb8;
	[tilespmem:$0x1E800] =	vst v63  }
0x2e: {  	_ =	swait.ge [sflag:s20], $0x4000  }
0x2f: {  	[sflag:s20] =	ssyncset.done $0x0  }
0x30: {  	s31 =	simm.s32 $0x15480;
	[sflag:s20] =	ssyncadd.s32 $0xFFFFC000  }
0x31: {  	[spmem:s1] =	stream.indirect.scatter.add.f32 [tilespmem:s18], [sflag:$0x3], $0x80, s31, s16, $0xb8;
	[tilespmem:$0x1E800] =	vst v63  }
0x32: {  	_ =	swait.ge [sflag:s13], $0x4000  }
0x33: {  	s26 =	simm.s32 $0x800;
	s25 =	simm.s32 $0x100;
	[sflag:s13] =	ssyncset.done $0x0  }
.LBB2_3:
0x34: {  	s28 =	sadd.s32 $0x14080, s25  }
0x35: {  	[sflag:s13] =	ssyncadd.s32 $0xFFFFC000;
	s29 =	smov.u32 s26;
	s30 =	sadd.s32 $0x400, s26  }
0x36: {  	[tilespmem:s18], [sflag:$0x2] =	stream.indirect.gather [hbm4b:s4+s16], $0x80, s28, s16, $0xb8;
	[tilespmem:$0x1E800] =	vst v63  }
0x37: {  	p1 =	sne.s32 s26, $0x4800;
	_ =	swait.ge [sflag:s19], $0x4000  }
0x38: {  	[sflag:s19] =	ssyncset.done $0x0  }
0x39: {  	s26 =	sadd.s32 $0x15400, s25;
	[sflag:s19] =	ssyncadd.s32 $0xFFFFC000  }
0x3a: {  	[spmem:s1] =	stream.indirect.scatter.add.f32 [tilespmem:s17], [sflag:$0x3], $0x80, s26, s16, $0xb8;
	[tilespmem:$0x1E800] =	vst v63  }
0x3b: {  	_ =	swait.ge [sflag:s13], $0x4000  }
0x3c: {  	[sflag:s13] =	ssyncset.done $0x0  }
0x3d: {  	s26 =	sadd.s32 $0x14100, s25;
	[sflag:s13] =	ssyncadd.s32 $0xFFFFC000  }
0x3e: {  	[tilespmem:s17], [sflag:$0x1] =	stream.indirect.gather [hbm4b:s4+s16], $0x80, s26, s16, $0xb8;
	[tilespmem:$0x1E800] =	vst v63  }
0x3f: {  	_ =	swait.ge [sflag:s20], $0x4000  }
.Ltmp0:
0x40: {  	[sflag:s20] =	ssyncset.done $0x0;
	(pc) =	sbr.rel @p1 .LBB2_3-.Ltmp0, $4  }
0x41: {  	s25 =	sadd.s32 $0x15480, s25;
	[sflag:s20] =	ssyncadd.s32 $0xFFFFC000  }
0x42: {  	[spmem:s1] =	stream.indirect.scatter.add.f32 [tilespmem:s18], [sflag:$0x3], $0x80, s25, s16, $0xb8;
	[tilespmem:$0x1E800] =	vst v63  }
0x43: {  	_ =	swait.ge [sflag:s13], $0x4000  }
0x44: {  	s26 =	smov.u32 s30;
	s25 =	sshra.s32 s29, $0x2;
	[sflag:s13] =	ssyncset.done $0x0  }
0x45: {  	s26 =	sadd.s32 $0x14080, s25;
	[sflag:s13] =	ssyncadd.s32 $0xFFFFC000  }
0x46: {  	[tilespmem:s18], [sflag:$0x2] =	stream.indirect.gather [hbm4b:s4+s16], $0x80, s26, s16, $0xb8;
	[tilespmem:$0x1E800] =	vst v63  }
0x47: {  	_ =	swait.ge [sflag:s19], $0x4000  }
0x48: {  	[sflag:s19] =	ssyncset.done $0x0  }
0x49: {  	s29 =	sadd.s32 $0x15400, s25;
	[sflag:s19] =	ssyncadd.s32 $0xFFFFC000  }
0x4a: {  	[spmem:s1] =	stream.indirect.scatter.add.f32 [tilespmem:s17], [sflag:$0x3], $0x80, s29, s16, $0xb8;
	[tilespmem:$0x1E800] =	vst v63  }
0x4b: {  	_ =	swait.ge [sflag:s13], $0x4000  }
0x4c: {  	[sflag:s13] =	ssyncset.done $0x0  }
0x4d: {  	s30 =	sadd.s32 $0x14100, s25;
	[sflag:s13] =	ssyncadd.s32 $0xFFFFC000  }
0x4e: {  	[tilespmem:s17], [sflag:$0x1] =	stream.indirect.gather [hbm4b:s4+s16], $0x80, s30, s16, $0xb8;
	[tilespmem:$0x1E800] =	vst v63  }
0x4f: {  	_ =	swait.ge [sflag:s20], $0x4000  }
0x50: {  	[sflag:s20] =	ssyncset.done $0x0  }
0x51: {  	s31 =	sadd.s32 $0x15480, s25;
	[sflag:s20] =	ssyncadd.s32 $0xFFFFC000  }
0x52: {  	[spmem:s1] =	stream.indirect.scatter.add.f32 [tilespmem:s18], [sflag:$0x3], $0x80, s31, s16, $0xb8;
	[tilespmem:$0x1E800] =	vst v63  }
0x53: {  	_ =	swait.ge [sflag:s13], $0x4000  }
0x54: {  	[sflag:s13] =	ssyncset.done $0x0  }
0x55: {  	[sflag:s13] =	ssyncadd.s32 $0xFFFFC000  }
0x56: {  	[tilespmem:s18], [sflag:$0x2] =	stream.indirect.gather [hbm4b:s4+s16], $0x80, s21, s16, $0xb8;
	[tilespmem:$0x1E800] =	vst v63  }
0x57: {  	_ =	swait.ge [sflag:s19], $0x4000  }
0x58: {  	[sflag:s19] =	ssyncset.done $0x0  }
0x59: {  	[sflag:s19] =	ssyncadd.s32 $0xFFFFC000  }
0x5a: {  	[spmem:s1] =	stream.indirect.scatter.add.f32 [tilespmem:s17], [sflag:$0x3], $0x80, s22, s16, $0xb8;
	[tilespmem:$0x1E800] =	vst v63  }
0x5b: {  	_ =	swait.ge [sflag:s13], $0x4000  }
0x5c: {  	[sflag:s13] =	ssyncset.done $0x0  }
0x5d: {  	[sflag:s13] =	ssyncadd.s32 $0xFFFFC000  }
0x5e: {  	p1 =	slt.u32 @!p0 s24, $0x2;
	_ =	swait.ge [sflag:s20], $0x4000  }
0x5f: {  	p1 =	por p0, !p1;
	[sflag:s20] =	ssyncset.done $0x0  }
.Ltmp1:
0x60: {  	[sflag:s20] =	ssyncadd.s32 $0xFFFFC000;
	(pc) =	sbr.rel @!p1 .LBB2_2-.Ltmp1, $4  }
0x61: {  	[spmem:s1] =	stream.indirect.scatter.add.f32 [tilespmem:s18], [sflag:$0x3], $0x80, s23, s16, $0xb8;
	[tilespmem:$0x1E800] =	vst v63  }
0x62: {  	_ =	swait.ge [sflag:s13], $0x4000  }
0x63: {  	[sflag:s13] =	ssyncset.done $0x0  }
0x64: {  	s24 =	sadd.s32 $0x1, s24;
	[sflag:s13] =	ssyncadd.s32 $0xFFFFC000  }
0x65: {  	s3 =	sadd.s32 $0x1, s3  }
0x66: {  	p1 =	sne.s32 s3, s11  }
.Ltmp2:
0x67: {  	[bflag:$0x0] =	sbarrier.arrive $0xFFFF;
	(pc) =	sbr.rel @p1 .LBB2_1-.Ltmp2, $4  }
0x68: {  	[hbm:s10], [sflag:s9] =	dma.local [spmem:s12], $0x2800  }
0x69: {  	_ =	swait.ge [sflag:s13], $0x2800  }
0x6a: {  	[sflag:s13] =	ssyncset.done $0x0  }
0x6b: {  	[sflag:s13] =	ssyncadd.s32 $0xFFFFD800  }
0x6c: {  	_ =	sfence.sel $0x180000  }
0x6d: {  	[bflag:$0x0] =	sbarrier.arrive $0xFFFF  }
0x6e: {  	p0 =	sne.s32 s2, $0x0;
	_ =	strace $0x9000004A  }
0x6f: {  	s0 =	sadd.s32 @!p0 $0x100000, s0;
	[bflag:$0x2] =	sbarrier.arrive $0xFFFF  }
0x70: {  	[sflag:s0] =	ssyncadd.tile.s32 @!p0 $0x1;
	_ =	shalt  }
.Lfunc_end2:
_tile_overlayer_lowered:
.L_overlay_start_2:
0x71: {  	(tag) =	ssettag $0x2  }
0x72: {  	s0 =	rddreg [dreg:$0x0];
	s2 =	stileid.u32  }
0x73: {  	s1 =	rddreg [dreg:$0x1];
	p0 =	sne.s32 s2, $0x0  }
0x74: {  	s3 =	rddreg [dreg:$0x2];
	[bflag:$0x3] =	sbarrier.arrive $0xFFFF;
	s2 =	simm.s32 @!p0 $0x1C03  }
0x75: {  	[timem:s3], [sflag:s2] =	dma.local @!p0 [hbm:s0], s1  }
0x76: {  	s0 =	simm.s32 @!p0 $0x3  }
0x77: {  	_ =	swait.ge @!p0 [sflag:s0], s1  }
0x78: {  	s1 =	ssub.s32 @!p0 $0x0, s1;
	[sflag:s0] =	ssyncset.done @!p0 $0x0  }
0x79: {  	[sflag:s0] =	ssyncadd.s32 @!p0 s1  }
0x7a: {  	[bflag:$0x3] =	sbarrier.arrive $0xFFFF  }
0x7b: {  	_ =	shalt  }

// kernel: kernel.16.cloned.1.call-start
scs
__scs_entry_jumppad:
0x0: {  	(pc) =	sbr.rel $0x88, $3  }
0x1: {  	(tag) =	ssettag $0x0;
	lr =	simm.s32 $0x1  }
0x2: {  	[smem:$0x3F9B] =	sst lr;
	_ =	strace $0xD0000000  }
0x3: {  	_ = 	snop  }
0x4: {  	_ = 	snop  }
0x5: {  	_ = 	snop  }
0x6: {  	_ = 	snop  }
0x7: {  	_ = 	snop  }
__scs_overlays_trampoline_lowered:
0x8: {  	[smem:$0x3FAA] =	sst s0  }
0x9: {  	[smem:$0x3FAB] =	sst s1  }
0xa: {  	[smem:$0x3FAC] =	sst s2  }
0xb: {  	[smem:$0x3FAD] =	sst s3  }
0xc: {  	[smem:$0x3FAE] =	sst s4  }
0xd: {  	[smem:$0x3FAF] =	sst s5  }
0xe: {  	[smem:$0x3FB0] =	sst s6  }
0xf: {  	[smem:$0x3FB1] =	sst s7  }
0x10: {  	[smem:$0x3FB2] =	sst s8  }
0x11: {  	[smem:$0x3FB3] =	sst s9;
	s0 =	simm.s32 @!p0 $0x0  }
0x12: {  	s1 =	sld [smem:$0x3F99];
	s0 =	simm.s32 @p0 $0x1  }
0x13: {  	[smem:$0x3FB4] =	sst s0;
	s0 =	simm.s32 @!p1 $0x0  }
0x14: {  	s2 =	sld [smem:$0x3F98];
	s0 =	simm.s32 @p1 $0x1  }
0x15: {  	[smem:$0x3FB5] =	sst s0;
	s0 =	simm.s32 @!p2 $0x0  }
0x16: {  	s3 =	sld [smem:$0x3FDB];
	s0 =	simm.s32 @p2 $0x1  }
0x17: {  	s4 =	simm.s32 $0x1BF5;
	[smem:$0x3FB7] =	sst s0  }
0x18: {  	s0 =	sld [smem:$0x3F9A];
	_ =	swait.ge [sflag:s4], $0x0  }
0x19: {  	s7 =	sld [smem:$0x3F9B]  }
0x1a: {  	s8 =	sadd.s32 $0xFFFFE003, lr  }
0x1b: {  	s9 =	sadd.s32 $0xFFFFFEF7, lr;
	s5 =	simm.s32 $0xFFFFFFFF;
	p2 =	slt.u32 s8, $0xFFFFF086  }
0x1c: {  	p1 =	slt.u32 s9, $0xF7A;
	s5 =	simm.s32 @!p2 $0x0  }
0x1d: {  	s5 =	simm.s32 @p1 $0x1;
	p0 =	seq.s32 s7, s2  }
0x1e: {  	s7 =	smul.u32 @!p0 $0xF7A, s2;
	p2 =	seq.s32 @!p0 s5, $0x0  }
0x1f: {  	s9 =	smul.u32 $0xF7A, s1;
	s8 =	simm.s32 @!p0 $0x1BF5;
	p2 =	por !p2, p0  }
0x20: {  	[sflag:s8] =	ssyncset.s32 @!p0 $0xFFFFF086;
	s6 =	sadd.s32 @!p0 s3, s7;
	s7 =	simm.s32 @!p0 $0x108  }
0x21: {  	s3 =	sadd.s32 s3, s9;
	s6 =	sadd.s32 @!p0 $0x88, s6;
	s7 =	simm.s32 @p2 $0x1082  }
0x22: {  	[simem:s7], [sflag:s8] =	dma.local @!p0 [hbm:s6], $0xF7A  }
0x23: {  	s9 =	sor.u32 $0xD0000000, s2;
	s6 =	simm.s32 $0x108;
	_ =	swait.ge @!p0 [sflag:s8], $0x0  }
0x24: {  	s3 =	sadd.s32 $0x88, s3;
	s6 =	simm.s32 @!p1 $0x1082;
	[sflag:s4] =	ssyncset.s32 $0xFFFFF086  }
0x25: {  	[simem:s6], [sflag:s4] =	dma.local [hbm:s3], $0xF7A  }
0x26: {  	[smem:$0x3F9B] =	sst s1;
	(tag) =	ssettag s2;
	_ =	strace s9  }
0x27: {  	s1 =	sld [smem:$0x3FAB]  }
0x28: {  	s2 =	sld [smem:$0x3FAC]  }
0x29: {  	s4 =	sld [smem:$0x3FAE]  }
0x2a: {  	p0 =	seq.s32 s5, $0x0;
	s5 =	sld [smem:$0x3FAF]  }
0x2b: {  	s6 =	sld [smem:$0x3FB0]  }
0x2c: {  	s7 =	sld [smem:$0x3FB1]  }
0x2d: {  	s3 =	simm.s32 $0x108;
	s8 =	sld [smem:$0x3FB2]  }
0x2e: {  	s3 =	simm.s32 @!p0 $0x1082;
	s9 =	sld [smem:$0x3FB3]  }
0x2f: {  	lr =	sadd.s32 s0, s3;
	s0 =	sld [smem:$0x3FAA]  }
0x30: {  	s3 =	sld [smem:$0x3FAD]  }
0x31: {  	[smem:$0x3FB6] =	sst s10  }
0x32: {  	s10 =	sld [smem:$0x3FB4];
	_ =	sdelay $0x3  }
0x33: {  	p0 =	seq.s32 s10, $0x1;
	s10 =	sld [smem:$0x3FB6];
	_ =	sdelay $0x3  }
0x34: {  	[smem:$0x3FB6] =	sst s10  }
0x35: {  	s10 =	sld [smem:$0x3FB5];
	_ =	sdelay $0x3  }
0x36: {  	p1 =	seq.s32 s10, $0x1;
	s10 =	sld [smem:$0x3FB6];
	_ =	sdelay $0x3  }
0x37: {  	[smem:$0x3FB6] =	sst s10  }
0x38: {  	s10 =	sld [smem:$0x3FB7]  }
0x39: {  	_ = 	snop;
	(pc) =	sbr.ind lr, $3  }
0x3a: {  	_ = 	snop  }
0x3b: {  	_ = 	snop  }
0x3c: {  	p2 =	seq.s32 s10, $0x1;
	s10 =	sld [smem:$0x3FB6]  }
0x3d: {  	_ =	shalt  }
0x3e: {  	_ =	shalt  }
0x3f: {  	_ =	shalt  }
0x40: {  	_ =	shalt  }
0x41: {  	_ =	shalt  }
0x42: {  	_ =	shalt  }
0x43: {  	_ =	shalt  }
0x44: {  	_ =	shalt  }
0x45: {  	_ =	shalt  }
0x46: {  	_ =	shalt  }
0x47: {  	_ =	shalt  }
0x48: {  	_ =	shalt  }
0x49: {  	_ =	shalt  }
0x4a: {  	_ =	shalt  }
0x4b: {  	_ =	shalt  }
0x4c: {  	_ =	shalt  }
0x4d: {  	_ =	shalt  }
0x4e: {  	_ =	shalt  }
0x4f: {  	_ =	shalt  }
0x50: {  	_ =	shalt  }
0x51: {  	_ =	shalt  }
0x52: {  	_ =	shalt  }
0x53: {  	_ =	shalt  }
0x54: {  	_ =	shalt  }
0x55: {  	_ =	shalt  }
0x56: {  	_ =	shalt  }
0x57: {  	_ =	shalt  }
0x58: {  	_ =	shalt  }
0x59: {  	_ =	shalt  }
0x5a: {  	_ =	shalt  }
0x5b: {  	_ =	shalt  }
0x5c: {  	_ =	shalt  }
0x5d: {  	_ =	shalt  }
0x5e: {  	_ =	shalt  }
0x5f: {  	_ =	shalt  }
0x60: {  	_ =	shalt  }
0x61: {  	_ =	shalt  }
0x62: {  	_ =	shalt  }
0x63: {  	_ =	shalt  }
0x64: {  	_ =	shalt  }
0x65: {  	_ =	shalt  }
0x66: {  	_ =	shalt  }
0x67: {  	_ =	shalt  }
0x68: {  	_ =	shalt  }
0x69: {  	_ =	shalt  }
0x6a: {  	_ =	shalt  }
0x6b: {  	_ =	shalt  }
0x6c: {  	_ =	shalt  }
0x6d: {  	_ =	shalt  }
0x6e: {  	_ =	shalt  }
0x6f: {  	_ =	shalt  }
0x70: {  	_ =	shalt  }
0x71: {  	_ =	shalt  }
0x72: {  	_ =	shalt  }
0x73: {  	_ =	shalt  }
0x74: {  	_ =	shalt  }
0x75: {  	_ =	shalt  }
0x76: {  	_ =	shalt  }
0x77: {  	_ =	shalt  }
0x78: {  	_ =	shalt  }
0x79: {  	_ =	shalt  }
0x7a: {  	_ =	shalt  }
0x7b: {  	_ =	shalt  }
0x7c: {  	_ =	shalt  }
0x7d: {  	_ =	shalt  }
0x7e: {  	_ =	shalt  }
0x7f: {  	_ =	shalt  }
0x80: {  	_ =	shalt  }
0x81: {  	_ =	shalt  }
0x82: {  	_ =	shalt  }
0x83: {  	_ =	shalt  }
0x84: {  	_ =	shalt  }
0x85: {  	_ =	shalt  }
0x86: {  	_ =	shalt  }
0x87: {  	_ =	shalt  }
.Lfunc_end0:
.L_simem_size_0:
called_computation.2_lowered:
.L_overlay_start_0:
0x88: {  	s2 =	sld [smem:$0x3FD9]  }
0x89: {  	s3 =	sld [smem:$0x3FFE];
	_ =	sdelay $0x1  }
0x8a: {  	s1 =	srdreg.scid  }
0x8b: {  	s0 =	sand.u32 $0x1, s1  }
0x8c: {  	s16 =	sshll.u32 s0, $0xA;
	s2 =	sadd.s32 s3, s2  }
0x8d: {  	s2 =	sadd.s32 s2, s16  }
0x8e: {  	[smem:$0x3FC2] =	sst s2  }
0x8f: {  	_ = 	snop  }
0x90: {  	(tm) =	ssettm $0x1  }
0x91: {  	s17 =	sld [smem:$0x3FFB];
	_ =	sdelay $0x3  }
0x92: {  	_ =	strace s17  }
0x93: {  	s2 =	sld [smem:$0x3FFC];
	_ =	sdelay $0x3  }
0x94: {  	_ =	strace s2  }
0x95: {  	s2 =	sld [smem:$0x3FFD];
	_ =	sdelay $0x3  }
0x96: {  	_ =	strace s2  }
0x97: {  	_ =	strace $0x8FFFFFFF  }
0x98: {  	s18 =	sld [smem:$0x3FDB];
	_ =	sdelay $0x1  }
0x99: {  	s19 =	simm.s32 $_scs_section_size  }
0x9a: {  	s4 =	simm.s32 $_size__tile_overlayer_lowered;
	s5 =	simm.s32 $_tile_overlayer_lowered  }
0x9b: {  	s22 =	simm.s32 $0x1BFF;
	s21 =	sshll.u32 s5, $0x1;
	s2 =	sadd.s32 s19, s18  }
0x9c: {  	s6 =	simm.s32 $0x0;
	s20 =	sshll.u32 s4, $0x1;
	s4 =	sadd.s32 s21, s2  }
0x9d: {  	[timem:s6], [sflag:s22] =	dma.local [hbm:s4], s20  }
0x9e: {  	_ =	swait.ge [sflag:s22], s20  }
0x9f: {  	s3 =	ssub.s32 $0x0, s20;
	[sflag:s22] =	ssyncset.done $0x0  }
0xa0: {  	[sflag:s22] =	ssyncadd.s32 s3;
	_ =	sdelay $0x1  }
0xa1: {  	s23 =	simm.s32 $0x1B8B  }
0xa2: {  	_ =	swait.ge [sflag:s23], $0x1  }
0xa3: {  	[sflag:s23] =	ssyncset.done $0x0  }
0xa4: {  	s25 =	simm.s32 $0x1B8E;
	s24 =	sld [smem:$0x3FFE];
	[sflag:s23] =	ssyncadd.s32 $0xFFFFFFFF  }
0xa5: {  	s26 =	simm.s32 $execute0_lowered;
	[smem:$0x3FD2] =	sst s25  }
0xa6: {  	s4 =	sshll.u32 s26, $0x1;
	_ =	strace $0x8000004C;
	[dreg:$0x1] =	wrdreg $0xFFFFFFFF  }
0xa7: {  	s28 =	simm.s32 $_size_execute0_lowered;
	s2 =	sadd.s32 s2, s4;
	[dreg:$0x0] =	wrdreg $0x0  }
0xa8: {  	s4 =	sshll.u32 s28, $0x1;
	[dreg:$0x2] =	wrdreg s2  }
0xa9: {  	[dreg:$0x3] =	wrdreg s4  }
0xaa: {  	[dreg:$0x4] =	wrdreg $0xC0  }
0xab: {  	_ =	task [dreg:s6], $0x5FFFF  }
0xac: {  	[dreg:$0x1] =	wrdreg $0xFFFFFFFF  }
0xad: {  	[dreg:$0x0] =	wrdreg $0x60  }
0xae: {  	[dreg:$0x2] =	wrdreg s24  }
0xaf: {  	[dreg:$0x3] =	wrdreg $0x0  }
0xb0: {  	[dreg:$0x4] =	wrdreg $0x9  }
0xb1: {  	_ =	task.clear_ibuf [dreg:s6], $0x5FFFF;
	_ =	strace $0x9000004C  }
0xb2: {  	s29 =	simm.s32 $0x9;
	_ =	strace $0x8000004E  }
0xb3: {  	_ =	swait.ge [sflag:s29], $0x1  }
0xb4: {  	[sflag:s29] =	ssyncadd.s32 $0xFFFFFFFF  }
0xb5: {  	_ =	strace $0x9000004E  }
0xb6: {  	_ =	sfence  }
0xb7: {  	s30 =	sld [smem:$0x0];
	_ =	sdelay $0x2  }
0xb8: {  	s31 =	sshll.u32 s1, $0xD;
	s1 =	sshrl.u32 s1, $0x2  }
0xb9: {  	s3 =	sand.u32 $0x4000, s31;
	s1 =	sadd.s32 s1, s30  }
0xba: {  	s0 =	sor.u32 s3, s0;
	s1 =	sshll.u32 s1, $0x11  }
0xbb: {  	s0 =	sor.u32 s1, s0  }
0xbc: {  	s0 =	sadd.s32 $0x8F2B, s0  }
0xbd: {  	[sflag:s0] =	ssyncadd.remote.s32 $0x1  }
0xbe: {  	_ =	sfence.sel $0xFFFF  }
0xbf: {  	[dreg:$0x0] =	wrdreg $0xFFFFFFFF;
	(pc) =	sbr.abs _section_cstart, $3  }
0xc0: {  	[dreg:$0x1] =	wrdreg $0xFFFFFFFF  }
0xc1: {  	_ =	task.clear_ibuf [dreg:s6], $0x2FFFF;
	_ =	strace $0x9FFFFFFF  }
0xc2: {  	(tm) =	ssettm $0x7FFFFFFF  }
0xc3: {  	_ =	shalt  }
tec
execute0_lowered:
.L_overlay_start_1:
0x0: {  	(tag) =	ssettag $0x1  }
0x1: {  	s8 =	rddreg [dreg:$0x0]  }
0x2: {  	s1 =	rddreg [dreg:$0x1]  }
0x3: {  	s2 =	srdreg.scid;
	s0 =	rddreg [dreg:$0x2]  }
0x4: {  	s3 =	simm.s32 $0x0;
	s15 =	simm.s32 $0x15400;
	s16 =	simm.s32 $0x80  }
0x5: {  	s17 =	simm.s32 $0x16800;
	s18 =	simm.s32 $0x1A800;
	s19 =	simm.s32 $0x1  }
0x6: {  	s20 =	simm.s32 $0x2;
	s22 =	simm.s32 $0x16700;
	s23 =	simm.s32 $0x16780  }
0x7: {  	s21 =	sand.u32 $0x1, s2;
	s2 =	stileid.u32;
	[smem:$0x7FF] =	sst s3  }
0x8: {  	s4 =	sadd.s32 $0x19000, s8;
	s5 =	sadd.s32 $0x2800, s8;
	s9 =	smul.u32 $0x140000, s21  }
0x9: {  	s6 =	sadd.s32 $0xC800, s8;
	s7 =	sadd.s32 $0x16800, s8;
	s10 =	smul.u32 $0x14000, s2  }
0xa: {  	_ =	strace $0x8000004D;
	s28 =	ssub.s32 $0x2, s21;
	s11 =	smul.u32 $0x28, s2  }
0xb: {  	s30 =	smul.u32 $0x50000, s2;
	p0 =	seq.s32 s21, $0x0;
	s9 =	sadd.s32 s10, s9  }
0xc: {  	s31 =	sshll.u32 s2, $0x6;
	s29 =	sshrl.u32 s28, $0x1;
	s9 =	sshrl.u32 s9, $0x3  }
0xd: {  	s13 =	ssub.s32 s28, s29;
	s10 =	smul.u32 $0x78, s2;
	s12 =	sadd.s32 s9, s8  }
0xe: {  	s8 =	sadd.s32 $0x780, s11;
	s9 =	sshrl.u32 s30, $0x2;
	s11 =	smax.u32 s13, $0x1  }
0xf: {  	s13 =	simm.s32 $0x3;
	s8 =	smov.u32 @p0 s10;
	s14 =	sadd.s32 s9, s1  }
0x10: {  	s9 =	sor.u32 $0x1C03, s31;
	s10 =	sadd.s32 $0x41000, s12;
	p0 =	sne.s32 s21, $0x0  }
0x11: {  	s21 =	simm.s32 $0x15380;
	s12 =	sshrl.u32 s14, $0x3;
	s14 =	simm.s32 $0x14000  }
.LBB2_1:
0x12: {  	[spmem:s12], [sflag:s9] =	dma.local [hbm:s7], $0x2800  }
0x13: {  	_ =	swait.ge [sflag:s13], $0x2800  }
0x14: {  	[sflag:s13] =	ssyncset.done $0x0  }
0x15: {  	[sflag:s13] =	ssyncadd.s32 $0xFFFFD800  }
0x16: {  	s24 =	simm.s32 $0x0;
	[bflag:$0x0] =	sbarrier.arrive $0xFFFF  }
.LBB2_2:
0x17: {  	s25 =	smul.u32 $0x28, s24;
	_ =	sdelay $0x1  }
0x18: {  	s25 =	sadd.s32 s8, s25  }
0x19: {  	s25 =	sshll.u32 s25, $0x4  }
0x1a: {  	s28 =	simm.s32 $0x0;
	s26 =	sadd.s32 s5, s25  }
0x1b: {  	[tilespmem:s14], [sflag:$0x3] =	stream.linear.gather [hbm4b:s26+s28], $0x1400, $0x38;
	[tilespmem:$0x1E800] =	vst v63  }
0x1c: {  	_ =	swait.ge [sflag:s13], $0x1400  }
0x1d: {  	[sflag:s13] =	ssyncset.done $0x0  }
0x1e: {  	s25 =	sadd.s32 s6, s25;
	[sflag:s13] =	ssyncadd.s32 $0xFFFFEC00  }
0x1f: {  	[tilespmem:s15], [sflag:$0x3] =	stream.linear.gather [hbm4b:s25+s28], $0x1400, $0x38;
	[tilespmem:$0x1E800] =	vst v63  }
0x20: {  	_ =	swait.ge [sflag:s13], $0x1400  }
0x21: {  	[sflag:s13] =	ssyncset.done $0x0  }
0x22: {  	[sflag:s13] =	ssyncadd.s32 $0xFFFFEC00  }
0x23: {  	[tilespmem:s17], [sflag:$0x1] =	stream.indirect.gather [hbm4b:s4+s16], $0x80, s14, s16, $0xb8;
	[tilespmem:$0x1E800] =	vst v63  }
0x24: {  	s28 =	simm.s32 $0x14080  }
0x25: {  	[tilespmem:s18], [sflag:$0x2] =	stream.indirect.gather [hbm4b:s4+s16], $0x80, s28, s16, $0xb8;
	[tilespmem:$0x1E800] =	vst v63  }
0x26: {  	_ =	swait.ge [sflag:s19], $0x4000  }
0x27: {  	[sflag:s19] =	ssyncset.done $0x0  }
0x28: {  	s29 =	simm.s32 $0x15400;
	[sflag:s19] =	ssyncadd.s32 $0xFFFFC000  }
0x29: {  	[spmem:s1] =	stream.indirect.scatter.add.f32 [tilespmem:s17], [sflag:$0x3], $0x80, s29, s16, $0xb8;
	[tilespmem:$0x1E800] =	vst v63  }
0x2a: {  	_ =	swait.ge [sflag:s13], $0x4000  }
0x2b: {  	[sflag:s13] =	ssyncset.done $0x0  }
0x2c: {  	s30 =	simm.s32 $0x14100;
	[sflag:s13] =	ssyncadd.s32 $0xFFFFC000  }
0x2d: {  	[tilespmem:s17], [sflag:$0x1] =	stream.indirect.gather [hbm4b:s4+s16], $0x80, s30, s16, $0xb8;
	[tilespmem:$0x1E800] =	vst v63  }
0x2e: {  	_ =	swait.ge [sflag:s20], $0x4000  }
0x2f: {  	[sflag:s20] =	ssyncset.done $0x0  }
0x30: {  	s31 =	simm.s32 $0x15480;
	[sflag:s20] =	ssyncadd.s32 $0xFFFFC000  }
0x31: {  	[spmem:s1] =	stream.indirect.scatter.add.f32 [tilespmem:s18], [sflag:$0x3], $0x80, s31, s16, $0xb8;
	[tilespmem:$0x1E800] =	vst v63  }
0x32: {  	_ =	swait.ge [sflag:s13], $0x4000  }
0x33: {  	s26 =	simm.s32 $0x800;
	s25 =	simm.s32 $0x100;
	[sflag:s13] =	ssyncset.done $0x0  }
.LBB2_3:
0x34: {  	s28 =	sadd.s32 $0x14080, s25  }
0x35: {  	[sflag:s13] =	ssyncadd.s32 $0xFFFFC000;
	s29 =	smov.u32 s26;
	s30 =	sadd.s32 $0x400, s26  }
0x36: {  	[tilespmem:s18], [sflag:$0x2] =	stream.indirect.gather [hbm4b:s4+s16], $0x80, s28, s16, $0xb8;
	[tilespmem:$0x1E800] =	vst v63  }
0x37: {  	p1 =	sne.s32 s26, $0x4800;
	_ =	swait.ge [sflag:s19], $0x4000  }
0x38: {  	[sflag:s19] =	ssyncset.done $0x0  }
0x39: {  	s26 =	sadd.s32 $0x15400, s25;
	[sflag:s19] =	ssyncadd.s32 $0xFFFFC000  }
0x3a: {  	[spmem:s1] =	stream.indirect.scatter.add.f32 [tilespmem:s17], [sflag:$0x3], $0x80, s26, s16, $0xb8;
	[tilespmem:$0x1E800] =	vst v63  }
0x3b: {  	_ =	swait.ge [sflag:s13], $0x4000  }
0x3c: {  	[sflag:s13] =	ssyncset.done $0x0  }
0x3d: {  	s26 =	sadd.s32 $0x14100, s25;
	[sflag:s13] =	ssyncadd.s32 $0xFFFFC000  }
0x3e: {  	[tilespmem:s17], [sflag:$0x1] =	stream.indirect.gather [hbm4b:s4+s16], $0x80, s26, s16, $0xb8;
	[tilespmem:$0x1E800] =	vst v63  }
0x3f: {  	_ =	swait.ge [sflag:s20], $0x4000  }
.Ltmp0:
0x40: {  	[sflag:s20] =	ssyncset.done $0x0;
	(pc) =	sbr.rel @p1 .LBB2_3-.Ltmp0, $4  }
0x41: {  	s25 =	sadd.s32 $0x15480, s25;
	[sflag:s20] =	ssyncadd.s32 $0xFFFFC000  }
0x42: {  	[spmem:s1] =	stream.indirect.scatter.add.f32 [tilespmem:s18], [sflag:$0x3], $0x80, s25, s16, $0xb8;
	[tilespmem:$0x1E800] =	vst v63  }
0x43: {  	_ =	swait.ge [sflag:s13], $0x4000  }
0x44: {  	s26 =	smov.u32 s30;
	s25 =	sshra.s32 s29, $0x2;
	[sflag:s13] =	ssyncset.done $0x0  }
0x45: {  	s26 =	sadd.s32 $0x14080, s25;
	[sflag:s13] =	ssyncadd.s32 $0xFFFFC000  }
0x46: {  	[tilespmem:s18], [sflag:$0x2] =	stream.indirect.gather [hbm4b:s4+s16], $0x80, s26, s16, $0xb8;
	[tilespmem:$0x1E800] =	vst v63  }
0x47: {  	_ =	swait.ge [sflag:s19], $0x4000  }
0x48: {  	[sflag:s19] =	ssyncset.done $0x0  }
0x49: {  	s29 =	sadd.s32 $0x15400, s25;
	[sflag:s19] =	ssyncadd.s32 $0xFFFFC000  }
0x4a: {  	[spmem:s1] =	stream.indirect.scatter.add.f32 [tilespmem:s17], [sflag:$0x3], $0x80, s29, s16, $0xb8;
	[tilespmem:$0x1E800] =	vst v63  }
0x4b: {  	_ =	swait.ge [sflag:s13], $0x4000  }
0x4c: {  	[sflag:s13] =	ssyncset.done $0x0  }
0x4d: {  	s30 =	sadd.s32 $0x14100, s25;
	[sflag:s13] =	ssyncadd.s32 $0xFFFFC000  }
0x4e: {  	[tilespmem:s17], [sflag:$0x1] =	stream.indirect.gather [hbm4b:s4+s16], $0x80, s30, s16, $0xb8;
	[tilespmem:$0x1E800] =	vst v63  }
0x4f: {  	_ =	swait.ge [sflag:s20], $0x4000  }
0x50: {  	[sflag:s20] =	ssyncset.done $0x0  }
0x51: {  	s31 =	sadd.s32 $0x15480, s25;
	[sflag:s20] =	ssyncadd.s32 $0xFFFFC000  }
0x52: {  	[spmem:s1] =	stream.indirect.scatter.add.f32 [tilespmem:s18], [sflag:$0x3], $0x80, s31, s16, $0xb8;
	[tilespmem:$0x1E800] =	vst v63  }
0x53: {  	_ =	swait.ge [sflag:s13], $0x4000  }
0x54: {  	[sflag:s13] =	ssyncset.done $0x0  }
0x55: {  	[sflag:s13] =	ssyncadd.s32 $0xFFFFC000  }
0x56: {  	[tilespmem:s18], [sflag:$0x2] =	stream.indirect.gather [hbm4b:s4+s16], $0x80, s21, s16, $0xb8;
	[tilespmem:$0x1E800] =	vst v63  }
0x57: {  	_ =	swait.ge [sflag:s19], $0x4000  }
0x58: {  	[sflag:s19] =	ssyncset.done $0x0  }
0x59: {  	[sflag:s19] =	ssyncadd.s32 $0xFFFFC000  }
0x5a: {  	[spmem:s1] =	stream.indirect.scatter.add.f32 [tilespmem:s17], [sflag:$0x3], $0x80, s22, s16, $0xb8;
	[tilespmem:$0x1E800] =	vst v63  }
0x5b: {  	_ =	swait.ge [sflag:s13], $0x4000  }
0x5c: {  	[sflag:s13] =	ssyncset.done $0x0  }
0x5d: {  	[sflag:s13] =	ssyncadd.s32 $0xFFFFC000  }
0x5e: {  	p1 =	slt.u32 @!p0 s24, $0x2;
	_ =	swait.ge [sflag:s20], $0x4000  }
0x5f: {  	p1 =	por p0, !p1;
	[sflag:s20] =	ssyncset.done $0x0  }
.Ltmp1:
0x60: {  	[sflag:s20] =	ssyncadd.s32 $0xFFFFC000;
	(pc) =	sbr.rel @!p1 .LBB2_2-.Ltmp1, $4  }
0x61: {  	[spmem:s1] =	stream.indirect.scatter.add.f32 [tilespmem:s18], [sflag:$0x3], $0x80, s23, s16, $0xb8;
	[tilespmem:$0x1E800] =	vst v63  }
0x62: {  	_ =	swait.ge [sflag:s13], $0x4000  }
0x63: {  	[sflag:s13] =	ssyncset.done $0x0  }
0x64: {  	s24 =	sadd.s32 $0x1, s24;
	[sflag:s13] =	ssyncadd.s32 $0xFFFFC000  }
0x65: {  	s3 =	sadd.s32 $0x1, s3  }
0x66: {  	p1 =	sne.s32 s3, s11  }
.Ltmp2:
0x67: {  	[bflag:$0x0] =	sbarrier.arrive $0xFFFF;
	(pc) =	sbr.rel @p1 .LBB2_1-.Ltmp2, $4  }
0x68: {  	[hbm:s10], [sflag:s9] =	dma.local [spmem:s12], $0x2800  }
0x69: {  	_ =	swait.ge [sflag:s13], $0x2800  }
0x6a: {  	[sflag:s13] =	ssyncset.done $0x0  }
0x6b: {  	[sflag:s13] =	ssyncadd.s32 $0xFFFFD800  }
0x6c: {  	_ =	sfence.sel $0x180000  }
0x6d: {  	[bflag:$0x0] =	sbarrier.arrive $0xFFFF  }
0x6e: {  	p0 =	sne.s32 s2, $0x0;
	_ =	strace $0x9000004D  }
0x6f: {  	s0 =	sadd.s32 @!p0 $0x100000, s0;
	[bflag:$0x2] =	sbarrier.arrive $0xFFFF  }
0x70: {  	[sflag:s0] =	ssyncadd.tile.s32 @!p0 $0x1;
	_ =	shalt  }
.Lfunc_end2:
_tile_overlayer_lowered:
.L_overlay_start_2:
0x71: {  	(tag) =	ssettag $0x2  }
0x72: {  	s0 =	rddreg [dreg:$0x0];
	s2 =	stileid.u32  }
0x73: {  	s1 =	rddreg [dreg:$0x1];
	p0 =	sne.s32 s2, $0x0  }
0x74: {  	s3 =	rddreg [dreg:$0x2];
	[bflag:$0x3] =	sbarrier.arrive $0xFFFF;
	s2 =	simm.s32 @!p0 $0x1C03  }
0x75: {  	[timem:s3], [sflag:s2] =	dma.local @!p0 [hbm:s0], s1  }
0x76: {  	s0 =	simm.s32 @!p0 $0x3  }
0x77: {  	_ =	swait.ge @!p0 [sflag:s0], s1  }
0x78: {  	s1 =	ssub.s32 @!p0 $0x0, s1;
	[sflag:s0] =	ssyncset.done @!p0 $0x0  }
0x79: {  	[sflag:s0] =	ssyncadd.s32 @!p0 s1  }
0x7a: {  	[bflag:$0x3] =	sbarrier.arrive $0xFFFF  }
0x7b: {  	_ =	shalt  }

// kernel: kernel.19.cloned.1.call-start
scs
__scs_entry_jumppad:
0x0: {  	(pc) =	sbr.rel $0x88, $3  }
0x1: {  	(tag) =	ssettag $0x0;
	lr =	simm.s32 $0x1  }
0x2: {  	[smem:$0x3F9B] =	sst lr;
	_ =	strace $0xD0000000  }
0x3: {  	_ = 	snop  }
0x4: {  	_ = 	snop  }
0x5: {  	_ = 	snop  }
0x6: {  	_ = 	snop  }
0x7: {  	_ = 	snop  }
__scs_overlays_trampoline_lowered:
0x8: {  	[smem:$0x3FAA] =	sst s0  }
0x9: {  	[smem:$0x3FAB] =	sst s1  }
0xa: {  	[smem:$0x3FAC] =	sst s2  }
0xb: {  	[smem:$0x3FAD] =	sst s3  }
0xc: {  	[smem:$0x3FAE] =	sst s4  }
0xd: {  	[smem:$0x3FAF] =	sst s5  }
0xe: {  	[smem:$0x3FB0] =	sst s6  }
0xf: {  	[smem:$0x3FB1] =	sst s7  }
0x10: {  	[smem:$0x3FB2] =	sst s8  }
0x11: {  	[smem:$0x3FB3] =	sst s9;
	s0 =	simm.s32 @!p0 $0x0  }
0x12: {  	s1 =	sld [smem:$0x3F99];
	s0 =	simm.s32 @p0 $0x1  }
0x13: {  	[smem:$0x3FB4] =	sst s0;
	s0 =	simm.s32 @!p1 $0x0  }
0x14: {  	s2 =	sld [smem:$0x3F98];
	s0 =	simm.s32 @p1 $0x1  }
0x15: {  	[smem:$0x3FB5] =	sst s0;
	s0 =	simm.s32 @!p2 $0x0  }
0x16: {  	s3 =	sld [smem:$0x3FDB];
	s0 =	simm.s32 @p2 $0x1  }
0x17: {  	s4 =	simm.s32 $0x1BF5;
	[smem:$0x3FB7] =	sst s0  }
0x18: {  	s0 =	sld [smem:$0x3F9A];
	_ =	swait.ge [sflag:s4], $0x0  }
0x19: {  	s7 =	sld [smem:$0x3F9B]  }
0x1a: {  	s8 =	sadd.s32 $0xFFFFE003, lr  }
0x1b: {  	s9 =	sadd.s32 $0xFFFFFEF7, lr;
	s5 =	simm.s32 $0xFFFFFFFF;
	p2 =	slt.u32 s8, $0xFFFFF086  }
0x1c: {  	p1 =	slt.u32 s9, $0xF7A;
	s5 =	simm.s32 @!p2 $0x0  }
0x1d: {  	s5 =	simm.s32 @p1 $0x1;
	p0 =	seq.s32 s7, s2  }
0x1e: {  	s7 =	smul.u32 @!p0 $0xF7A, s2;
	p2 =	seq.s32 @!p0 s5, $0x0  }
0x1f: {  	s9 =	smul.u32 $0xF7A, s1;
	s8 =	simm.s32 @!p0 $0x1BF5;
	p2 =	por !p2, p0  }
0x20: {  	[sflag:s8] =	ssyncset.s32 @!p0 $0xFFFFF086;
	s6 =	sadd.s32 @!p0 s3, s7;
	s7 =	simm.s32 @!p0 $0x108  }
0x21: {  	s3 =	sadd.s32 s3, s9;
	s6 =	sadd.s32 @!p0 $0x88, s6;
	s7 =	simm.s32 @p2 $0x1082  }
0x22: {  	[simem:s7], [sflag:s8] =	dma.local @!p0 [hbm:s6], $0xF7A  }
0x23: {  	s9 =	sor.u32 $0xD0000000, s2;
	s6 =	simm.s32 $0x108;
	_ =	swait.ge @!p0 [sflag:s8], $0x0  }
0x24: {  	s3 =	sadd.s32 $0x88, s3;
	s6 =	simm.s32 @!p1 $0x1082;
	[sflag:s4] =	ssyncset.s32 $0xFFFFF086  }
0x25: {  	[simem:s6], [sflag:s4] =	dma.local [hbm:s3], $0xF7A  }
0x26: {  	[smem:$0x3F9B] =	sst s1;
	(tag) =	ssettag s2;
	_ =	strace s9  }
0x27: {  	s1 =	sld [smem:$0x3FAB]  }
0x28: {  	s2 =	sld [smem:$0x3FAC]  }
0x29: {  	s4 =	sld [smem:$0x3FAE]  }
0x2a: {  	p0 =	seq.s32 s5, $0x0;
	s5 =	sld [smem:$0x3FAF]  }
0x2b: {  	s6 =	sld [smem:$0x3FB0]  }
0x2c: {  	s7 =	sld [smem:$0x3FB1]  }
0x2d: {  	s3 =	simm.s32 $0x108;
	s8 =	sld [smem:$0x3FB2]  }
0x2e: {  	s3 =	simm.s32 @!p0 $0x1082;
	s9 =	sld [smem:$0x3FB3]  }
0x2f: {  	lr =	sadd.s32 s0, s3;
	s0 =	sld [smem:$0x3FAA]  }
0x30: {  	s3 =	sld [smem:$0x3FAD]  }
0x31: {  	[smem:$0x3FB6] =	sst s10  }
0x32: {  	s10 =	sld [smem:$0x3FB4];
	_ =	sdelay $0x3  }
0x33: {  	p0 =	seq.s32 s10, $0x1;
	s10 =	sld [smem:$0x3FB6];
	_ =	sdelay $0x3  }
0x34: {  	[smem:$0x3FB6] =	sst s10  }
0x35: {  	s10 =	sld [smem:$0x3FB5];
	_ =	sdelay $0x3  }
0x36: {  	p1 =	seq.s32 s10, $0x1;
	s10 =	sld [smem:$0x3FB6];
	_ =	sdelay $0x3  }
0x37: {  	[smem:$0x3FB6] =	sst s10  }
0x38: {  	s10 =	sld [smem:$0x3FB7]  }
0x39: {  	_ = 	snop;
	(pc) =	sbr.ind lr, $3  }
0x3a: {  	_ = 	snop  }
0x3b: {  	_ = 	snop  }
0x3c: {  	p2 =	seq.s32 s10, $0x1;
	s10 =	sld [smem:$0x3FB6]  }
0x3d: {  	_ =	shalt  }
0x3e: {  	_ =	shalt  }
0x3f: {  	_ =	shalt  }
0x40: {  	_ =	shalt  }
0x41: {  	_ =	shalt  }
0x42: {  	_ =	shalt  }
0x43: {  	_ =	shalt  }
0x44: {  	_ =	shalt  }
0x45: {  	_ =	shalt  }
0x46: {  	_ =	shalt  }
0x47: {  	_ =	shalt  }
0x48: {  	_ =	shalt  }
0x49: {  	_ =	shalt  }
0x4a: {  	_ =	shalt  }
0x4b: {  	_ =	shalt  }
0x4c: {  	_ =	shalt  }
0x4d: {  	_ =	shalt  }
0x4e: {  	_ =	shalt  }
0x4f: {  	_ =	shalt  }
0x50: {  	_ =	shalt  }
0x51: {  	_ =	shalt  }
0x52: {  	_ =	shalt  }
0x53: {  	_ =	shalt  }
0x54: {  	_ =	shalt  }
0x55: {  	_ =	shalt  }
0x56: {  	_ =	shalt  }
0x57: {  	_ =	shalt  }
0x58: {  	_ =	shalt  }
0x59: {  	_ =	shalt  }
0x5a: {  	_ =	shalt  }
0x5b: {  	_ =	shalt  }
0x5c: {  	_ =	shalt  }
0x5d: {  	_ =	shalt  }
0x5e: {  	_ =	shalt  }
0x5f: {  	_ =	shalt  }
0x60: {  	_ =	shalt  }
0x61: {  	_ =	shalt  }
0x62: {  	_ =	shalt  }
0x63: {  	_ =	shalt  }
0x64: {  	_ =	shalt  }
0x65: {  	_ =	shalt  }
0x66: {  	_ =	shalt  }
0x67: {  	_ =	shalt  }
0x68: {  	_ =	shalt  }
0x69: {  	_ =	shalt  }
0x6a: {  	_ =	shalt  }
0x6b: {  	_ =	shalt  }
0x6c: {  	_ =	shalt  }
0x6d: {  	_ =	shalt  }
0x6e: {  	_ =	shalt  }
0x6f: {  	_ =	shalt  }
0x70: {  	_ =	shalt  }
0x71: {  	_ =	shalt  }
0x72: {  	_ =	shalt  }
0x73: {  	_ =	shalt  }
0x74: {  	_ =	shalt  }
0x75: {  	_ =	shalt  }
0x76: {  	_ =	shalt  }
0x77: {  	_ =	shalt  }
0x78: {  	_ =	shalt  }
0x79: {  	_ =	shalt  }
0x7a: {  	_ =	shalt  }
0x7b: {  	_ =	shalt  }
0x7c: {  	_ =	shalt  }
0x7d: {  	_ =	shalt  }
0x7e: {  	_ =	shalt  }
0x7f: {  	_ =	shalt  }
0x80: {  	_ =	shalt  }
0x81: {  	_ =	shalt  }
0x82: {  	_ =	shalt  }
0x83: {  	_ =	shalt  }
0x84: {  	_ =	shalt  }
0x85: {  	_ =	shalt  }
0x86: {  	_ =	shalt  }
0x87: {  	_ =	shalt  }
.Lfunc_end0:
.L_simem_size_0:
called_computation.3_lowered:
.L_overlay_start_0:
0x88: {  	s2 =	sld [smem:$0x3FD9]  }
0x89: {  	s3 =	sld [smem:$0x3FFE];
	_ =	sdelay $0x1  }
0x8a: {  	s1 =	srdreg.scid  }
0x8b: {  	s0 =	sand.u32 $0x1, s1  }
0x8c: {  	s16 =	sshll.u32 s0, $0xA;
	s2 =	sadd.s32 s3, s2  }
0x8d: {  	s2 =	sadd.s32 s2, s16  }
0x8e: {  	[smem:$0x3FC2] =	sst s2  }
0x8f: {  	_ = 	snop  }
0x90: {  	(tm) =	ssettm $0x1  }
0x91: {  	s17 =	sld [smem:$0x3FFB];
	_ =	sdelay $0x3  }
0x92: {  	_ =	strace s17  }
0x93: {  	s2 =	sld [smem:$0x3FFC];
	_ =	sdelay $0x3  }
0x94: {  	_ =	strace s2  }
0x95: {  	s2 =	sld [smem:$0x3FFD];
	_ =	sdelay $0x3  }
0x96: {  	_ =	strace s2  }
0x97: {  	_ =	strace $0x8FFFFFFF  }
0x98: {  	s18 =	sld [smem:$0x3FDB];
	_ =	sdelay $0x1  }
0x99: {  	s19 =	simm.s32 $_scs_section_size  }
0x9a: {  	s4 =	simm.s32 $_size__tile_overlayer_lowered;
	s5 =	simm.s32 $_tile_overlayer_lowered  }
0x9b: {  	s22 =	simm.s32 $0x1BFF;
	s21 =	sshll.u32 s5, $0x1;
	s2 =	sadd.s32 s19, s18  }
0x9c: {  	s6 =	simm.s32 $0x0;
	s20 =	sshll.u32 s4, $0x1;
	s4 =	sadd.s32 s21, s2  }
0x9d: {  	[timem:s6], [sflag:s22] =	dma.local [hbm:s4], s20  }
0x9e: {  	_ =	swait.ge [sflag:s22], s20  }
0x9f: {  	s3 =	ssub.s32 $0x0, s20;
	[sflag:s22] =	ssyncset.done $0x0  }
0xa0: {  	[sflag:s22] =	ssyncadd.s32 s3;
	_ =	sdelay $0x1  }
0xa1: {  	s23 =	simm.s32 $0x1B8B  }
0xa2: {  	_ =	swait.ge [sflag:s23], $0x1  }
0xa3: {  	[sflag:s23] =	ssyncset.done $0x0  }
0xa4: {  	s25 =	simm.s32 $0x1B8E;
	s24 =	sld [smem:$0x3FFE];
	[sflag:s23] =	ssyncadd.s32 $0xFFFFFFFF  }
0xa5: {  	s26 =	simm.s32 $execute0_lowered;
	[smem:$0x3FD2] =	sst s25  }
0xa6: {  	s4 =	sshll.u32 s26, $0x1;
	_ =	strace $0x8000004F;
	[dreg:$0x1] =	wrdreg $0xFFFFFFFF  }
0xa7: {  	s28 =	simm.s32 $_size_execute0_lowered;
	s2 =	sadd.s32 s2, s4;
	[dreg:$0x0] =	wrdreg $0x0  }
0xa8: {  	s4 =	sshll.u32 s28, $0x1;
	[dreg:$0x2] =	wrdreg s2  }
0xa9: {  	[dreg:$0x3] =	wrdreg s4  }
0xaa: {  	[dreg:$0x4] =	wrdreg $0xC0  }
0xab: {  	_ =	task [dreg:s6], $0x5FFFF  }
0xac: {  	[dreg:$0x1] =	wrdreg $0xFFFFFFFF  }
0xad: {  	[dreg:$0x0] =	wrdreg $0x60  }
0xae: {  	[dreg:$0x2] =	wrdreg s24  }
0xaf: {  	[dreg:$0x3] =	wrdreg $0x0  }
0xb0: {  	[dreg:$0x4] =	wrdreg $0x9  }
0xb1: {  	_ =	task.clear_ibuf [dreg:s6], $0x5FFFF;
	_ =	strace $0x9000004F  }
0xb2: {  	s29 =	simm.s32 $0x9;
	_ =	strace $0x80000051  }
0xb3: {  	_ =	swait.ge [sflag:s29], $0x1  }
0xb4: {  	[sflag:s29] =	ssyncadd.s32 $0xFFFFFFFF  }
0xb5: {  	_ =	strace $0x90000051  }
0xb6: {  	_ =	sfence  }
0xb7: {  	s30 =	sld [smem:$0x0];
	_ =	sdelay $0x2  }
0xb8: {  	s31 =	sshll.u32 s1, $0xD;
	s1 =	sshrl.u32 s1, $0x2  }
0xb9: {  	s3 =	sand.u32 $0x4000, s31;
	s1 =	sadd.s32 s1, s30  }
0xba: {  	s0 =	sor.u32 s3, s0;
	s1 =	sshll.u32 s1, $0x11  }
0xbb: {  	s0 =	sor.u32 s1, s0  }
0xbc: {  	s0 =	sadd.s32 $0x8F2B, s0  }
0xbd: {  	[sflag:s0] =	ssyncadd.remote.s32 $0x1  }
0xbe: {  	_ =	sfence.sel $0xFFFF  }
0xbf: {  	[dreg:$0x0] =	wrdreg $0xFFFFFFFF;
	(pc) =	sbr.abs _section_cstart, $3  }
0xc0: {  	[dreg:$0x1] =	wrdreg $0xFFFFFFFF  }
0xc1: {  	_ =	task.clear_ibuf [dreg:s6], $0x2FFFF;
	_ =	strace $0x9FFFFFFF  }
0xc2: {  	(tm) =	ssettm $0x7FFFFFFF  }
0xc3: {  	_ =	shalt  }
tec
execute0_lowered:
.L_overlay_start_1:
0x0: {  	(tag) =	ssettag $0x1  }
0x1: {  	s8 =	rddreg [dreg:$0x0]  }
0x2: {  	s1 =	rddreg [dreg:$0x1]  }
0x3: {  	s2 =	srdreg.scid;
	s0 =	rddreg [dreg:$0x2]  }
0x4: {  	s3 =	simm.s32 $0x0;
	s15 =	simm.s32 $0x15400;
	s16 =	simm.s32 $0x80  }
0x5: {  	s17 =	simm.s32 $0x16800;
	s18 =	simm.s32 $0x1A800;
	s19 =	simm.s32 $0x1  }
0x6: {  	s20 =	simm.s32 $0x2;
	s22 =	simm.s32 $0x16700;
	s23 =	simm.s32 $0x16780  }
0x7: {  	s21 =	sand.u32 $0x1, s2;
	s2 =	stileid.u32;
	[smem:$0x7FF] =	sst s3  }
0x8: {  	s4 =	sadd.s32 $0x19000, s8;
	s5 =	sadd.s32 $0x2800, s8;
	s9 =	smul.u32 $0x140000, s21  }
0x9: {  	s6 =	sadd.s32 $0xC800, s8;
	s7 =	sadd.s32 $0x16800, s8;
	s10 =	smul.u32 $0x14000, s2  }
0xa: {  	_ =	strace $0x80000050;
	s28 =	ssub.s32 $0x2, s21;
	s11 =	smul.u32 $0x28, s2  }
0xb: {  	s30 =	smul.u32 $0x50000, s2;
	p0 =	seq.s32 s21, $0x0;
	s9 =	sadd.s32 s10, s9  }
0xc: {  	s31 =	sshll.u32 s2, $0x6;
	s29 =	sshrl.u32 s28, $0x1;
	s9 =	sshrl.u32 s9, $0x3  }
0xd: {  	s13 =	ssub.s32 s28, s29;
	s10 =	smul.u32 $0x78, s2;
	s12 =	sadd.s32 s9, s8  }
0xe: {  	s8 =	sadd.s32 $0x780, s11;
	s9 =	sshrl.u32 s30, $0x2;
	s11 =	smax.u32 s13, $0x1  }
0xf: {  	s13 =	simm.s32 $0x3;
	s8 =	smov.u32 @p0 s10;
	s14 =	sadd.s32 s9, s1  }
0x10: {  	s9 =	sor.u32 $0x1C03, s31;
	s10 =	sadd.s32 $0x41000, s12;
	p0 =	sne.s32 s21, $0x0  }
0x11: {  	s21 =	simm.s32 $0x15380;
	s12 =	sshrl.u32 s14, $0x3;
	s14 =	simm.s32 $0x14000  }
.LBB2_1:
0x12: {  	[spmem:s12], [sflag:s9] =	dma.local [hbm:s7], $0x2800  }
0x13: {  	_ =	swait.ge [sflag:s13], $0x2800  }
0x14: {  	[sflag:s13] =	ssyncset.done $0x0  }
0x15: {  	[sflag:s13] =	ssyncadd.s32 $0xFFFFD800  }
0x16: {  	s24 =	simm.s32 $0x0;
	[bflag:$0x0] =	sbarrier.arrive $0xFFFF  }
.LBB2_2:
0x17: {  	s25 =	smul.u32 $0x28, s24;
	_ =	sdelay $0x1  }
0x18: {  	s25 =	sadd.s32 s8, s25  }
0x19: {  	s25 =	sshll.u32 s25, $0x4  }
0x1a: {  	s28 =	simm.s32 $0x0;
	s26 =	sadd.s32 s5, s25  }
0x1b: {  	[tilespmem:s14], [sflag:$0x3] =	stream.linear.gather [hbm4b:s26+s28], $0x1400, $0x38;
	[tilespmem:$0x1E800] =	vst v63  }
0x1c: {  	_ =	swait.ge [sflag:s13], $0x1400  }
0x1d: {  	[sflag:s13] =	ssyncset.done $0x0  }
0x1e: {  	s25 =	sadd.s32 s6, s25;
	[sflag:s13] =	ssyncadd.s32 $0xFFFFEC00  }
0x1f: {  	[tilespmem:s15], [sflag:$0x3] =	stream.linear.gather [hbm4b:s25+s28], $0x1400, $0x38;
	[tilespmem:$0x1E800] =	vst v63  }
0x20: {  	_ =	swait.ge [sflag:s13], $0x1400  }
0x21: {  	[sflag:s13] =	ssyncset.done $0x0  }
0x22: {  	[sflag:s13] =	ssyncadd.s32 $0xFFFFEC00  }
0x23: {  	[tilespmem:s17], [sflag:$0x1] =	stream.indirect.gather [hbm4b:s4+s16], $0x80, s14, s16, $0xb8;
	[tilespmem:$0x1E800] =	vst v63  }
0x24: {  	s28 =	simm.s32 $0x14080  }
0x25: {  	[tilespmem:s18], [sflag:$0x2] =	stream.indirect.gather [hbm4b:s4+s16], $0x80, s28, s16, $0xb8;
	[tilespmem:$0x1E800] =	vst v63  }
0x26: {  	_ =	swait.ge [sflag:s19], $0x4000  }
0x27: {  	[sflag:s19] =	ssyncset.done $0x0  }
0x28: {  	s29 =	simm.s32 $0x15400;
	[sflag:s19] =	ssyncadd.s32 $0xFFFFC000  }
0x29: {  	[spmem:s1] =	stream.indirect.scatter.add.f32 [tilespmem:s17], [sflag:$0x3], $0x80, s29, s16, $0xb8;
	[tilespmem:$0x1E800] =	vst v63  }
0x2a: {  	_ =	swait.ge [sflag:s13], $0x4000  }
0x2b: {  	[sflag:s13] =	ssyncset.done $0x0  }
0x2c: {  	s30 =	simm.s32 $0x14100;
	[sflag:s13] =	ssyncadd.s32 $0xFFFFC000  }
0x2d: {  	[tilespmem:s17], [sflag:$0x1] =	stream.indirect.gather [hbm4b:s4+s16], $0x80, s30, s16, $0xb8;
	[tilespmem:$0x1E800] =	vst v63  }
0x2e: {  	_ =	swait.ge [sflag:s20], $0x4000  }
0x2f: {  	[sflag:s20] =	ssyncset.done $0x0  }
0x30: {  	s31 =	simm.s32 $0x15480;
	[sflag:s20] =	ssyncadd.s32 $0xFFFFC000  }
0x31: {  	[spmem:s1] =	stream.indirect.scatter.add.f32 [tilespmem:s18], [sflag:$0x3], $0x80, s31, s16, $0xb8;
	[tilespmem:$0x1E800] =	vst v63  }
0x32: {  	_ =	swait.ge [sflag:s13], $0x4000  }
0x33: {  	s26 =	simm.s32 $0x800;
	s25 =	simm.s32 $0x100;
	[sflag:s13] =	ssyncset.done $0x0  }
.LBB2_3:
0x34: {  	s28 =	sadd.s32 $0x14080, s25  }
0x35: {  	[sflag:s13] =	ssyncadd.s32 $0xFFFFC000;
	s29 =	smov.u32 s26;
	s30 =	sadd.s32 $0x400, s26  }
0x36: {  	[tilespmem:s18], [sflag:$0x2] =	stream.indirect.gather [hbm4b:s4+s16], $0x80, s28, s16, $0xb8;
	[tilespmem:$0x1E800] =	vst v63  }
0x37: {  	p1 =	sne.s32 s26, $0x4800;
	_ =	swait.ge [sflag:s19], $0x4000  }
0x38: {  	[sflag:s19] =	ssyncset.done $0x0  }
0x39: {  	s26 =	sadd.s32 $0x15400, s25;
	[sflag:s19] =	ssyncadd.s32 $0xFFFFC000  }
0x3a: {  	[spmem:s1] =	stream.indirect.scatter.add.f32 [tilespmem:s17], [sflag:$0x3], $0x80, s26, s16, $0xb8;
	[tilespmem:$0x1E800] =	vst v63  }
0x3b: {  	_ =	swait.ge [sflag:s13], $0x4000  }
0x3c: {  	[sflag:s13] =	ssyncset.done $0x0  }
0x3d: {  	s26 =	sadd.s32 $0x14100, s25;
	[sflag:s13] =	ssyncadd.s32 $0xFFFFC000  }
0x3e: {  	[tilespmem:s17], [sflag:$0x1] =	stream.indirect.gather [hbm4b:s4+s16], $0x80, s26, s16, $0xb8;
	[tilespmem:$0x1E800] =	vst v63  }
0x3f: {  	_ =	swait.ge [sflag:s20], $0x4000  }
.Ltmp0:
0x40: {  	[sflag:s20] =	ssyncset.done $0x0;
	(pc) =	sbr.rel @p1 .LBB2_3-.Ltmp0, $4  }
0x41: {  	s25 =	sadd.s32 $0x15480, s25;
	[sflag:s20] =	ssyncadd.s32 $0xFFFFC000  }
0x42: {  	[spmem:s1] =	stream.indirect.scatter.add.f32 [tilespmem:s18], [sflag:$0x3], $0x80, s25, s16, $0xb8;
	[tilespmem:$0x1E800] =	vst v63  }
0x43: {  	_ =	swait.ge [sflag:s13], $0x4000  }
0x44: {  	s26 =	smov.u32 s30;
	s25 =	sshra.s32 s29, $0x2;
	[sflag:s13] =	ssyncset.done $0x0  }
0x45: {  	s26 =	sadd.s32 $0x14080, s25;
	[sflag:s13] =	ssyncadd.s32 $0xFFFFC000  }
0x46: {  	[tilespmem:s18], [sflag:$0x2] =	stream.indirect.gather [hbm4b:s4+s16], $0x80, s26, s16, $0xb8;
	[tilespmem:$0x1E800] =	vst v63  }
0x47: {  	_ =	swait.ge [sflag:s19], $0x4000  }
0x48: {  	[sflag:s19] =	ssyncset.done $0x0  }
0x49: {  	s29 =	sadd.s32 $0x15400, s25;
	[sflag:s19] =	ssyncadd.s32 $0xFFFFC000  }
0x4a: {  	[spmem:s1] =	stream.indirect.scatter.add.f32 [tilespmem:s17], [sflag:$0x3], $0x80, s29, s16, $0xb8;
	[tilespmem:$0x1E800] =	vst v63  }
0x4b: {  	_ =	swait.ge [sflag:s13], $0x4000  }
0x4c: {  	[sflag:s13] =	ssyncset.done $0x0  }
0x4d: {  	s30 =	sadd.s32 $0x14100, s25;
	[sflag:s13] =	ssyncadd.s32 $0xFFFFC000  }
0x4e: {  	[tilespmem:s17], [sflag:$0x1] =	stream.indirect.gather [hbm4b:s4+s16], $0x80, s30, s16, $0xb8;
	[tilespmem:$0x1E800] =	vst v63  }
0x4f: {  	_ =	swait.ge [sflag:s20], $0x4000  }
0x50: {  	[sflag:s20] =	ssyncset.done $0x0  }
0x51: {  	s31 =	sadd.s32 $0x15480, s25;
	[sflag:s20] =	ssyncadd.s32 $0xFFFFC000  }
0x52: {  	[spmem:s1] =	stream.indirect.scatter.add.f32 [tilespmem:s18], [sflag:$0x3], $0x80, s31, s16, $0xb8;
	[tilespmem:$0x1E800] =	vst v63  }
0x53: {  	_ =	swait.ge [sflag:s13], $0x4000  }
0x54: {  	[sflag:s13] =	ssyncset.done $0x0  }
0x55: {  	[sflag:s13] =	ssyncadd.s32 $0xFFFFC000  }
0x56: {  	[tilespmem:s18], [sflag:$0x2] =	stream.indirect.gather [hbm4b:s4+s16], $0x80, s21, s16, $0xb8;
	[tilespmem:$0x1E800] =	vst v63  }
0x57: {  	_ =	swait.ge [sflag:s19], $0x4000  }
0x58: {  	[sflag:s19] =	ssyncset.done $0x0  }
0x59: {  	[sflag:s19] =	ssyncadd.s32 $0xFFFFC000  }
0x5a: {  	[spmem:s1] =	stream.indirect.scatter.add.f32 [tilespmem:s17], [sflag:$0x3], $0x80, s22, s16, $0xb8;
	[tilespmem:$0x1E800] =	vst v63  }
0x5b: {  	_ =	swait.ge [sflag:s13], $0x4000  }
0x5c: {  	[sflag:s13] =	ssyncset.done $0x0  }
0x5d: {  	[sflag:s13] =	ssyncadd.s32 $0xFFFFC000  }
0x5e: {  	p1 =	slt.u32 @!p0 s24, $0x2;
	_ =	swait.ge [sflag:s20], $0x4000  }
0x5f: {  	p1 =	por p0, !p1;
	[sflag:s20] =	ssyncset.done $0x0  }
.Ltmp1:
0x60: {  	[sflag:s20] =	ssyncadd.s32 $0xFFFFC000;
	(pc) =	sbr.rel @!p1 .LBB2_2-.Ltmp1, $4  }
0x61: {  	[spmem:s1] =	stream.indirect.scatter.add.f32 [tilespmem:s18], [sflag:$0x3], $0x80, s23, s16, $0xb8;
	[tilespmem:$0x1E800] =	vst v63  }
0x62: {  	_ =	swait.ge [sflag:s13], $0x4000  }
0x63: {  	[sflag:s13] =	ssyncset.done $0x0  }
0x64: {  	s24 =	sadd.s32 $0x1, s24;
	[sflag:s13] =	ssyncadd.s32 $0xFFFFC000  }
0x65: {  	s3 =	sadd.s32 $0x1, s3  }
0x66: {  	p1 =	sne.s32 s3, s11  }
.Ltmp2:
0x67: {  	[bflag:$0x0] =	sbarrier.arrive $0xFFFF;
	(pc) =	sbr.rel @p1 .LBB2_1-.Ltmp2, $4  }
0x68: {  	[hbm:s10], [sflag:s9] =	dma.local [spmem:s12], $0x2800  }
0x69: {  	_ =	swait.ge [sflag:s13], $0x2800  }
0x6a: {  	[sflag:s13] =	ssyncset.done $0x0  }
0x6b: {  	[sflag:s13] =	ssyncadd.s32 $0xFFFFD800  }
0x6c: {  	_ =	sfence.sel $0x180000  }
0x6d: {  	[bflag:$0x0] =	sbarrier.arrive $0xFFFF  }
0x6e: {  	p0 =	sne.s32 s2, $0x0;
	_ =	strace $0x90000050  }
0x6f: {  	s0 =	sadd.s32 @!p0 $0x100000, s0;
	[bflag:$0x2] =	sbarrier.arrive $0xFFFF  }
0x70: {  	[sflag:s0] =	ssyncadd.tile.s32 @!p0 $0x1;
	_ =	shalt  }
.Lfunc_end2:
_tile_overlayer_lowered:
.L_overlay_start_2:
0x71: {  	(tag) =	ssettag $0x2  }
0x72: {  	s0 =	rddreg [dreg:$0x0];
	s2 =	stileid.u32  }
0x73: {  	s1 =	rddreg [dreg:$0x1];
	p0 =	sne.s32 s2, $0x0  }
0x74: {  	s3 =	rddreg [dreg:$0x2];
	[bflag:$0x3] =	sbarrier.arrive $0xFFFF;
	s2 =	simm.s32 @!p0 $0x1C03  }
0x75: {  	[timem:s3], [sflag:s2] =	dma.local @!p0 [hbm:s0], s1  }
0x76: {  	s0 =	simm.s32 @!p0 $0x3  }
0x77: {  	_ =	swait.ge @!p0 [sflag:s0], s1  }
0x78: {  	s1 =	ssub.s32 @!p0 $0x0, s1;
	[sflag:s0] =	ssyncset.done @!p0 $0x0  }
0x79: {  	[sflag:s0] =	ssyncadd.s32 @!p0 s1  }
0x7a: {  	[bflag:$0x3] =	sbarrier.arrive $0xFFFF  }
0x7b: {  	_ =	shalt  }

</sc_bundles>
